<compile_context>
chip_gen: v7x
topology: tpu7x:2x2x1
jax: 0.10.2.dev20260603
libtpu: 0.0.44.dev20260713+nightly
codegen_flags: <defaults>
</compile_context>

<pallas_src>
import functools

import jax
import jax.numpy as jnp
from jax import lax
from jax.experimental import pallas as pl
from jax.experimental.pallas import tpu as pltpu
from jax.experimental.pallas import tpu_sc as plsc

NC, NS = 2, 16
NW = NC * NS
H_ROWS = 16
Z_CHUNK = 2000
G_ROWS = 16
G_CHUNK = G_ROWS * 128
VT = 4000
VP = 100352
VTC = 2048
EPS = 1e-5


def _sc_mesh():
    return plsc.VectorSubcoreMesh(core_axis_name="c", subcore_axis_name="s")


def _histogram(v2p2d, n_vox):
    n_rows = v2p2d.shape[0]
    n_full = n_rows // H_ROWS
    tail_rows = n_rows - n_full * H_ROWS
    n_chunks = n_full + (1 if tail_rows else 0)
    chunks_per_w = (n_chunks + NW - 1) // NW
    nz = n_vox // Z_CHUNK
    z_per_tile = (nz + NS - 1) // NS

    @functools.partial(
        pl.kernel,
        out_type=jax.ShapeDtypeStruct((NC * n_vox,), jnp.float32),
        mesh=_sc_mesh(),
        scratch_types=[pltpu.VMEM_SHARED((n_vox,), jnp.float32),
                       pltpu.VMEM((H_ROWS, 128), jnp.int32),
                       pltpu.VMEM((Z_CHUNK,), jnp.float32)])
    def hist_kernel(idx_hbm, hist_hbm, counts_s, idx_v, buf_v):
        cid = lax.axis_index("c")
        sid = lax.axis_index("s")
        wid = sid * NC + cid

        @pl.loop(0, Z_CHUNK, step=16)
        def _(i):
            buf_v[pl.ds(i, 16)] = jnp.zeros((16,), jnp.float32)

        @pl.loop(0, z_per_tile)
        def _(j):
            k = sid + NS * j

            @pl.when(k < nz)
            def _():
                pltpu.sync_copy(buf_v, counts_s.at[pl.ds(k * Z_CHUNK, Z_CHUNK)])

        plsc.subcore_barrier()

        @pl.loop(0, 128, step=16)
        def _(i):
            buf_v[pl.ds(i, 16)] = jnp.ones((16,), jnp.float32)

        def do_chunk(row_base, rows):
            pltpu.sync_copy(idx_hbm.at[pl.ds(row_base, rows)],
                            idx_v.at[pl.ds(0, rows)])

            @pl.loop(0, rows)
            def _(r):
                pltpu.sync_copy(buf_v.at[pl.ds(0, 128)],
                                counts_s.at[idx_v.at[r]], add=True)

        @pl.loop(0, chunks_per_w)
        def _(j):
            c = wid + NW * j

            @pl.when(c < n_full)
            def _():
                do_chunk(c * H_ROWS, H_ROWS)

            if tail_rows:
                @pl.when(c == n_full)
                def _():
                    do_chunk(n_full * H_ROWS, tail_rows)

        plsc.subcore_barrier()

        @pl.loop(0, z_per_tile)
        def _(j):
            k = sid + NS * j

            @pl.when(k < nz)
            def _():
                pltpu.sync_copy(counts_s.at[pl.ds(k * Z_CHUNK, Z_CHUNK)],
                                buf_v)
                pltpu.sync_copy(
                    buf_v,
                    hist_hbm.at[pl.ds(cid * n_vox + k * Z_CHUNK, Z_CHUNK)])

    return hist_kernel(v2p2d)


def _gather_planes(table_flat, v2p, d):
    n_pts = v2p.shape[0]
    n_vox = table_flat.shape[0] // d
    n_full = n_pts // G_CHUNK
    tail = n_pts - n_full * G_CHUNK
    tail_rows = tail // 128
    n_chunks = n_full + (1 if tail else 0)
    chunks_per_w = (n_chunks + NW - 1) // NW
    tbl = d * n_vox
    cp_full = tbl // G_CHUNK
    cp_tail = tbl - cp_full * G_CHUNK
    n_cp = cp_full + (1 if cp_tail else 0)
    cp_per_s = (n_cp + NS - 1) // NS

    @functools.partial(
        pl.kernel,
        out_type=jax.ShapeDtypeStruct((d * n_pts,), jnp.float32),
        mesh=_sc_mesh(),
        scratch_types=[pltpu.VMEM((G_CHUNK,), jnp.int32),
                       pltpu.VMEM((G_CHUNK,), jnp.float32),
                       pltpu.VMEM_SHARED((d * n_vox,), jnp.float32),
                       pltpu.SemaphoreType.DMA])
    def gather_kernel(table_hbm, idx_hbm, out_hbm, idx_v, vals_v, table_s,
                      sem):
        sid = lax.axis_index("s")
        wid = sid * NC + lax.axis_index("c")

        def cp_in(base, n):
            pltpu.sync_copy(table_hbm.at[pl.ds(base, n)],
                            vals_v.at[pl.ds(0, n)])
            pltpu.sync_copy(vals_v.at[pl.ds(0, n)],
                            table_s.at[pl.ds(base, n)])

        @pl.loop(0, cp_per_s)
        def _(j):
            k = sid + NS * j

            @pl.when(k < cp_full)
            def _():
                cp_in(k * G_CHUNK, G_CHUNK)

            if cp_tail:
                @pl.when(k == cp_full)
                def _():
                    cp_in(cp_full * G_CHUNK, cp_tail)

        plsc.subcore_barrier()

        def do_chunk(base, rows):
            n = rows * 128
            pltpu.sync_copy(idx_hbm.at[pl.ds(base, n)], idx_v.at[pl.ds(0, n)])

            for c in range(d):
                plane = table_s.at[pl.ds(c * n_vox, n_vox)]

                @pl.loop(0, rows)
                def _(r):
                    pltpu.async_copy(
                        plane.at[idx_v.at[pl.ds(r * 128, 128)]],
                        vals_v.at[pl.ds(r * 128, 128)], sem)

                @pl.loop(0, rows)
                def _(r):
                    pltpu.make_async_copy(
                        plane.at[idx_v.at[pl.ds(r * 128, 128)]],
                        vals_v.at[pl.ds(r * 128, 128)], sem).wait()

                pltpu.sync_copy(vals_v.at[pl.ds(0, n)],
                                out_hbm.at[pl.ds(c * n_pts + base, n)])

        @pl.loop(0, chunks_per_w)
        def _(j):
            c = wid + NW * j

            @pl.when(c < n_full)
            def _():
                do_chunk(c * G_CHUNK, G_ROWS)

            if tail:
                @pl.when(c == n_full)
                def _():
                    do_chunk(n_full * G_CHUNK, tail_rows)

    return gather_kernel(table_flat, v2p)


def _stats1(feat, hist3d, wc):
    n_vox, cin = feat.shape
    nt = n_vox // VT
    c1 = wc.shape[1]

    def body(feat_ref, h_ref, wc_ref, s1_ref, s2_ref):
        t = pl.program_id(0)
        cnt = jnp.sum(h_ref[:, pl.ds(t, 1), :], axis=0)
        hv = jnp.dot(feat_ref[...].astype(jnp.bfloat16),
                     wc_ref[...].astype(jnp.bfloat16),
                     preferred_element_type=jnp.float32)
        p1 = jnp.dot(cnt, hv, preferred_element_type=jnp.float32)
        p2 = jnp.dot(cnt, hv * hv, preferred_element_type=jnp.float32)

        @pl.when(t == 0)
        def _():
            s1_ref[...] = jnp.zeros_like(s1_ref)
            s2_ref[...] = jnp.zeros_like(s2_ref)

        s1_ref[...] += p1
        s2_ref[...] += p2

    return pl.pallas_call(
        body,
        grid=(nt,),
        in_specs=[
            pl.BlockSpec((VT, cin), lambda t: (t, 0)),
            pl.BlockSpec((NC, nt, VT), lambda t: (0, 0, 0)),
            pl.BlockSpec((cin, c1), lambda t: (0, 0)),
        ],
        out_specs=[
            pl.BlockSpec((1, c1), lambda t: (0, 0)),
            pl.BlockSpec((1, c1), lambda t: (0, 0)),
        ],
        out_shape=[
            jax.ShapeDtypeStruct((1, c1), jnp.float32),
            jax.ShapeDtypeStruct((1, c1), jnp.float32),
        ],
    )(feat, hist3d, wc)


def _pass_b(feat, hist3d, wc, w2, aff1_a, aff1_b, a1):
    n_vox, cin = feat.shape
    nt = n_vox // VT
    c1 = wc.shape[1]
    c2 = w2.shape[1]

    def body(feat_ref, h_ref, wc_ref, w2_ref, a_ref, b_ref, s_ref,
             h2_ref, t1_ref, t2_ref):
        t = pl.program_id(0)
        cnt = jnp.sum(h_ref[:, pl.ds(t, 1), :], axis=0)
        hv = jnp.dot(feat_ref[...].astype(jnp.bfloat16),
                     wc_ref[...].astype(jnp.bfloat16),
                     preferred_element_type=jnp.float32)
        y = hv * a_ref[...] + b_ref[...]
        z = jnp.where(y >= 0, y, s_ref[0, 0] * y)
        h2 = jnp.dot(z.astype(jnp.bfloat16), w2_ref[...].astype(jnp.bfloat16),
                     preferred_element_type=jnp.float32)
        h2_ref[...] = h2
        p1 = jnp.dot(cnt, h2, preferred_element_type=jnp.float32)
        p2 = jnp.dot(cnt, h2 * h2, preferred_element_type=jnp.float32)

        @pl.when(t == 0)
        def _():
            t1_ref[...] = jnp.zeros_like(t1_ref)
            t2_ref[...] = jnp.zeros_like(t2_ref)

        t1_ref[...] += p1
        t2_ref[...] += p2

    return pl.pallas_call(
        body,
        grid=(nt,),
        in_specs=[
            pl.BlockSpec((VT, cin), lambda t: (t, 0)),
            pl.BlockSpec((NC, nt, VT), lambda t: (0, 0, 0)),
            pl.BlockSpec((cin, c1), lambda t: (0, 0)),
            pl.BlockSpec((c1, c2), lambda t: (0, 0)),
            pl.BlockSpec((1, c1), lambda t: (0, 0)),
            pl.BlockSpec((1, c1), lambda t: (0, 0)),
            pl.BlockSpec((1, 1), lambda t: (0, 0)),
        ],
        out_specs=[
            pl.BlockSpec((VT, c2), lambda t: (t, 0)),
            pl.BlockSpec((1, c2), lambda t: (0, 0)),
            pl.BlockSpec((1, c2), lambda t: (0, 0)),
        ],
        out_shape=[
            jax.ShapeDtypeStruct((VP, c2), jnp.float32),
            jax.ShapeDtypeStruct((1, c2), jnp.float32),
            jax.ShapeDtypeStruct((1, c2), jnp.float32),
        ],
    )(feat, hist3d, wc, w2, aff1_a, aff1_b, a1)


def _pass_c(h2, w3, b3, aff2_a, aff2_b, a2):
    vp, c2 = h2.shape
    nt = vp // VTC
    d = w3.shape[1]

    def body(h2_ref, w3_ref, b3_ref, a_ref, b_ref, s_ref, out_ref):
        y = h2_ref[...] * a_ref[...] + b_ref[...]
        z = jnp.where(y >= 0, y, s_ref[0, 0] * y)
        zt = lax.dot_general(w3_ref[...], z, (((0,), (1,)), ((), ())),
                             preferred_element_type=jnp.float32)
        out_ref[...] = zt + b3_ref[...]

    return pl.pallas_call(
        body,
        grid=(nt,),
        in_specs=[
            pl.BlockSpec((VTC, c2), lambda t: (t, 0)),
            pl.BlockSpec((c2, d), lambda t: (0, 0)),
            pl.BlockSpec((d, 1), lambda t: (0, 0)),
            pl.BlockSpec((1, c2), lambda t: (0, 0)),
            pl.BlockSpec((1, c2), lambda t: (0, 0)),
            pl.BlockSpec((1, 1), lambda t: (0, 0)),
        ],
        out_specs=pl.BlockSpec((d, VTC), lambda t: (0, t)),
        out_shape=jax.ShapeDtypeStruct((d, vp), jnp.float32),
    )(h2, w3, b3, aff2_a, aff2_b, a2)


def kernel(feat_voxel, xyz_voxel, v2p_v1, W_backbone, W1, g1, b1, a1,
           W2, g2, b2, a2, W3, b3):
    del xyz_voxel
    n_pts = v2p_v1.shape[0]
    n_vox = feat_voxel.shape[0]
    n_pts_f = jnp.float32(n_pts)

    wc = jnp.dot(W_backbone, W1,
                 preferred_element_type=jnp.float32).astype(jnp.bfloat16)
    feat16 = feat_voxel.astype(jnp.bfloat16)
    w2_16 = W2.astype(jnp.bfloat16)
    d = W3.shape[1]
    b3p = b3.reshape(-1, 1)

    hist = _histogram(v2p_v1.reshape(-1, 128), n_vox)
    hist3d = hist.reshape(NC, n_vox // VT, VT)

    s1, s2 = _stats1(feat16, hist3d, wc)
    mean1 = s1 / n_pts_f
    var1 = s2 / n_pts_f - mean1 * mean1
    aff1_a = g1.reshape(1, -1) / jnp.sqrt(var1 + EPS)
    aff1_b = b1.reshape(1, -1) - mean1 * aff1_a

    h2, t1, t2 = _pass_b(feat16, hist3d, wc, w2_16, aff1_a, aff1_b,
                         a1.reshape(1, 1))
    mean2 = t1 / n_pts_f
    var2 = t2 / n_pts_f - mean2 * mean2
    aff2_a = g2.reshape(1, -1) / jnp.sqrt(var2 + EPS)
    aff2_b = b2.reshape(1, -1) - mean2 * aff2_a

    table_t = _pass_c(h2, W3, b3p, aff2_a, aff2_b, a2.reshape(1, 1))

    out_t = _gather_planes(table_t.reshape(-1), v2p_v1, d)
    return out_t.reshape(d, n_pts).T

# --- scband reference (transcript-rebuilt; emitter-appended) ---
"""Pipeline reference for scband-ponet-10694468567220 (READ-ONLY COPY).

The authoritative reference and input builder live on the scoring server;
editing this copy changes nothing except your own understanding.
"""

import jax, jax.numpy as jnp
import numpy as np


def _bn(x, gamma, beta, eps=1e-5):
    mean = jnp.mean(x, axis=0)
    var = jnp.var(x, axis=0)
    return gamma * (x - mean) / jnp.sqrt(var + eps) + beta


def _prelu(x, a):
    return jnp.where(x >= 0, x, a * x)


def setup_inputs(seed: int = 0):
    key = jax.random.key(seed)
    ks = jax.random.split(key, 16)
    N_vox = 100000
    N_pts = 400000
    Cin = 128
    Cout = 128
    feat_voxel = jax.random.normal(ks[0], (N_vox, Cin), dtype=jnp.float32)
    xyz_voxel = jax.random.randint(ks[1], (N_vox, 4), 0, 256, dtype=jnp.int32)
    v2p_v1 = jax.random.randint(ks[2], (N_pts,), 0, N_vox, dtype=jnp.int32)
    W_backbone = jax.random.normal(ks[3], (Cin, Cout), dtype=jnp.float32) * (1.0 / np.sqrt(Cin))
    W1 = jax.random.normal(ks[4], (Cout, Cout), dtype=jnp.float32) * (1.0 / np.sqrt(Cout))
    g1 = jnp.ones((Cout,), dtype=jnp.float32)
    b1 = jnp.zeros((Cout,), dtype=jnp.float32)
    a1 = jnp.full((1,), 0.25, dtype=jnp.float32)
    W2 = jax.random.normal(ks[5], (Cout, 16), dtype=jnp.float32) * (1.0 / np.sqrt(Cout))
    g2 = jnp.ones((16,), dtype=jnp.float32)
    b2 = jnp.zeros((16,), dtype=jnp.float32)
    a2 = jnp.full((1,), 0.25, dtype=jnp.float32)
    W3 = jax.random.normal(ks[6], (16, 6), dtype=jnp.float32) * (1.0 / np.sqrt(16))
    b3 = jnp.zeros((6,), dtype=jnp.float32)
    return {"feat_voxel": feat_voxel, "xyz_voxel": xyz_voxel, "v2p_v1": v2p_v1,
            "W_backbone": W_backbone, "W1": W1, "g1": g1, "b1": b1, "a1": a1,
            "W2": W2, "g2": g2, "b2": b2, "a2": a2, "W3": W3, "b3": b3}


def reference(feat_voxel, xyz_voxel, v2p_v1, W_backbone, W1, g1, b1, a1, W2, g2, b2, a2, W3, b3):
    # Backbone (MinkUNet34C approximated as a voxel-wise linear projection;
    # xyz_voxel carries sparse coordinates, unused in the dense approximation)
    voxel_feat = feat_voxel @ W_backbone
    # voxel -> point gather
    point_feat = jnp.take(voxel_feat, v2p_v1, axis=0)
    # linear_offset head: Linear -> BN -> PReLU -> Linear -> BN -> PReLU -> Linear
    h = point_feat @ W1
    h = _prelu(_bn(h, g1, b1), a1)
    h = h @ W2
    h = _prelu(_bn(h, g2, b2), a2)
    pred_offset = h @ W3 + b3
    return pred_offset

if __name__ == "__main__":
    import jax
    _d = setup_inputs()
    print(jax.jit(kernel)(*tuple(_d.values())))

</pallas_src>

<mosaic_0001>
#map = affine_map<(d0, d1) -> (0, 0)>
#map1 = affine_map<(d0, d1) -> (0)>
module attributes {stable_mosaic.version = 14 : i64} {
  func.func @hist_kernel(%arg0: i32, %arg1: i32, %arg2: memref<3125x128xi32, #tpu.memory_space<hbm>>, %arg3: memref<200000xf32, #tpu.memory_space<hbm>>, %arg4: memref<100000xf32, #tpu.memory_space<vmem_shared>>, %arg5: memref<16x128xi32, #tpu.memory_space<vmem>>, %arg6: memref<2000xf32, #tpu.memory_space<vmem>>) attributes {dimension_semantics = [#tpu.dimension_semantics<core_parallel>, #tpu.dimension_semantics<subcore_parallel>], iteration_bounds = array<i64: 2, 16>, scalar_prefetch = 0 : i64, scratch_operands = 3 : i64, tpu.core_type = #tpu.core_type<sc_vector_subcore>, window_params = [{transform_indices = #map}, {transform_indices = #map1}]} {
    %mul3A = arith.constant 2 : i32
    %mul3A_0 = arith.muli %arg1, %mul3A : i32
    %add3A = arith.addi %mul3A_0, %arg0 : i32
    %scan3A = arith.constant 0 : i32
    %scan3A_1 = arith.constant 125 : i32
    %scan3A_2 = arith.addi %scan3A, %scan3A_1 : i32
    %scan3A_3 = arith.constant 1 : i32
    scf.for %scan3A_26 = %scan3A to %scan3A_2 step %scan3A_3  : i32 {
      %mul3A_27 = arith.constant 16 : i32
      %mul3A_28 = arith.muli %scan3A_26, %mul3A_27 : i32
      %add3A_29 = arith.constant 0 : i32
      %add3A_30 = arith.addi %add3A_29, %mul3A_28 : i32
      %broadcast_in_dim3A = arith.constant 0.000000e+00 : f32
      %broadcast_in_dim3A_31 = vector.broadcast %broadcast_in_dim3A : f32 to vector<16xf32>
      %swap3A = arith.index_cast %add3A_30 : i32 to index
      %swap3A_32 = tpu.vector_load %arg6[%swap3A] {strides = array<i32>} : memref<2000xf32, #tpu.memory_space<vmem>>, vector<16xf32>,
      %swap3A_33 = vector.shape_cast %swap3A_32 : vector<16xf32> to vector<16xf32>
      %swap3A_34 = vector.shape_cast %broadcast_in_dim3A_31 : vector<16xf32> to vector<16xf32>
      tpu.vector_store %arg6[%swap3A], %swap3A_34 {strides = array<i32>} : memref<2000xf32, #tpu.memory_space<vmem>>, vector<16xf32>,
    }
    %scan3A_4 = arith.constant 125 : i32
    %scan3A_5 = arith.constant 0 : i32
    %scan3A_6 = arith.constant 4 : i32
    %scan3A_7 = arith.addi %scan3A_5, %scan3A_6 : i32
    %scan3A_8 = arith.constant 1 : i32
    scf.for %scan3A_26 = %scan3A_5 to %scan3A_7 step %scan3A_8  : i32 {
      %mul3A_27 = arith.constant 1 : i32
      %mul3A_28 = arith.muli %scan3A_26, %mul3A_27 : i32
      %add3A_29 = arith.constant 0 : i32
      %add3A_30 = arith.addi %add3A_29, %mul3A_28 : i32
      %mul3A_31 = arith.constant 16 : i32
      %mul3A_32 = arith.muli %mul3A_31, %add3A_30 : i32
      %add3A_33 = arith.addi %arg1, %mul3A_32 : i32
      %lt3A = arith.constant 50 : i32
      %lt3A_34 = arith.cmpi slt, %add3A_33, %lt3A : i32
      %convert_element_type3A = arith.extui %lt3A_34 : i1 to i32
      %cond3A = arith.constant 0 : i32
      %cond3A_35 = arith.cmpi ne, %convert_element_type3A, %cond3A : i32
      scf.if %cond3A_35 {
        %mul3A_36 = arith.constant 2000 : i32
        %mul3A_37 = arith.muli %add3A_33, %mul3A_36 : i32
        "tpu.region"() ({
          %run_scoped3A = tpu.sem_alloc : memref<!tpu.dma_semaphore, #tpu.memory_space<semaphore_mem>>
          %dma_start3A = tpu.memref_slice %arg4[%mul3A_37] : memref<100000xf32, #tpu.memory_space<vmem_shared>> -> memref<2000xf32, #tpu.memory_space<vmem_shared>>
          %dma_start3A_38 = tpu.memref_slice %arg4[%mul3A_37] : memref<100000xf32, #tpu.memory_space<vmem_shared>> -> memref<2000xf32, #tpu.memory_space<vmem_shared>>
          tpu.enqueue_dma source(%arg6 : memref<2000xf32, #tpu.memory_space<vmem>>) target(%dma_start3A_38 : memref<2000xf32, #tpu.memory_space<vmem_shared>>) target_semaphore(%run_scoped3A : memref<!tpu.dma_semaphore, #tpu.memory_space<semaphore_mem>>)
          %dma_wait3A = tpu.memref_slice %arg4[%mul3A_37] : memref<100000xf32, #tpu.memory_space<vmem_shared>> -> memref<2000xf32, #tpu.memory_space<vmem_shared>>
          %dma_wait3A_39 = tpu.memref_slice %arg4[%mul3A_37] : memref<100000xf32, #tpu.memory_space<vmem_shared>> -> memref<2000xf32, #tpu.memory_space<vmem_shared>>
          tpu.wait_dma2 semaphore(%run_scoped3A : memref<!tpu.dma_semaphore, #tpu.memory_space<semaphore_mem>>) src(%arg6 : memref<2000xf32, #tpu.memory_space<vmem>>) dst(%dma_wait3A_39 : memref<2000xf32, #tpu.memory_space<vmem_shared>>)
          tpu.yield
        }) : () -> ()
      } else {
      }
    }
    %scan3A_9 = arith.constant 4 : i32
    %barrier3A = arith.constant 0 : index
    tpu.barrier barrier_id(%barrier3A)
    %scan3A_10 = arith.constant 0 : i32
    %scan3A_11 = arith.constant 8 : i32
    %scan3A_12 = arith.addi %scan3A_10, %scan3A_11 : i32
    %scan3A_13 = arith.constant 1 : i32
    scf.for %scan3A_26 = %scan3A_10 to %scan3A_12 step %scan3A_13  : i32 {
      %mul3A_27 = arith.constant 16 : i32
      %mul3A_28 = arith.muli %scan3A_26, %mul3A_27 : i32
      %add3A_29 = arith.constant 0 : i32
      %add3A_30 = arith.addi %add3A_29, %mul3A_28 : i32
      %broadcast_in_dim3A = arith.constant 1.000000e+00 : f32
      %broadcast_in_dim3A_31 = vector.broadcast %broadcast_in_dim3A : f32 to vector<16xf32>
      %swap3A = arith.index_cast %add3A_30 : i32 to index
      %swap3A_32 = tpu.vector_load %arg6[%swap3A] {strides = array<i32>} : memref<2000xf32, #tpu.memory_space<vmem>>, vector<16xf32>,
      %swap3A_33 = vector.shape_cast %swap3A_32 : vector<16xf32> to vector<16xf32>
      %swap3A_34 = vector.shape_cast %broadcast_in_dim3A_31 : vector<16xf32> to vector<16xf32>
      tpu.vector_store %arg6[%swap3A], %swap3A_34 {strides = array<i32>} : memref<2000xf32, #tpu.memory_space<vmem>>, vector<16xf32>,
    }
    %scan3A_14 = arith.constant 8 : i32
    %scan3A_15 = arith.constant 0 : i32
    %scan3A_16 = arith.constant 7 : i32
    %scan3A_17 = arith.addi %scan3A_15, %scan3A_16 : i32
    %scan3A_18 = arith.constant 1 : i32
    scf.for %scan3A_26 = %scan3A_15 to %scan3A_17 step %scan3A_18  : i32 {
      %mul3A_27 = arith.constant 1 : i32
      %mul3A_28 = arith.muli %scan3A_26, %mul3A_27 : i32
      %add3A_29 = arith.constant 0 : i32
      %add3A_30 = arith.addi %add3A_29, %mul3A_28 : i32
      %mul3A_31 = arith.constant 32 : i32
      %mul3A_32 = arith.muli %mul3A_31, %add3A_30 : i32
      %add3A_33 = arith.addi %add3A, %mul3A_32 : i32
      %lt3A = arith.constant 195 : i32
      %lt3A_34 = arith.cmpi slt, %add3A_33, %lt3A : i32
      %convert_element_type3A = arith.extui %lt3A_34 : i1 to i32
      %cond3A = arith.constant 0 : i32
      %cond3A_35 = arith.cmpi ne, %convert_element_type3A, %cond3A : i32
      scf.if %cond3A_35 {
        %mul3A_40 = arith.constant 16 : i32
        %mul3A_41 = arith.muli %add3A_33, %mul3A_40 : i32
        "tpu.region"() ({
          %run_scoped3A = tpu.sem_alloc : memref<!tpu.dma_semaphore, #tpu.memory_space<semaphore_mem>>
          %dma_start3A = arith.constant 0 : i32
          %dma_start3A_47 = arith.constant 0 : i32
          %dma_start3A_48 = tpu.memref_slice %arg5[%dma_start3A, %dma_start3A_47] : memref<16x128xi32, #tpu.memory_space<vmem>> -> memref<16x128xi32, #tpu.memory_space<vmem>>
          %dma_start3A_49 = arith.constant 0 : i32
          %dma_start3A_50 = tpu.memref_slice %arg2[%mul3A_41, %dma_start3A_49] : memref<3125x128xi32, #tpu.memory_space<hbm>> -> memref<16x128xi32, #tpu.memory_space<hbm>>
          %dma_start3A_51 = arith.constant 0 : i32
          %dma_start3A_52 = arith.constant 0 : i32
          %dma_start3A_53 = tpu.memref_slice %arg5[%dma_start3A_51, %dma_start3A_52] : memref<16x128xi32, #tpu.memory_space<vmem>> -> memref<16x128xi32, #tpu.memory_space<vmem>>
          %dma_start3A_54 = arith.constant 0 : i32
          %dma_start3A_55 = tpu.memref_slice %arg2[%mul3A_41, %dma_start3A_54] : memref<3125x128xi32, #tpu.memory_space<hbm>> -> memref<16x128xi32, #tpu.memory_space<hbm>>
          tpu.enqueue_dma source(%dma_start3A_55 : memref<16x128xi32, #tpu.memory_space<hbm>>) target(%dma_start3A_53 : memref<16x128xi32, #tpu.memory_space<vmem>>) target_semaphore(%run_scoped3A : memref<!tpu.dma_semaphore, #tpu.memory_space<semaphore_mem>>)
          %dma_wait3A = arith.constant 0 : i32
          %dma_wait3A_56 = arith.constant 0 : i32
          %dma_wait3A_57 = tpu.memref_slice %arg5[%dma_wait3A, %dma_wait3A_56] : memref<16x128xi32, #tpu.memory_space<vmem>> -> memref<16x128xi32, #tpu.memory_space<vmem>>
          %dma_wait3A_58 = arith.constant 0 : i32
          %dma_wait3A_59 = tpu.memref_slice %arg2[%mul3A_41, %dma_wait3A_58] : memref<3125x128xi32, #tpu.memory_space<hbm>> -> memref<16x128xi32, #tpu.memory_space<hbm>>
          %dma_wait3A_60 = arith.constant 0 : i32
          %dma_wait3A_61 = arith.constant 0 : i32
          %dma_wait3A_62 = tpu.memref_slice %arg5[%dma_wait3A_60, %dma_wait3A_61] : memref<16x128xi32, #tpu.memory_space<vmem>> -> memref<16x128xi32, #tpu.memory_space<vmem>>
          %dma_wait3A_63 = arith.constant 0 : i32
          %dma_wait3A_64 = tpu.memref_slice %arg2[%mul3A_41, %dma_wait3A_63] : memref<3125x128xi32, #tpu.memory_space<hbm>> -> memref<16x128xi32, #tpu.memory_space<hbm>>
          tpu.wait_dma2 semaphore(%run_scoped3A : memref<!tpu.dma_semaphore, #tpu.memory_space<semaphore_mem>>) src(%dma_wait3A_64 : memref<16x128xi32, #tpu.memory_space<hbm>>) dst(%dma_wait3A_62 : memref<16x128xi32, #tpu.memory_space<vmem>>)
          tpu.yield
        }) : () -> ()
        %scan3A_42 = arith.constant 0 : i32
        %scan3A_43 = arith.constant 16 : i32
        %scan3A_44 = arith.addi %scan3A_42, %scan3A_43 : i32
        %scan3A_45 = arith.constant 1 : i32
        scf.for %scan3A_47 = %scan3A_42 to %scan3A_44 step %scan3A_45  : i32 {
          %mul3A_48 = arith.constant 1 : i32
          %mul3A_49 = arith.muli %scan3A_47, %mul3A_48 : i32
          %add3A_50 = arith.constant 0 : i32
          %add3A_51 = arith.addi %add3A_50, %mul3A_49 : i32
          "tpu.region"() ({
            %run_scoped3A = tpu.sem_alloc : memref<!tpu.dma_semaphore, #tpu.memory_space<semaphore_mem>>
            %dma_start3A = arith.constant 0 : i32
            %dma_start3A_52 = tpu.memref_slice %arg6[%dma_start3A] : memref<2000xf32, #tpu.memory_space<vmem>> -> memref<128xf32, #tpu.memory_space<vmem>>
            %dma_start3A_53 = arith.constant 0 : i32
            %dma_start3A_54 = tpu.memref_slice %arg5[%add3A_51, %dma_start3A_53] : memref<16x128xi32, #tpu.memory_space<vmem>> -> memref<1x128xi32, #tpu.memory_space<vmem>>
            %dma_start3A_55 = tpu.memref_squeeze %dma_start3A_54 : memref<1x128xi32, #tpu.memory_space<vmem>> -> memref<128xi32, #tpu.memory_space<vmem>>
            %dma_start3A_56 = arith.constant 0 : i32
            %dma_start3A_57 = tpu.memref_slice %arg4[%dma_start3A_56] : memref<100000xf32, #tpu.memory_space<vmem_shared>> -> memref<100000xf32, #tpu.memory_space<vmem_shared>>
            tpu.enqueue_indirect_dma source(%dma_start3A_52 : memref<128xf32, #tpu.memory_space<vmem>>) target(%dma_start3A_57 : memref<100000xf32, #tpu.memory_space<vmem_shared>>) offsets(%dma_start3A_55 : memref<128xi32, #tpu.memory_space<vmem>>) semaphore(%run_scoped3A : memref<!tpu.dma_semaphore, #tpu.memory_space<semaphore_mem>>) {add = true}
            %dma_wait3A = arith.constant 0 : i32
            %dma_wait3A_58 = tpu.memref_slice %arg6[%dma_wait3A] : memref<2000xf32, #tpu.memory_space<vmem>> -> memref<128xf32, #tpu.memory_space<vmem>>
            %dma_wait3A_59 = arith.constant 0 : i32
            %dma_wait3A_60 = tpu.memref_slice %arg5[%add3A_51, %dma_wait3A_59] : memref<16x128xi32, #tpu.memory_space<vmem>> -> memref<1x128xi32, #tpu.memory_space<vmem>>
            %dma_wait3A_61 = tpu.memref_squeeze %dma_wait3A_60 : memref<1x128xi32, #tpu.memory_space<vmem>> -> memref<128xi32, #tpu.memory_space<vmem>>
            %dma_wait3A_62 = arith.constant 0 : i32
            %dma_wait3A_63 = tpu.memref_slice %arg4[%dma_wait3A_62] : memref<100000xf32, #tpu.memory_space<vmem_shared>> -> memref<100000xf32, #tpu.memory_space<vmem_shared>>
            tpu.wait_indirect_dma semaphore(%run_scoped3A : memref<!tpu.dma_semaphore, #tpu.memory_space<semaphore_mem>>) src(%dma_wait3A_58 : memref<128xf32, #tpu.memory_space<vmem>>) dst(%dma_wait3A_63 : memref<100000xf32, #tpu.memory_space<vmem_shared>>)
            tpu.yield
          }) : () -> ()
        }
        %scan3A_46 = arith.constant 16 : i32
      } else {
      }
      %eq3A = arith.constant 195 : i32
      %eq3A_36 = arith.cmpi eq, %add3A_33, %eq3A : i32
      %convert_element_type3A_37 = arith.extui %eq3A_36 : i1 to i32
      %cond3A_38 = arith.constant 0 : i32
      %cond3A_39 = arith.cmpi ne, %convert_element_type3A_37, %cond3A_38 : i32
      scf.if %cond3A_39 {
        "tpu.region"() ({
          %run_scoped3A = tpu.sem_alloc : memref<!tpu.dma_semaphore, #tpu.memory_space<semaphore_mem>>
          %dma_start3A = arith.constant 0 : i32
          %dma_start3A_45 = arith.constant 0 : i32
          %dma_start3A_46 = tpu.memref_slice %arg5[%dma_start3A, %dma_start3A_45] : memref<16x128xi32, #tpu.memory_space<vmem>> -> memref<5x128xi32, #tpu.memory_space<vmem>>
          %dma_start3A_47 = arith.constant 3120 : i32
          %dma_start3A_48 = arith.constant 0 : i32
          %dma_start3A_49 = tpu.memref_slice %arg2[%dma_start3A_47, %dma_start3A_48] : memref<3125x128xi32, #tpu.memory_space<hbm>> -> memref<5x128xi32, #tpu.memory_space<hbm>>
          %dma_start3A_50 = arith.constant 0 : i32
          %dma_start3A_51 = arith.constant 0 : i32
          %dma_start3A_52 = tpu.memref_slice %arg5[%dma_start3A_50, %dma_start3A_51] : memref<16x128xi32, #tpu.memory_space<vmem>> -> memref<5x128xi32, #tpu.memory_space<vmem>>
          %dma_start3A_53 = arith.constant 3120 : i32
          %dma_start3A_54 = arith.constant 0 : i32
          %dma_start3A_55 = tpu.memref_slice %arg2[%dma_start3A_53, %dma_start3A_54] : memref<3125x128xi32, #tpu.memory_space<hbm>> -> memref<5x128xi32, #tpu.memory_space<hbm>>
          tpu.enqueue_dma source(%dma_start3A_55 : memref<5x128xi32, #tpu.memory_space<hbm>>) target(%dma_start3A_52 : memref<5x128xi32, #tpu.memory_space<vmem>>) target_semaphore(%run_scoped3A : memref<!tpu.dma_semaphore, #tpu.memory_space<semaphore_mem>>)
          %dma_wait3A = arith.constant 0 : i32
          %dma_wait3A_56 = arith.constant 0 : i32
          %dma_wait3A_57 = tpu.memref_slice %arg5[%dma_wait3A, %dma_wait3A_56] : memref<16x128xi32, #tpu.memory_space<vmem>> -> memref<5x128xi32, #tpu.memory_space<vmem>>
          %dma_wait3A_58 = arith.constant 3120 : i32
          %dma_wait3A_59 = arith.constant 0 : i32
          %dma_wait3A_60 = tpu.memref_slice %arg2[%dma_wait3A_58, %dma_wait3A_59] : memref<3125x128xi32, #tpu.memory_space<hbm>> -> memref<5x128xi32, #tpu.memory_space<hbm>>
          %dma_wait3A_61 = arith.constant 0 : i32
          %dma_wait3A_62 = arith.constant 0 : i32
          %dma_wait3A_63 = tpu.memref_slice %arg5[%dma_wait3A_61, %dma_wait3A_62] : memref<16x128xi32, #tpu.memory_space<vmem>> -> memref<5x128xi32, #tpu.memory_space<vmem>>
          %dma_wait3A_64 = arith.constant 3120 : i32
          %dma_wait3A_65 = arith.constant 0 : i32
          %dma_wait3A_66 = tpu.memref_slice %arg2[%dma_wait3A_64, %dma_wait3A_65] : memref<3125x128xi32, #tpu.memory_space<hbm>> -> memref<5x128xi32, #tpu.memory_space<hbm>>
          tpu.wait_dma2 semaphore(%run_scoped3A : memref<!tpu.dma_semaphore, #tpu.memory_space<semaphore_mem>>) src(%dma_wait3A_66 : memref<5x128xi32, #tpu.memory_space<hbm>>) dst(%dma_wait3A_63 : memref<5x128xi32, #tpu.memory_space<vmem>>)
          tpu.yield
        }) : () -> ()
        %scan3A_40 = arith.constant 0 : i32
        %scan3A_41 = arith.constant 5 : i32
        %scan3A_42 = arith.addi %scan3A_40, %scan3A_41 : i32
        %scan3A_43 = arith.constant 1 : i32
        scf.for %scan3A_45 = %scan3A_40 to %scan3A_42 step %scan3A_43  : i32 {
          %mul3A_46 = arith.constant 1 : i32
          %mul3A_47 = arith.muli %scan3A_45, %mul3A_46 : i32
          %add3A_48 = arith.constant 0 : i32
          %add3A_49 = arith.addi %add3A_48, %mul3A_47 : i32
          "tpu.region"() ({
            %run_scoped3A = tpu.sem_alloc : memref<!tpu.dma_semaphore, #tpu.memory_space<semaphore_mem>>
            %dma_start3A = arith.constant 0 : i32
            %dma_start3A_50 = tpu.memref_slice %arg6[%dma_start3A] : memref<2000xf32, #tpu.memory_space<vmem>> -> memref<128xf32, #tpu.memory_space<vmem>>
            %dma_start3A_51 = arith.constant 0 : i32
            %dma_start3A_52 = tpu.memref_slice %arg5[%add3A_49, %dma_start3A_51] : memref<16x128xi32, #tpu.memory_space<vmem>> -> memref<1x128xi32, #tpu.memory_space<vmem>>
            %dma_start3A_53 = tpu.memref_squeeze %dma_start3A_52 : memref<1x128xi32, #tpu.memory_space<vmem>> -> memref<128xi32, #tpu.memory_space<vmem>>
            %dma_start3A_54 = arith.constant 0 : i32
            %dma_start3A_55 = tpu.memref_slice %arg4[%dma_start3A_54] : memref<100000xf32, #tpu.memory_space<vmem_shared>> -> memref<100000xf32, #tpu.memory_space<vmem_shared>>
            tpu.enqueue_indirect_dma source(%dma_start3A_50 : memref<128xf32, #tpu.memory_space<vmem>>) target(%dma_start3A_55 : memref<100000xf32, #tpu.memory_space<vmem_shared>>) offsets(%dma_start3A_53 : memref<128xi32, #tpu.memory_space<vmem>>) semaphore(%run_scoped3A : memref<!tpu.dma_semaphore, #tpu.memory_space<semaphore_mem>>) {add = true}
            %dma_wait3A = arith.constant 0 : i32
            %dma_wait3A_56 = tpu.memref_slice %arg6[%dma_wait3A] : memref<2000xf32, #tpu.memory_space<vmem>> -> memref<128xf32, #tpu.memory_space<vmem>>
            %dma_wait3A_57 = arith.constant 0 : i32
            %dma_wait3A_58 = tpu.memref_slice %arg5[%add3A_49, %dma_wait3A_57] : memref<16x128xi32, #tpu.memory_space<vmem>> -> memref<1x128xi32, #tpu.memory_space<vmem>>
            %dma_wait3A_59 = tpu.memref_squeeze %dma_wait3A_58 : memref<1x128xi32, #tpu.memory_space<vmem>> -> memref<128xi32, #tpu.memory_space<vmem>>
            %dma_wait3A_60 = arith.constant 0 : i32
            %dma_wait3A_61 = tpu.memref_slice %arg4[%dma_wait3A_60] : memref<100000xf32, #tpu.memory_space<vmem_shared>> -> memref<100000xf32, #tpu.memory_space<vmem_shared>>
            tpu.wait_indirect_dma semaphore(%run_scoped3A : memref<!tpu.dma_semaphore, #tpu.memory_space<semaphore_mem>>) src(%dma_wait3A_56 : memref<128xf32, #tpu.memory_space<vmem>>) dst(%dma_wait3A_61 : memref<100000xf32, #tpu.memory_space<vmem_shared>>)
            tpu.yield
          }) : () -> ()
        }
        %scan3A_44 = arith.constant 5 : i32
      } else {
      }
    }
    %scan3A_19 = arith.constant 7 : i32
    %barrier3A_20 = arith.constant 0 : index
    tpu.barrier barrier_id(%barrier3A_20)
    %scan3A_21 = arith.constant 0 : i32
    %scan3A_22 = arith.constant 4 : i32
    %scan3A_23 = arith.addi %scan3A_21, %scan3A_22 : i32
    %scan3A_24 = arith.constant 1 : i32
    scf.for %scan3A_26 = %scan3A_21 to %scan3A_23 step %scan3A_24  : i32 {
      %mul3A_27 = arith.constant 1 : i32
      %mul3A_28 = arith.muli %scan3A_26, %mul3A_27 : i32
      %add3A_29 = arith.constant 0 : i32
      %add3A_30 = arith.addi %add3A_29, %mul3A_28 : i32
      %mul3A_31 = arith.constant 16 : i32
      %mul3A_32 = arith.muli %mul3A_31, %add3A_30 : i32
      %add3A_33 = arith.addi %arg1, %mul3A_32 : i32
      %lt3A = arith.constant 50 : i32
      %lt3A_34 = arith.cmpi slt, %add3A_33, %lt3A : i32
      %convert_element_type3A = arith.extui %lt3A_34 : i1 to i32
      %cond3A = arith.constant 0 : i32
      %cond3A_35 = arith.cmpi ne, %convert_element_type3A, %cond3A : i32
      scf.if %cond3A_35 {
        %mul3A_36 = arith.constant 2000 : i32
        %mul3A_37 = arith.muli %add3A_33, %mul3A_36 : i32
        "tpu.region"() ({
          %run_scoped3A = tpu.sem_alloc : memref<!tpu.dma_semaphore, #tpu.memory_space<semaphore_mem>>
          %dma_start3A = tpu.memref_slice %arg4[%mul3A_37] : memref<100000xf32, #tpu.memory_space<vmem_shared>> -> memref<2000xf32, #tpu.memory_space<vmem_shared>>
          %dma_start3A_43 = tpu.memref_slice %arg4[%mul3A_37] : memref<100000xf32, #tpu.memory_space<vmem_shared>> -> memref<2000xf32, #tpu.memory_space<vmem_shared>>
          tpu.enqueue_dma source(%dma_start3A_43 : memref<2000xf32, #tpu.memory_space<vmem_shared>>) target(%arg6 : memref<2000xf32, #tpu.memory_space<vmem>>) target_semaphore(%run_scoped3A : memref<!tpu.dma_semaphore, #tpu.memory_space<semaphore_mem>>)
          %dma_wait3A = tpu.memref_slice %arg4[%mul3A_37] : memref<100000xf32, #tpu.memory_space<vmem_shared>> -> memref<2000xf32, #tpu.memory_space<vmem_shared>>
          %dma_wait3A_44 = tpu.memref_slice %arg4[%mul3A_37] : memref<100000xf32, #tpu.memory_space<vmem_shared>> -> memref<2000xf32, #tpu.memory_space<vmem_shared>>
          tpu.wait_dma2 semaphore(%run_scoped3A : memref<!tpu.dma_semaphore, #tpu.memory_space<semaphore_mem>>) src(%dma_wait3A_44 : memref<2000xf32, #tpu.memory_space<vmem_shared>>) dst(%arg6 : memref<2000xf32, #tpu.memory_space<vmem>>)
          tpu.yield
        }) : () -> ()
        %mul3A_38 = arith.constant 100000 : i32
        %mul3A_39 = arith.muli %arg0, %mul3A_38 : i32
        %mul3A_40 = arith.constant 2000 : i32
        %mul3A_41 = arith.muli %add3A_33, %mul3A_40 : i32
        %add3A_42 = arith.addi %mul3A_39, %mul3A_41 : i32
        "tpu.region"() ({
          %run_scoped3A = tpu.sem_alloc : memref<!tpu.dma_semaphore, #tpu.memory_space<semaphore_mem>>
          %dma_start3A = tpu.memref_slice %arg3[%add3A_42] : memref<200000xf32, #tpu.memory_space<hbm>> -> memref<2000xf32, #tpu.memory_space<hbm>>
          %dma_start3A_43 = tpu.memref_slice %arg3[%add3A_42] : memref<200000xf32, #tpu.memory_space<hbm>> -> memref<2000xf32, #tpu.memory_space<hbm>>
          tpu.enqueue_dma source(%arg6 : memref<2000xf32, #tpu.memory_space<vmem>>) target(%dma_start3A_43 : memref<2000xf32, #tpu.memory_space<hbm>>) target_semaphore(%run_scoped3A : memref<!tpu.dma_semaphore, #tpu.memory_space<semaphore_mem>>)
          %dma_wait3A = tpu.memref_slice %arg3[%add3A_42] : memref<200000xf32, #tpu.memory_space<hbm>> -> memref<2000xf32, #tpu.memory_space<hbm>>
          %dma_wait3A_44 = tpu.memref_slice %arg3[%add3A_42] : memref<200000xf32, #tpu.memory_space<hbm>> -> memref<2000xf32, #tpu.memory_space<hbm>>
          tpu.wait_dma2 semaphore(%run_scoped3A : memref<!tpu.dma_semaphore, #tpu.memory_space<semaphore_mem>>) src(%arg6 : memref<2000xf32, #tpu.memory_space<vmem>>) dst(%dma_wait3A_44 : memref<2000xf32, #tpu.memory_space<hbm>>)
          tpu.yield
        }) : () -> ()
      } else {
      }
    }
    %scan3A_25 = arith.constant 4 : i32
    return
  }
}

#map = affine_map<(d0, d1) -> (0)>
module attributes {stable_mosaic.version = 14 : i64} {
  func.func @gather_kernel(%arg0: i32, %arg1: i32, %arg2: memref<602112xf32, #tpu.memory_space<hbm>>, %arg3: memref<400000xi32, #tpu.memory_space<hbm>>, %arg4: memref<2400000xf32, #tpu.memory_space<hbm>>, %arg5: memref<2048xi32, #tpu.memory_space<vmem>>, %arg6: memref<2048xf32, #tpu.memory_space<vmem>>, %arg7: memref<602112xf32, #tpu.memory_space<vmem_shared>>, %arg8: memref<!tpu.dma_semaphore, #tpu.memory_space<semaphore_mem>>) attributes {dimension_semantics = [#tpu.dimension_semantics<core_parallel>, #tpu.dimension_semantics<subcore_parallel>], iteration_bounds = array<i64: 2, 16>, scalar_prefetch = 0 : i64, scratch_operands = 4 : i64, tpu.core_type = #tpu.core_type<sc_vector_subcore>, window_params = [{transform_indices = #map}, {transform_indices = #map}, {transform_indices = #map}]} {
    %mul3A = arith.constant 2 : i32
    %mul3A_0 = arith.muli %arg1, %mul3A : i32
    %add3A = arith.addi %mul3A_0, %arg0 : i32
    %scan3A = arith.constant 0 : i32
    %scan3A_1 = arith.constant 19 : i32
    %scan3A_2 = arith.addi %scan3A, %scan3A_1 : i32
    %scan3A_3 = arith.constant 1 : i32
    scf.for %scan3A_10 = %scan3A to %scan3A_2 step %scan3A_3  : i32 {
      %mul3A_11 = arith.constant 1 : i32
      %mul3A_12 = arith.muli %scan3A_10, %mul3A_11 : i32
      %add3A_13 = arith.constant 0 : i32
      %add3A_14 = arith.addi %add3A_13, %mul3A_12 : i32
      %mul3A_15 = arith.constant 16 : i32
      %mul3A_16 = arith.muli %mul3A_15, %add3A_14 : i32
      %add3A_17 = arith.addi %arg1, %mul3A_16 : i32
      %lt3A = arith.constant 294 : i32
      %lt3A_18 = arith.cmpi slt, %add3A_17, %lt3A : i32
      %convert_element_type3A = arith.extui %lt3A_18 : i1 to i32
      %cond3A = arith.constant 0 : i32
      %cond3A_19 = arith.cmpi ne, %convert_element_type3A, %cond3A : i32
      scf.if %cond3A_19 {
        %mul3A_20 = arith.constant 2048 : i32
        %mul3A_21 = arith.muli %add3A_17, %mul3A_20 : i32
        "tpu.region"() ({
          %run_scoped3A = tpu.sem_alloc : memref<!tpu.dma_semaphore, #tpu.memory_space<semaphore_mem>>
          %dma_start3A = arith.constant 0 : i32
          %dma_start3A_22 = tpu.memref_slice %arg6[%dma_start3A] : memref<2048xf32, #tpu.memory_space<vmem>> -> memref<2048xf32, #tpu.memory_space<vmem>>
          %dma_start3A_23 = tpu.memref_slice %arg2[%mul3A_21] : memref<602112xf32, #tpu.memory_space<hbm>> -> memref<2048xf32, #tpu.memory_space<hbm>>
          %dma_start3A_24 = arith.constant 0 : i32
          %dma_start3A_25 = tpu.memref_slice %arg6[%dma_start3A_24] : memref<2048xf32, #tpu.memory_space<vmem>> -> memref<2048xf32, #tpu.memory_space<vmem>>
          %dma_start3A_26 = tpu.memref_slice %arg2[%mul3A_21] : memref<602112xf32, #tpu.memory_space<hbm>> -> memref<2048xf32, #tpu.memory_space<hbm>>
          tpu.enqueue_dma source(%dma_start3A_26 : memref<2048xf32, #tpu.memory_space<hbm>>) target(%dma_start3A_25 : memref<2048xf32, #tpu.memory_space<vmem>>) target_semaphore(%run_scoped3A : memref<!tpu.dma_semaphore, #tpu.memory_space<semaphore_mem>>)
          %dma_wait3A = arith.constant 0 : i32
          %dma_wait3A_27 = tpu.memref_slice %arg6[%dma_wait3A] : memref<2048xf32, #tpu.memory_space<vmem>> -> memref<2048xf32, #tpu.memory_space<vmem>>
          %dma_wait3A_28 = tpu.memref_slice %arg2[%mul3A_21] : memref<602112xf32, #tpu.memory_space<hbm>> -> memref<2048xf32, #tpu.memory_space<hbm>>
          %dma_wait3A_29 = arith.constant 0 : i32
          %dma_wait3A_30 = tpu.memref_slice %arg6[%dma_wait3A_29] : memref<2048xf32, #tpu.memory_space<vmem>> -> memref<2048xf32, #tpu.memory_space<vmem>>
          %dma_wait3A_31 = tpu.memref_slice %arg2[%mul3A_21] : memref<602112xf32, #tpu.memory_space<hbm>> -> memref<2048xf32, #tpu.memory_space<hbm>>
          tpu.wait_dma2 semaphore(%run_scoped3A : memref<!tpu.dma_semaphore, #tpu.memory_space<semaphore_mem>>) src(%dma_wait3A_31 : memref<2048xf32, #tpu.memory_space<hbm>>) dst(%dma_wait3A_30 : memref<2048xf32, #tpu.memory_space<vmem>>)
          tpu.yield
        }) : () -> ()
        "tpu.region"() ({
          %run_scoped3A = tpu.sem_alloc : memref<!tpu.dma_semaphore, #tpu.memory_space<semaphore_mem>>
          %dma_start3A = arith.constant 0 : i32
          %dma_start3A_22 = tpu.memref_slice %arg6[%dma_start3A] : memref<2048xf32, #tpu.memory_space<vmem>> -> memref<2048xf32, #tpu.memory_space<vmem>>
          %dma_start3A_23 = tpu.memref_slice %arg7[%mul3A_21] : memref<602112xf32, #tpu.memory_space<vmem_shared>> -> memref<2048xf32, #tpu.memory_space<vmem_shared>>
          %dma_start3A_24 = tpu.memref_slice %arg7[%mul3A_21] : memref<602112xf32, #tpu.memory_space<vmem_shared>> -> memref<2048xf32, #tpu.memory_space<vmem_shared>>
          %dma_start3A_25 = arith.constant 0 : i32
          %dma_start3A_26 = tpu.memref_slice %arg6[%dma_start3A_25] : memref<2048xf32, #tpu.memory_space<vmem>> -> memref<2048xf32, #tpu.memory_space<vmem>>
          tpu.enqueue_dma source(%dma_start3A_26 : memref<2048xf32, #tpu.memory_space<vmem>>) target(%dma_start3A_24 : memref<2048xf32, #tpu.memory_space<vmem_shared>>) target_semaphore(%run_scoped3A : memref<!tpu.dma_semaphore, #tpu.memory_space<semaphore_mem>>)
          %dma_wait3A = arith.constant 0 : i32
          %dma_wait3A_27 = tpu.memref_slice %arg6[%dma_wait3A] : memref<2048xf32, #tpu.memory_space<vmem>> -> memref<2048xf32, #tpu.memory_space<vmem>>
          %dma_wait3A_28 = tpu.memref_slice %arg7[%mul3A_21] : memref<602112xf32, #tpu.memory_space<vmem_shared>> -> memref<2048xf32, #tpu.memory_space<vmem_shared>>
          %dma_wait3A_29 = tpu.memref_slice %arg7[%mul3A_21] : memref<602112xf32, #tpu.memory_space<vmem_shared>> -> memref<2048xf32, #tpu.memory_space<vmem_shared>>
          %dma_wait3A_30 = arith.constant 0 : i32
          %dma_wait3A_31 = tpu.memref_slice %arg6[%dma_wait3A_30] : memref<2048xf32, #tpu.memory_space<vmem>> -> memref<2048xf32, #tpu.memory_space<vmem>>
          tpu.wait_dma2 semaphore(%run_scoped3A : memref<!tpu.dma_semaphore, #tpu.memory_space<semaphore_mem>>) src(%dma_wait3A_31 : memref<2048xf32, #tpu.memory_space<vmem>>) dst(%dma_wait3A_29 : memref<2048xf32, #tpu.memory_space<vmem_shared>>)
          tpu.yield
        }) : () -> ()
      } else {
      }
    }
    %scan3A_4 = arith.constant 19 : i32
    %barrier3A = arith.constant 0 : index
    tpu.barrier barrier_id(%barrier3A)
    %scan3A_5 = arith.constant 0 : i32
    %scan3A_6 = arith.constant 7 : i32
    %scan3A_7 = arith.addi %scan3A_5, %scan3A_6 : i32
    %scan3A_8 = arith.constant 1 : i32
    scf.for %scan3A_10 = %scan3A_5 to %scan3A_7 step %scan3A_8  : i32 {
      %mul3A_11 = arith.constant 1 : i32
      %mul3A_12 = arith.muli %scan3A_10, %mul3A_11 : i32
      %add3A_13 = arith.constant 0 : i32
      %add3A_14 = arith.addi %add3A_13, %mul3A_12 : i32
      %mul3A_15 = arith.constant 32 : i32
      %mul3A_16 = arith.muli %mul3A_15, %add3A_14 : i32
      %add3A_17 = arith.addi %add3A, %mul3A_16 : i32
      %lt3A = arith.constant 195 : i32
      %lt3A_18 = arith.cmpi slt, %add3A_17, %lt3A : i32
      %convert_element_type3A = arith.extui %lt3A_18 : i1 to i32
      %cond3A = arith.constant 0 : i32
      %cond3A_19 = arith.cmpi ne, %convert_element_type3A, %cond3A : i32
      scf.if %cond3A_19 {
        %mul3A_24 = arith.constant 2048 : i32
        %mul3A_25 = arith.muli %add3A_17, %mul3A_24 : i32
        "tpu.region"() ({
          %run_scoped3A = tpu.sem_alloc : memref<!tpu.dma_semaphore, #tpu.memory_space<semaphore_mem>>
          %dma_start3A = arith.constant 0 : i32
          %dma_start3A_98 = tpu.memref_slice %arg5[%dma_start3A] : memref<2048xi32, #tpu.memory_space<vmem>> -> memref<2048xi32, #tpu.memory_space<vmem>>
          %dma_start3A_99 = tpu.memref_slice %arg3[%mul3A_25] : memref<400000xi32, #tpu.memory_space<hbm>> -> memref<2048xi32, #tpu.memory_space<hbm>>
          %dma_start3A_100 = arith.constant 0 : i32
          %dma_start3A_101 = tpu.memref_slice %arg5[%dma_start3A_100] : memref<2048xi32, #tpu.memory_space<vmem>> -> memref<2048xi32, #tpu.memory_space<vmem>>
          %dma_start3A_102 = tpu.memref_slice %arg3[%mul3A_25] : memref<400000xi32, #tpu.memory_space<hbm>> -> memref<2048xi32, #tpu.memory_space<hbm>>
          tpu.enqueue_dma source(%dma_start3A_102 : memref<2048xi32, #tpu.memory_space<hbm>>) target(%dma_start3A_101 : memref<2048xi32, #tpu.memory_space<vmem>>) target_semaphore(%run_scoped3A : memref<!tpu.dma_semaphore, #tpu.memory_space<semaphore_mem>>)
          %dma_wait3A = arith.constant 0 : i32
          %dma_wait3A_103 = tpu.memref_slice %arg5[%dma_wait3A] : memref<2048xi32, #tpu.memory_space<vmem>> -> memref<2048xi32, #tpu.memory_space<vmem>>
          %dma_wait3A_104 = tpu.memref_slice %arg3[%mul3A_25] : memref<400000xi32, #tpu.memory_space<hbm>> -> memref<2048xi32, #tpu.memory_space<hbm>>
          %dma_wait3A_105 = arith.constant 0 : i32
          %dma_wait3A_106 = tpu.memref_slice %arg5[%dma_wait3A_105] : memref<2048xi32, #tpu.memory_space<vmem>> -> memref<2048xi32, #tpu.memory_space<vmem>>
          %dma_wait3A_107 = tpu.memref_slice %arg3[%mul3A_25] : memref<400000xi32, #tpu.memory_space<hbm>> -> memref<2048xi32, #tpu.memory_space<hbm>>
          tpu.wait_dma2 semaphore(%run_scoped3A : memref<!tpu.dma_semaphore, #tpu.memory_space<semaphore_mem>>) src(%dma_wait3A_107 : memref<2048xi32, #tpu.memory_space<hbm>>) dst(%dma_wait3A_106 : memref<2048xi32, #tpu.memory_space<vmem>>)
          tpu.yield
        }) : () -> ()
        %scan3A_26 = arith.constant 0 : i32
        %scan3A_27 = arith.constant 16 : i32
        %scan3A_28 = arith.addi %scan3A_26, %scan3A_27 : i32
        %scan3A_29 = arith.constant 1 : i32
        scf.for %scan3A_98 = %scan3A_26 to %scan3A_28 step %scan3A_29  : i32 {
          %mul3A_99 = arith.constant 1 : i32
          %mul3A_100 = arith.muli %scan3A_98, %mul3A_99 : i32
          %add3A_101 = arith.constant 0 : i32
          %add3A_102 = arith.addi %add3A_101, %mul3A_100 : i32
          %mul3A_103 = arith.constant 128 : i32
          %mul3A_104 = arith.muli %add3A_102, %mul3A_103 : i32
          %mul3A_105 = arith.constant 128 : i32
          %mul3A_106 = arith.muli %add3A_102, %mul3A_105 : i32
          %dma_start3A = tpu.memref_slice %arg6[%mul3A_106] : memref<2048xf32, #tpu.memory_space<vmem>> -> memref<128xf32, #tpu.memory_space<vmem>>
          %dma_start3A_107 = tpu.memref_slice %arg5[%mul3A_104] : memref<2048xi32, #tpu.memory_space<vmem>> -> memref<128xi32, #tpu.memory_space<vmem>>
          %dma_start3A_108 = arith.constant 0 : i32
          %dma_start3A_109 = tpu.memref_slice %arg7[%dma_start3A_108] : memref<602112xf32, #tpu.memory_space<vmem_shared>> -> memref<100352xf32, #tpu.memory_space<vmem_shared>>
          %dma_start3A_110 = arith.constant 0 : i32
          %dma_start3A_111 = tpu.memref_slice %dma_start3A_109[%dma_start3A_110] : memref<100352xf32, #tpu.memory_space<vmem_shared>> -> memref<100352xf32, #tpu.memory_space<vmem_shared>>
          tpu.enqueue_indirect_dma source(%dma_start3A_111 : memref<100352xf32, #tpu.memory_space<vmem_shared>>) target(%dma_start3A : memref<128xf32, #tpu.memory_space<vmem>>) offsets(%dma_start3A_107 : memref<128xi32, #tpu.memory_space<vmem>>) semaphore(%arg8 : memref<!tpu.dma_semaphore, #tpu.memory_space<semaphore_mem>>)
        }
        %scan3A_30 = arith.constant 16 : i32
        %scan3A_31 = arith.constant 0 : i32
        %scan3A_32 = arith.constant 16 : i32
        %scan3A_33 = arith.addi %scan3A_31, %scan3A_32 : i32
        %scan3A_34 = arith.constant 1 : i32
        scf.for %scan3A_98 = %scan3A_31 to %scan3A_33 step %scan3A_34  : i32 {
          %mul3A_99 = arith.constant 1 : i32
          %mul3A_100 = arith.muli %scan3A_98, %mul3A_99 : i32
          %add3A_101 = arith.constant 0 : i32
          %add3A_102 = arith.addi %add3A_101, %mul3A_100 : i32
          %mul3A_103 = arith.constant 128 : i32
          %mul3A_104 = arith.muli %add3A_102, %mul3A_103 : i32
          %mul3A_105 = arith.constant 128 : i32
          %mul3A_106 = arith.muli %add3A_102, %mul3A_105 : i32
          %dma_wait3A = tpu.memref_slice %arg6[%mul3A_106] : memref<2048xf32, #tpu.memory_space<vmem>> -> memref<128xf32, #tpu.memory_space<vmem>>
          %dma_wait3A_107 = tpu.memref_slice %arg5[%mul3A_104] : memref<2048xi32, #tpu.memory_space<vmem>> -> memref<128xi32, #tpu.memory_space<vmem>>
          %dma_wait3A_108 = arith.constant 0 : i32
          %dma_wait3A_109 = tpu.memref_slice %arg7[%dma_wait3A_108] : memref<602112xf32, #tpu.memory_space<vmem_shared>> -> memref<100352xf32, #tpu.memory_space<vmem_shared>>
          %dma_wait3A_110 = arith.constant 0 : i32
          %dma_wait3A_111 = tpu.memref_slice %dma_wait3A_109[%dma_wait3A_110] : memref<100352xf32, #tpu.memory_space<vmem_shared>> -> memref<100352xf32, #tpu.memory_space<vmem_shared>>
          tpu.wait_indirect_dma semaphore(%arg8 : memref<!tpu.dma_semaphore, #tpu.memory_space<semaphore_mem>>) src(%dma_wait3A_111 : memref<100352xf32, #tpu.memory_space<vmem_shared>>) dst(%dma_wait3A : memref<128xf32, #tpu.memory_space<vmem>>)
        }
        %scan3A_35 = arith.constant 16 : i32
        %add3A_36 = arith.constant 0 : i32
        %add3A_37 = arith.addi %add3A_36, %mul3A_25 : i32
        "tpu.region"() ({
          %run_scoped3A = tpu.sem_alloc : memref<!tpu.dma_semaphore, #tpu.memory_space<semaphore_mem>>
          %dma_start3A = arith.constant 0 : i32
          %dma_start3A_98 = tpu.memref_slice %arg6[%dma_start3A] : memref<2048xf32, #tpu.memory_space<vmem>> -> memref<2048xf32, #tpu.memory_space<vmem>>
          %dma_start3A_99 = tpu.memref_slice %arg4[%add3A_37] : memref<2400000xf32, #tpu.memory_space<hbm>> -> memref<2048xf32, #tpu.memory_space<hbm>>
          %dma_start3A_100 = tpu.memref_slice %arg4[%add3A_37] : memref<2400000xf32, #tpu.memory_space<hbm>> -> memref<2048xf32, #tpu.memory_space<hbm>>
          %dma_start3A_101 = arith.constant 0 : i32
          %dma_start3A_102 = tpu.memref_slice %arg6[%dma_start3A_101] : memref<2048xf32, #tpu.memory_space<vmem>> -> memref<2048xf32, #tpu.memory_space<vmem>>
          tpu.enqueue_dma source(%dma_start3A_102 : memref<2048xf32, #tpu.memory_space<vmem>>) target(%dma_start3A_100 : memref<2048xf32, #tpu.memory_space<hbm>>) target_semaphore(%run_scoped3A : memref<!tpu.dma_semaphore, #tpu.memory_space<semaphore_mem>>)
          %dma_wait3A = arith.constant 0 : i32
          %dma_wait3A_103 = tpu.memref_slice %arg6[%dma_wait3A] : memref<2048xf32, #tpu.memory_space<vmem>> -> memref<2048xf32, #tpu.memory_space<vmem>>
          %dma_wait3A_104 = tpu.memref_slice %arg4[%add3A_37] : memref<2400000xf32, #tpu.memory_space<hbm>> -> memref<2048xf32, #tpu.memory_space<hbm>>
          %dma_wait3A_105 = tpu.memref_slice %arg4[%add3A_37] : memref<2400000xf32, #tpu.memory_space<hbm>> -> memref<2048xf32, #tpu.memory_space<hbm>>
          %dma_wait3A_106 = arith.constant 0 : i32
          %dma_wait3A_107 = tpu.memref_slice %arg6[%dma_wait3A_106] : memref<2048xf32, #tpu.memory_space<vmem>> -> memref<2048xf32, #tpu.memory_space<vmem>>
          tpu.wait_dma2 semaphore(%run_scoped3A : memref<!tpu.dma_semaphore, #tpu.memory_space<semaphore_mem>>) src(%dma_wait3A_107 : memref<2048xf32, #tpu.memory_space<vmem>>) dst(%dma_wait3A_105 : memref<2048xf32, #tpu.memory_space<hbm>>)
          tpu.yield
        }) : () -> ()
        %scan3A_38 = arith.constant 0 : i32
        %scan3A_39 = arith.constant 16 : i32
        %scan3A_40 = arith.addi %scan3A_38, %scan3A_39 : i32
        %scan3A_41 = arith.constant 1 : i32
        scf.for %scan3A_98 = %scan3A_38 to %scan3A_40 step %scan3A_41  : i32 {
          %mul3A_99 = arith.constant 1 : i32
          %mul3A_100 = arith.muli %scan3A_98, %mul3A_99 : i32
          %add3A_101 = arith.constant 0 : i32
          %add3A_102 = arith.addi %add3A_101, %mul3A_100 : i32
          %mul3A_103 = arith.constant 128 : i32
          %mul3A_104 = arith.muli %add3A_102, %mul3A_103 : i32
          %mul3A_105 = arith.constant 128 : i32
          %mul3A_106 = arith.muli %add3A_102, %mul3A_105 : i32
          %dma_start3A = tpu.memref_slice %arg6[%mul3A_106] : memref<2048xf32, #tpu.memory_space<vmem>> -> memref<128xf32, #tpu.memory_space<vmem>>
          %dma_start3A_107 = tpu.memref_slice %arg5[%mul3A_104] : memref<2048xi32, #tpu.memory_space<vmem>> -> memref<128xi32, #tpu.memory_space<vmem>>
          %dma_start3A_108 = arith.constant 100352 : i32
          %dma_start3A_109 = tpu.memref_slice %arg7[%dma_start3A_108] : memref<602112xf32, #tpu.memory_space<vmem_shared>> -> memref<100352xf32, #tpu.memory_space<vmem_shared>>
          %dma_start3A_110 = arith.constant 0 : i32
          %dma_start3A_111 = tpu.memref_slice %dma_start3A_109[%dma_start3A_110] : memref<100352xf32, #tpu.memory_space<vmem_shared>> -> memref<100352xf32, #tpu.memory_space<vmem_shared>>
          tpu.enqueue_indirect_dma source(%dma_start3A_111 : memref<100352xf32, #tpu.memory_space<vmem_shared>>) target(%dma_start3A : memref<128xf32, #tpu.memory_space<vmem>>) offsets(%dma_start3A_107 : memref<128xi32, #tpu.memory_space<vmem>>) semaphore(%arg8 : memref<!tpu.dma_semaphore, #tpu.memory_space<semaphore_mem>>)
        }
        %scan3A_42 = arith.constant 16 : i32
        %scan3A_43 = arith.constant 0 : i32
        %scan3A_44 = arith.constant 16 : i32
        %scan3A_45 = arith.addi %scan3A_43, %scan3A_44 : i32
        %scan3A_46 = arith.constant 1 : i32
        scf.for %scan3A_98 = %scan3A_43 to %scan3A_45 step %scan3A_46  : i32 {
          %mul3A_99 = arith.constant 1 : i32
          %mul3A_100 = arith.muli %scan3A_98, %mul3A_99 : i32
          %add3A_101 = arith.constant 0 : i32
          %add3A_102 = arith.addi %add3A_101, %mul3A_100 : i32
          %mul3A_103 = arith.constant 128 : i32
          %mul3A_104 = arith.muli %add3A_102, %mul3A_103 : i32
          %mul3A_105 = arith.constant 128 : i32
          %mul3A_106 = arith.muli %add3A_102, %mul3A_105 : i32
          %dma_wait3A = tpu.memref_slice %arg6[%mul3A_106] : memref<2048xf32, #tpu.memory_space<vmem>> -> memref<128xf32, #tpu.memory_space<vmem>>
          %dma_wait3A_107 = tpu.memref_slice %arg5[%mul3A_104] : memref<2048xi32, #tpu.memory_space<vmem>> -> memref<128xi32, #tpu.memory_space<vmem>>
          %dma_wait3A_108 = arith.constant 100352 : i32
          %dma_wait3A_109 = tpu.memref_slice %arg7[%dma_wait3A_108] : memref<602112xf32, #tpu.memory_space<vmem_shared>> -> memref<100352xf32, #tpu.memory_space<vmem_shared>>
          %dma_wait3A_110 = arith.constant 0 : i32
          %dma_wait3A_111 = tpu.memref_slice %dma_wait3A_109[%dma_wait3A_110] : memref<100352xf32, #tpu.memory_space<vmem_shared>> -> memref<100352xf32, #tpu.memory_space<vmem_shared>>
          tpu.wait_indirect_dma semaphore(%arg8 : memref<!tpu.dma_semaphore, #tpu.memory_space<semaphore_mem>>) src(%dma_wait3A_111 : memref<100352xf32, #tpu.memory_space<vmem_shared>>) dst(%dma_wait3A : memref<128xf32, #tpu.memory_space<vmem>>)
        }
        %scan3A_47 = arith.constant 16 : i32
        %add3A_48 = arith.constant 400000 : i32
        %add3A_49 = arith.addi %add3A_48, %mul3A_25 : i32
        "tpu.region"() ({
          %run_scoped3A = tpu.sem_alloc : memref<!tpu.dma_semaphore, #tpu.memory_space<semaphore_mem>>
          %dma_start3A = arith.constant 0 : i32
          %dma_start3A_98 = tpu.memref_slice %arg6[%dma_start3A] : memref<2048xf32, #tpu.memory_space<vmem>> -> memref<2048xf32, #tpu.memory_space<vmem>>
          %dma_start3A_99 = tpu.memref_slice %arg4[%add3A_49] : memref<2400000xf32, #tpu.memory_space<hbm>> -> memref<2048xf32, #tpu.memory_space<hbm>>
          %dma_start3A_100 = tpu.memref_slice %arg4[%add3A_49] : memref<2400000xf32, #tpu.memory_space<hbm>> -> memref<2048xf32, #tpu.memory_space<hbm>>
          %dma_start3A_101 = arith.constant 0 : i32
          %dma_start3A_102 = tpu.memref_slice %arg6[%dma_start3A_101] : memref<2048xf32, #tpu.memory_space<vmem>> -> memref<2048xf32, #tpu.memory_space<vmem>>
          tpu.enqueue_dma source(%dma_start3A_102 : memref<2048xf32, #tpu.memory_space<vmem>>) target(%dma_start3A_100 : memref<2048xf32, #tpu.memory_space<hbm>>) target_semaphore(%run_scoped3A : memref<!tpu.dma_semaphore, #tpu.memory_space<semaphore_mem>>)
          %dma_wait3A = arith.constant 0 : i32
          %dma_wait3A_103 = tpu.memref_slice %arg6[%dma_wait3A] : memref<2048xf32, #tpu.memory_space<vmem>> -> memref<2048xf32, #tpu.memory_space<vmem>>
          %dma_wait3A_104 = tpu.memref_slice %arg4[%add3A_49] : memref<2400000xf32, #tpu.memory_space<hbm>> -> memref<2048xf32, #tpu.memory_space<hbm>>
          %dma_wait3A_105 = tpu.memref_slice %arg4[%add3A_49] : memref<2400000xf32, #tpu.memory_space<hbm>> -> memref<2048xf32, #tpu.memory_space<hbm>>
          %dma_wait3A_106 = arith.constant 0 : i32
          %dma_wait3A_107 = tpu.memref_slice %arg6[%dma_wait3A_106] : memref<2048xf32, #tpu.memory_space<vmem>> -> memref<2048xf32, #tpu.memory_space<vmem>>
          tpu.wait_dma2 semaphore(%run_scoped3A : memref<!tpu.dma_semaphore, #tpu.memory_space<semaphore_mem>>) src(%dma_wait3A_107 : memref<2048xf32, #tpu.memory_space<vmem>>) dst(%dma_wait3A_105 : memref<2048xf32, #tpu.memory_space<hbm>>)
          tpu.yield
        }) : () -> ()
        %scan3A_50 = arith.constant 0 : i32
        %scan3A_51 = arith.constant 16 : i32
        %scan3A_52 = arith.addi %scan3A_50, %scan3A_51 : i32
        %scan3A_53 = arith.constant 1 : i32
        scf.for %scan3A_98 = %scan3A_50 to %scan3A_52 step %scan3A_53  : i32 {
          %mul3A_99 = arith.constant 1 : i32
          %mul3A_100 = arith.muli %scan3A_98, %mul3A_99 : i32
          %add3A_101 = arith.constant 0 : i32
          %add3A_102 = arith.addi %add3A_101, %mul3A_100 : i32
          %mul3A_103 = arith.constant 128 : i32
          %mul3A_104 = arith.muli %add3A_102, %mul3A_103 : i32
          %mul3A_105 = arith.constant 128 : i32
          %mul3A_106 = arith.muli %add3A_102, %mul3A_105 : i32
          %dma_start3A = tpu.memref_slice %arg6[%mul3A_106] : memref<2048xf32, #tpu.memory_space<vmem>> -> memref<128xf32, #tpu.memory_space<vmem>>
          %dma_start3A_107 = tpu.memref_slice %arg5[%mul3A_104] : memref<2048xi32, #tpu.memory_space<vmem>> -> memref<128xi32, #tpu.memory_space<vmem>>
          %dma_start3A_108 = arith.constant 200704 : i32
          %dma_start3A_109 = tpu.memref_slice %arg7[%dma_start3A_108] : memref<602112xf32, #tpu.memory_space<vmem_shared>> -> memref<100352xf32, #tpu.memory_space<vmem_shared>>
          %dma_start3A_110 = arith.constant 0 : i32
          %dma_start3A_111 = tpu.memref_slice %dma_start3A_109[%dma_start3A_110] : memref<100352xf32, #tpu.memory_space<vmem_shared>> -> memref<100352xf32, #tpu.memory_space<vmem_shared>>
          tpu.enqueue_indirect_dma source(%dma_start3A_111 : memref<100352xf32, #tpu.memory_space<vmem_shared>>) target(%dma_start3A : memref<128xf32, #tpu.memory_space<vmem>>) offsets(%dma_start3A_107 : memref<128xi32, #tpu.memory_space<vmem>>) semaphore(%arg8 : memref<!tpu.dma_semaphore, #tpu.memory_space<semaphore_mem>>)
        }
        %scan3A_54 = arith.constant 16 : i32
        %scan3A_55 = arith.constant 0 : i32
        %scan3A_56 = arith.constant 16 : i32
        %scan3A_57 = arith.addi %scan3A_55, %scan3A_56 : i32
        %scan3A_58 = arith.constant 1 : i32
        scf.for %scan3A_98 = %scan3A_55 to %scan3A_57 step %scan3A_58  : i32 {
          %mul3A_99 = arith.constant 1 : i32
          %mul3A_100 = arith.muli %scan3A_98, %mul3A_99 : i32
          %add3A_101 = arith.constant 0 : i32
          %add3A_102 = arith.addi %add3A_101, %mul3A_100 : i32
          %mul3A_103 = arith.constant 128 : i32
          %mul3A_104 = arith.muli %add3A_102, %mul3A_103 : i32
          %mul3A_105 = arith.constant 128 : i32
          %mul3A_106 = arith.muli %add3A_102, %mul3A_105 : i32
          %dma_wait3A = tpu.memref_slice %arg6[%mul3A_106] : memref<2048xf32, #tpu.memory_space<vmem>> -> memref<128xf32, #tpu.memory_space<vmem>>
          %dma_wait3A_107 = tpu.memref_slice %arg5[%mul3A_104] : memref<2048xi32, #tpu.memory_space<vmem>> -> memref<128xi32, #tpu.memory_space<vmem>>
          %dma_wait3A_108 = arith.constant 200704 : i32
          %dma_wait3A_109 = tpu.memref_slice %arg7[%dma_wait3A_108] : memref<602112xf32, #tpu.memory_space<vmem_shared>> -> memref<100352xf32, #tpu.memory_space<vmem_shared>>
          %dma_wait3A_110 = arith.constant 0 : i32
          %dma_wait3A_111 = tpu.memref_slice %dma_wait3A_109[%dma_wait3A_110] : memref<100352xf32, #tpu.memory_space<vmem_shared>> -> memref<100352xf32, #tpu.memory_space<vmem_shared>>
          tpu.wait_indirect_dma semaphore(%arg8 : memref<!tpu.dma_semaphore, #tpu.memory_space<semaphore_mem>>) src(%dma_wait3A_111 : memref<100352xf32, #tpu.memory_space<vmem_shared>>) dst(%dma_wait3A : memref<128xf32, #tpu.memory_space<vmem>>)
        }
        %scan3A_59 = arith.constant 16 : i32
        %add3A_60 = arith.constant 800000 : i32
        %add3A_61 = arith.addi %add3A_60, %mul3A_25 : i32
        "tpu.region"() ({
          %run_scoped3A = tpu.sem_alloc : memref<!tpu.dma_semaphore, #tpu.memory_space<semaphore_mem>>
          %dma_start3A = arith.constant 0 : i32
          %dma_start3A_98 = tpu.memref_slice %arg6[%dma_start3A] : memref<2048xf32, #tpu.memory_space<vmem>> -> memref<2048xf32, #tpu.memory_space<vmem>>
          %dma_start3A_99 = tpu.memref_slice %arg4[%add3A_61] : memref<2400000xf32, #tpu.memory_space<hbm>> -> memref<2048xf32, #tpu.memory_space<hbm>>
          %dma_start3A_100 = tpu.memref_slice %arg4[%add3A_61] : memref<2400000xf32, #tpu.memory_space<hbm>> -> memref<2048xf32, #tpu.memory_space<hbm>>
          %dma_start3A_101 = arith.constant 0 : i32
          %dma_start3A_102 = tpu.memref_slice %arg6[%dma_start3A_101] : memref<2048xf32, #tpu.memory_space<vmem>> -> memref<2048xf32, #tpu.memory_space<vmem>>
          tpu.enqueue_dma source(%dma_start3A_102 : memref<2048xf32, #tpu.memory_space<vmem>>) target(%dma_start3A_100 : memref<2048xf32, #tpu.memory_space<hbm>>) target_semaphore(%run_scoped3A : memref<!tpu.dma_semaphore, #tpu.memory_space<semaphore_mem>>)
          %dma_wait3A = arith.constant 0 : i32
          %dma_wait3A_103 = tpu.memref_slice %arg6[%dma_wait3A] : memref<2048xf32, #tpu.memory_space<vmem>> -> memref<2048xf32, #tpu.memory_space<vmem>>
          %dma_wait3A_104 = tpu.memref_slice %arg4[%add3A_61] : memref<2400000xf32, #tpu.memory_space<hbm>> -> memref<2048xf32, #tpu.memory_space<hbm>>
          %dma_wait3A_105 = tpu.memref_slice %arg4[%add3A_61] : memref<2400000xf32, #tpu.memory_space<hbm>> -> memref<2048xf32, #tpu.memory_space<hbm>>
          %dma_wait3A_106 = arith.constant 0 : i32
          %dma_wait3A_107 = tpu.memref_slice %arg6[%dma_wait3A_106] : memref<2048xf32, #tpu.memory_space<vmem>> -> memref<2048xf32, #tpu.memory_space<vmem>>
          tpu.wait_dma2 semaphore(%run_scoped3A : memref<!tpu.dma_semaphore, #tpu.memory_space<semaphore_mem>>) src(%dma_wait3A_107 : memref<2048xf32, #tpu.memory_space<vmem>>) dst(%dma_wait3A_105 : memref<2048xf32, #tpu.memory_space<hbm>>)
          tpu.yield
        }) : () -> ()
        %scan3A_62 = arith.constant 0 : i32
        %scan3A_63 = arith.constant 16 : i32
        %scan3A_64 = arith.addi %scan3A_62, %scan3A_63 : i32
        %scan3A_65 = arith.constant 1 : i32
        scf.for %scan3A_98 = %scan3A_62 to %scan3A_64 step %scan3A_65  : i32 {
          %mul3A_99 = arith.constant 1 : i32
          %mul3A_100 = arith.muli %scan3A_98, %mul3A_99 : i32
          %add3A_101 = arith.constant 0 : i32
          %add3A_102 = arith.addi %add3A_101, %mul3A_100 : i32
          %mul3A_103 = arith.constant 128 : i32
          %mul3A_104 = arith.muli %add3A_102, %mul3A_103 : i32
          %mul3A_105 = arith.constant 128 : i32
          %mul3A_106 = arith.muli %add3A_102, %mul3A_105 : i32
          %dma_start3A = tpu.memref_slice %arg6[%mul3A_106] : memref<2048xf32, #tpu.memory_space<vmem>> -> memref<128xf32, #tpu.memory_space<vmem>>
          %dma_start3A_107 = tpu.memref_slice %arg5[%mul3A_104] : memref<2048xi32, #tpu.memory_space<vmem>> -> memref<128xi32, #tpu.memory_space<vmem>>
          %dma_start3A_108 = arith.constant 301056 : i32
          %dma_start3A_109 = tpu.memref_slice %arg7[%dma_start3A_108] : memref<602112xf32, #tpu.memory_space<vmem_shared>> -> memref<100352xf32, #tpu.memory_space<vmem_shared>>
          %dma_start3A_110 = arith.constant 0 : i32
          %dma_start3A_111 = tpu.memref_slice %dma_start3A_109[%dma_start3A_110] : memref<100352xf32, #tpu.memory_space<vmem_shared>> -> memref<100352xf32, #tpu.memory_space<vmem_shared>>
          tpu.enqueue_indirect_dma source(%dma_start3A_111 : memref<100352xf32, #tpu.memory_space<vmem_shared>>) target(%dma_start3A : memref<128xf32, #tpu.memory_space<vmem>>) offsets(%dma_start3A_107 : memref<128xi32, #tpu.memory_space<vmem>>) semaphore(%arg8 : memref<!tpu.dma_semaphore, #tpu.memory_space<semaphore_mem>>)
        }
        %scan3A_66 = arith.constant 16 : i32
        %scan3A_67 = arith.constant 0 : i32
        %scan3A_68 = arith.constant 16 : i32
        %scan3A_69 = arith.addi %scan3A_67, %scan3A_68 : i32
        %scan3A_70 = arith.constant 1 : i32
        scf.for %scan3A_98 = %scan3A_67 to %scan3A_69 step %scan3A_70  : i32 {
          %mul3A_99 = arith.constant 1 : i32
          %mul3A_100 = arith.muli %scan3A_98, %mul3A_99 : i32
          %add3A_101 = arith.constant 0 : i32
          %add3A_102 = arith.addi %add3A_101, %mul3A_100 : i32
          %mul3A_103 = arith.constant 128 : i32
          %mul3A_104 = arith.muli %add3A_102, %mul3A_103 : i32
          %mul3A_105 = arith.constant 128 : i32
          %mul3A_106 = arith.muli %add3A_102, %mul3A_105 : i32
          %dma_wait3A = tpu.memref_slice %arg6[%mul3A_106] : memref<2048xf32, #tpu.memory_space<vmem>> -> memref<128xf32, #tpu.memory_space<vmem>>
          %dma_wait3A_107 = tpu.memref_slice %arg5[%mul3A_104] : memref<2048xi32, #tpu.memory_space<vmem>> -> memref<128xi32, #tpu.memory_space<vmem>>
          %dma_wait3A_108 = arith.constant 301056 : i32
          %dma_wait3A_109 = tpu.memref_slice %arg7[%dma_wait3A_108] : memref<602112xf32, #tpu.memory_space<vmem_shared>> -> memref<100352xf32, #tpu.memory_space<vmem_shared>>
          %dma_wait3A_110 = arith.constant 0 : i32
          %dma_wait3A_111 = tpu.memref_slice %dma_wait3A_109[%dma_wait3A_110] : memref<100352xf32, #tpu.memory_space<vmem_shared>> -> memref<100352xf32, #tpu.memory_space<vmem_shared>>
          tpu.wait_indirect_dma semaphore(%arg8 : memref<!tpu.dma_semaphore, #tpu.memory_space<semaphore_mem>>) src(%dma_wait3A_111 : memref<100352xf32, #tpu.memory_space<vmem_shared>>) dst(%dma_wait3A : memref<128xf32, #tpu.memory_space<vmem>>)
        }
        %scan3A_71 = arith.constant 16 : i32
        %add3A_72 = arith.constant 1200000 : i32
        %add3A_73 = arith.addi %add3A_72, %mul3A_25 : i32
        "tpu.region"() ({
          %run_scoped3A = tpu.sem_alloc : memref<!tpu.dma_semaphore, #tpu.memory_space<semaphore_mem>>
          %dma_start3A = arith.constant 0 : i32
          %dma_start3A_98 = tpu.memref_slice %arg6[%dma_start3A] : memref<2048xf32, #tpu.memory_space<vmem>> -> memref<2048xf32, #tpu.memory_space<vmem>>
          %dma_start3A_99 = tpu.memref_slice %arg4[%add3A_73] : memref<2400000xf32, #tpu.memory_space<hbm>> -> memref<2048xf32, #tpu.memory_space<hbm>>
          %dma_start3A_100 = tpu.memref_slice %arg4[%add3A_73] : memref<2400000xf32, #tpu.memory_space<hbm>> -> memref<2048xf32, #tpu.memory_space<hbm>>
          %dma_start3A_101 = arith.constant 0 : i32
          %dma_start3A_102 = tpu.memref_slice %arg6[%dma_start3A_101] : memref<2048xf32, #tpu.memory_space<vmem>> -> memref<2048xf32, #tpu.memory_space<vmem>>
          tpu.enqueue_dma source(%dma_start3A_102 : memref<2048xf32, #tpu.memory_space<vmem>>) target(%dma_start3A_100 : memref<2048xf32, #tpu.memory_space<hbm>>) target_semaphore(%run_scoped3A : memref<!tpu.dma_semaphore, #tpu.memory_space<semaphore_mem>>)
          %dma_wait3A = arith.constant 0 : i32
          %dma_wait3A_103 = tpu.memref_slice %arg6[%dma_wait3A] : memref<2048xf32, #tpu.memory_space<vmem>> -> memref<2048xf32, #tpu.memory_space<vmem>>
          %dma_wait3A_104 = tpu.memref_slice %arg4[%add3A_73] : memref<2400000xf32, #tpu.memory_space<hbm>> -> memref<2048xf32, #tpu.memory_space<hbm>>
          %dma_wait3A_105 = tpu.memref_slice %arg4[%add3A_73] : memref<2400000xf32, #tpu.memory_space<hbm>> -> memref<2048xf32, #tpu.memory_space<hbm>>
          %dma_wait3A_106 = arith.constant 0 : i32
          %dma_wait3A_107 = tpu.memref_slice %arg6[%dma_wait3A_106] : memref<2048xf32, #tpu.memory_space<vmem>> -> memref<2048xf32, #tpu.memory_space<vmem>>
          tpu.wait_dma2 semaphore(%run_scoped3A : memref<!tpu.dma_semaphore, #tpu.memory_space<semaphore_mem>>) src(%dma_wait3A_107 : memref<2048xf32, #tpu.memory_space<vmem>>) dst(%dma_wait3A_105 : memref<2048xf32, #tpu.memory_space<hbm>>)
          tpu.yield
        }) : () -> ()
        %scan3A_74 = arith.constant 0 : i32
        %scan3A_75 = arith.constant 16 : i32
        %scan3A_76 = arith.addi %scan3A_74, %scan3A_75 : i32
        %scan3A_77 = arith.constant 1 : i32
        scf.for %scan3A_98 = %scan3A_74 to %scan3A_76 step %scan3A_77  : i32 {
          %mul3A_99 = arith.constant 1 : i32
          %mul3A_100 = arith.muli %scan3A_98, %mul3A_99 : i32
          %add3A_101 = arith.constant 0 : i32
          %add3A_102 = arith.addi %add3A_101, %mul3A_100 : i32
          %mul3A_103 = arith.constant 128 : i32
          %mul3A_104 = arith.muli %add3A_102, %mul3A_103 : i32
          %mul3A_105 = arith.constant 128 : i32
          %mul3A_106 = arith.muli %add3A_102, %mul3A_105 : i32
          %dma_start3A = tpu.memref_slice %arg6[%mul3A_106] : memref<2048xf32, #tpu.memory_space<vmem>> -> memref<128xf32, #tpu.memory_space<vmem>>
          %dma_start3A_107 = tpu.memref_slice %arg5[%mul3A_104] : memref<2048xi32, #tpu.memory_space<vmem>> -> memref<128xi32, #tpu.memory_space<vmem>>
          %dma_start3A_108 = arith.constant 401408 : i32
          %dma_start3A_109 = tpu.memref_slice %arg7[%dma_start3A_108] : memref<602112xf32, #tpu.memory_space<vmem_shared>> -> memref<100352xf32, #tpu.memory_space<vmem_shared>>
          %dma_start3A_110 = arith.constant 0 : i32
          %dma_start3A_111 = tpu.memref_slice %dma_start3A_109[%dma_start3A_110] : memref<100352xf32, #tpu.memory_space<vmem_shared>> -> memref<100352xf32, #tpu.memory_space<vmem_shared>>
          tpu.enqueue_indirect_dma source(%dma_start3A_111 : memref<100352xf32, #tpu.memory_space<vmem_shared>>) target(%dma_start3A : memref<128xf32, #tpu.memory_space<vmem>>) offsets(%dma_start3A_107 : memref<128xi32, #tpu.memory_space<vmem>>) semaphore(%arg8 : memref<!tpu.dma_semaphore, #tpu.memory_space<semaphore_mem>>)
        }
        %scan3A_78 = arith.constant 16 : i32
        %scan3A_79 = arith.constant 0 : i32
        %scan3A_80 = arith.constant 16 : i32
        %scan3A_81 = arith.addi %scan3A_79, %scan3A_80 : i32
        %scan3A_82 = arith.constant 1 : i32
        scf.for %scan3A_98 = %scan3A_79 to %scan3A_81 step %scan3A_82  : i32 {
          %mul3A_99 = arith.constant 1 : i32
          %mul3A_100 = arith.muli %scan3A_98, %mul3A_99 : i32
          %add3A_101 = arith.constant 0 : i32
          %add3A_102 = arith.addi %add3A_101, %mul3A_100 : i32
          %mul3A_103 = arith.constant 128 : i32
          %mul3A_104 = arith.muli %add3A_102, %mul3A_103 : i32
          %mul3A_105 = arith.constant 128 : i32
          %mul3A_106 = arith.muli %add3A_102, %mul3A_105 : i32
          %dma_wait3A = tpu.memref_slice %arg6[%mul3A_106] : memref<2048xf32, #tpu.memory_space<vmem>> -> memref<128xf32, #tpu.memory_space<vmem>>
          %dma_wait3A_107 = tpu.memref_slice %arg5[%mul3A_104] : memref<2048xi32, #tpu.memory_space<vmem>> -> memref<128xi32, #tpu.memory_space<vmem>>
          %dma_wait3A_108 = arith.constant 401408 : i32
          %dma_wait3A_109 = tpu.memref_slice %arg7[%dma_wait3A_108] : memref<602112xf32, #tpu.memory_space<vmem_shared>> -> memref<100352xf32, #tpu.memory_space<vmem_shared>>
          %dma_wait3A_110 = arith.constant 0 : i32
          %dma_wait3A_111 = tpu.memref_slice %dma_wait3A_109[%dma_wait3A_110] : memref<100352xf32, #tpu.memory_space<vmem_shared>> -> memref<100352xf32, #tpu.memory_space<vmem_shared>>
          tpu.wait_indirect_dma semaphore(%arg8 : memref<!tpu.dma_semaphore, #tpu.memory_space<semaphore_mem>>) src(%dma_wait3A_111 : memref<100352xf32, #tpu.memory_space<vmem_shared>>) dst(%dma_wait3A : memref<128xf32, #tpu.memory_space<vmem>>)
        }
        %scan3A_83 = arith.constant 16 : i32
        %add3A_84 = arith.constant 1600000 : i32
        %add3A_85 = arith.addi %add3A_84, %mul3A_25 : i32
        "tpu.region"() ({
          %run_scoped3A = tpu.sem_alloc : memref<!tpu.dma_semaphore, #tpu.memory_space<semaphore_mem>>
          %dma_start3A = arith.constant 0 : i32
          %dma_start3A_98 = tpu.memref_slice %arg6[%dma_start3A] : memref<2048xf32, #tpu.memory_space<vmem>> -> memref<2048xf32, #tpu.memory_space<vmem>>
          %dma_start3A_99 = tpu.memref_slice %arg4[%add3A_85] : memref<2400000xf32, #tpu.memory_space<hbm>> -> memref<2048xf32, #tpu.memory_space<hbm>>
          %dma_start3A_100 = tpu.memref_slice %arg4[%add3A_85] : memref<2400000xf32, #tpu.memory_space<hbm>> -> memref<2048xf32, #tpu.memory_space<hbm>>
          %dma_start3A_101 = arith.constant 0 : i32
          %dma_start3A_102 = tpu.memref_slice %arg6[%dma_start3A_101] : memref<2048xf32, #tpu.memory_space<vmem>> -> memref<2048xf32, #tpu.memory_space<vmem>>
          tpu.enqueue_dma source(%dma_start3A_102 : memref<2048xf32, #tpu.memory_space<vmem>>) target(%dma_start3A_100 : memref<2048xf32, #tpu.memory_space<hbm>>) target_semaphore(%run_scoped3A : memref<!tpu.dma_semaphore, #tpu.memory_space<semaphore_mem>>)
          %dma_wait3A = arith.constant 0 : i32
          %dma_wait3A_103 = tpu.memref_slice %arg6[%dma_wait3A] : memref<2048xf32, #tpu.memory_space<vmem>> -> memref<2048xf32, #tpu.memory_space<vmem>>
          %dma_wait3A_104 = tpu.memref_slice %arg4[%add3A_85] : memref<2400000xf32, #tpu.memory_space<hbm>> -> memref<2048xf32, #tpu.memory_space<hbm>>
          %dma_wait3A_105 = tpu.memref_slice %arg4[%add3A_85] : memref<2400000xf32, #tpu.memory_space<hbm>> -> memref<2048xf32, #tpu.memory_space<hbm>>
          %dma_wait3A_106 = arith.constant 0 : i32
          %dma_wait3A_107 = tpu.memref_slice %arg6[%dma_wait3A_106] : memref<2048xf32, #tpu.memory_space<vmem>> -> memref<2048xf32, #tpu.memory_space<vmem>>
          tpu.wait_dma2 semaphore(%run_scoped3A : memref<!tpu.dma_semaphore, #tpu.memory_space<semaphore_mem>>) src(%dma_wait3A_107 : memref<2048xf32, #tpu.memory_space<vmem>>) dst(%dma_wait3A_105 : memref<2048xf32, #tpu.memory_space<hbm>>)
          tpu.yield
        }) : () -> ()
        %scan3A_86 = arith.constant 0 : i32
        %scan3A_87 = arith.constant 16 : i32
        %scan3A_88 = arith.addi %scan3A_86, %scan3A_87 : i32
        %scan3A_89 = arith.constant 1 : i32
        scf.for %scan3A_98 = %scan3A_86 to %scan3A_88 step %scan3A_89  : i32 {
          %mul3A_99 = arith.constant 1 : i32
          %mul3A_100 = arith.muli %scan3A_98, %mul3A_99 : i32
          %add3A_101 = arith.constant 0 : i32
          %add3A_102 = arith.addi %add3A_101, %mul3A_100 : i32
          %mul3A_103 = arith.constant 128 : i32
          %mul3A_104 = arith.muli %add3A_102, %mul3A_103 : i32
          %mul3A_105 = arith.constant 128 : i32
          %mul3A_106 = arith.muli %add3A_102, %mul3A_105 : i32
          %dma_start3A = tpu.memref_slice %arg6[%mul3A_106] : memref<2048xf32, #tpu.memory_space<vmem>> -> memref<128xf32, #tpu.memory_space<vmem>>
          %dma_start3A_107 = tpu.memref_slice %arg5[%mul3A_104] : memref<2048xi32, #tpu.memory_space<vmem>> -> memref<128xi32, #tpu.memory_space<vmem>>
          %dma_start3A_108 = arith.constant 501760 : i32
          %dma_start3A_109 = tpu.memref_slice %arg7[%dma_start3A_108] : memref<602112xf32, #tpu.memory_space<vmem_shared>> -> memref<100352xf32, #tpu.memory_space<vmem_shared>>
          %dma_start3A_110 = arith.constant 0 : i32
          %dma_start3A_111 = tpu.memref_slice %dma_start3A_109[%dma_start3A_110] : memref<100352xf32, #tpu.memory_space<vmem_shared>> -> memref<100352xf32, #tpu.memory_space<vmem_shared>>
          tpu.enqueue_indirect_dma source(%dma_start3A_111 : memref<100352xf32, #tpu.memory_space<vmem_shared>>) target(%dma_start3A : memref<128xf32, #tpu.memory_space<vmem>>) offsets(%dma_start3A_107 : memref<128xi32, #tpu.memory_space<vmem>>) semaphore(%arg8 : memref<!tpu.dma_semaphore, #tpu.memory_space<semaphore_mem>>)
        }
        %scan3A_90 = arith.constant 16 : i32
        %scan3A_91 = arith.constant 0 : i32
        %scan3A_92 = arith.constant 16 : i32
        %scan3A_93 = arith.addi %scan3A_91, %scan3A_92 : i32
        %scan3A_94 = arith.constant 1 : i32
        scf.for %scan3A_98 = %scan3A_91 to %scan3A_93 step %scan3A_94  : i32 {
          %mul3A_99 = arith.constant 1 : i32
          %mul3A_100 = arith.muli %scan3A_98, %mul3A_99 : i32
          %add3A_101 = arith.constant 0 : i32
          %add3A_102 = arith.addi %add3A_101, %mul3A_100 : i32
          %mul3A_103 = arith.constant 128 : i32
          %mul3A_104 = arith.muli %add3A_102, %mul3A_103 : i32
          %mul3A_105 = arith.constant 128 : i32
          %mul3A_106 = arith.muli %add3A_102, %mul3A_105 : i32
          %dma_wait3A = tpu.memref_slice %arg6[%mul3A_106] : memref<2048xf32, #tpu.memory_space<vmem>> -> memref<128xf32, #tpu.memory_space<vmem>>
          %dma_wait3A_107 = tpu.memref_slice %arg5[%mul3A_104] : memref<2048xi32, #tpu.memory_space<vmem>> -> memref<128xi32, #tpu.memory_space<vmem>>
          %dma_wait3A_108 = arith.constant 501760 : i32
          %dma_wait3A_109 = tpu.memref_slice %arg7[%dma_wait3A_108] : memref<602112xf32, #tpu.memory_space<vmem_shared>> -> memref<100352xf32, #tpu.memory_space<vmem_shared>>
          %dma_wait3A_110 = arith.constant 0 : i32
          %dma_wait3A_111 = tpu.memref_slice %dma_wait3A_109[%dma_wait3A_110] : memref<100352xf32, #tpu.memory_space<vmem_shared>> -> memref<100352xf32, #tpu.memory_space<vmem_shared>>
          tpu.wait_indirect_dma semaphore(%arg8 : memref<!tpu.dma_semaphore, #tpu.memory_space<semaphore_mem>>) src(%dma_wait3A_111 : memref<100352xf32, #tpu.memory_space<vmem_shared>>) dst(%dma_wait3A : memref<128xf32, #tpu.memory_space<vmem>>)
        }
        %scan3A_95 = arith.constant 16 : i32
        %add3A_96 = arith.constant 2000000 : i32
        %add3A_97 = arith.addi %add3A_96, %mul3A_25 : i32
        "tpu.region"() ({
          %run_scoped3A = tpu.sem_alloc : memref<!tpu.dma_semaphore, #tpu.memory_space<semaphore_mem>>
          %dma_start3A = arith.constant 0 : i32
          %dma_start3A_98 = tpu.memref_slice %arg6[%dma_start3A] : memref<2048xf32, #tpu.memory_space<vmem>> -> memref<2048xf32, #tpu.memory_space<vmem>>
          %dma_start3A_99 = tpu.memref_slice %arg4[%add3A_97] : memref<2400000xf32, #tpu.memory_space<hbm>> -> memref<2048xf32, #tpu.memory_space<hbm>>
          %dma_start3A_100 = tpu.memref_slice %arg4[%add3A_97] : memref<2400000xf32, #tpu.memory_space<hbm>> -> memref<2048xf32, #tpu.memory_space<hbm>>
          %dma_start3A_101 = arith.constant 0 : i32
          %dma_start3A_102 = tpu.memref_slice %arg6[%dma_start3A_101] : memref<2048xf32, #tpu.memory_space<vmem>> -> memref<2048xf32, #tpu.memory_space<vmem>>
          tpu.enqueue_dma source(%dma_start3A_102 : memref<2048xf32, #tpu.memory_space<vmem>>) target(%dma_start3A_100 : memref<2048xf32, #tpu.memory_space<hbm>>) target_semaphore(%run_scoped3A : memref<!tpu.dma_semaphore, #tpu.memory_space<semaphore_mem>>)
          %dma_wait3A = arith.constant 0 : i32
          %dma_wait3A_103 = tpu.memref_slice %arg6[%dma_wait3A] : memref<2048xf32, #tpu.memory_space<vmem>> -> memref<2048xf32, #tpu.memory_space<vmem>>
          %dma_wait3A_104 = tpu.memref_slice %arg4[%add3A_97] : memref<2400000xf32, #tpu.memory_space<hbm>> -> memref<2048xf32, #tpu.memory_space<hbm>>
          %dma_wait3A_105 = tpu.memref_slice %arg4[%add3A_97] : memref<2400000xf32, #tpu.memory_space<hbm>> -> memref<2048xf32, #tpu.memory_space<hbm>>
          %dma_wait3A_106 = arith.constant 0 : i32
          %dma_wait3A_107 = tpu.memref_slice %arg6[%dma_wait3A_106] : memref<2048xf32, #tpu.memory_space<vmem>> -> memref<2048xf32, #tpu.memory_space<vmem>>
          tpu.wait_dma2 semaphore(%run_scoped3A : memref<!tpu.dma_semaphore, #tpu.memory_space<semaphore_mem>>) src(%dma_wait3A_107 : memref<2048xf32, #tpu.memory_space<vmem>>) dst(%dma_wait3A_105 : memref<2048xf32, #tpu.memory_space<hbm>>)
          tpu.yield
        }) : () -> ()
      } else {
      }
      %eq3A = arith.constant 195 : i32
      %eq3A_20 = arith.cmpi eq, %add3A_17, %eq3A : i32
      %convert_element_type3A_21 = arith.extui %eq3A_20 : i1 to i32
      %cond3A_22 = arith.constant 0 : i32
      %cond3A_23 = arith.cmpi ne, %convert_element_type3A_21, %cond3A_22 : i32
      scf.if %cond3A_23 {
        "tpu.region"() ({
          %run_scoped3A = tpu.sem_alloc : memref<!tpu.dma_semaphore, #tpu.memory_space<semaphore_mem>>
          %dma_start3A = arith.constant 0 : i32
          %dma_start3A_84 = tpu.memref_slice %arg5[%dma_start3A] : memref<2048xi32, #tpu.memory_space<vmem>> -> memref<640xi32, #tpu.memory_space<vmem>>
          %dma_start3A_85 = arith.constant 399360 : i32
          %dma_start3A_86 = tpu.memref_slice %arg3[%dma_start3A_85] : memref<400000xi32, #tpu.memory_space<hbm>> -> memref<640xi32, #tpu.memory_space<hbm>>
          %dma_start3A_87 = arith.constant 0 : i32
          %dma_start3A_88 = tpu.memref_slice %arg5[%dma_start3A_87] : memref<2048xi32, #tpu.memory_space<vmem>> -> memref<640xi32, #tpu.memory_space<vmem>>
          %dma_start3A_89 = arith.constant 399360 : i32
          %dma_start3A_90 = tpu.memref_slice %arg3[%dma_start3A_89] : memref<400000xi32, #tpu.memory_space<hbm>> -> memref<640xi32, #tpu.memory_space<hbm>>
          tpu.enqueue_dma source(%dma_start3A_90 : memref<640xi32, #tpu.memory_space<hbm>>) target(%dma_start3A_88 : memref<640xi32, #tpu.memory_space<vmem>>) target_semaphore(%run_scoped3A : memref<!tpu.dma_semaphore, #tpu.memory_space<semaphore_mem>>)
          %dma_wait3A = arith.constant 0 : i32
          %dma_wait3A_91 = tpu.memref_slice %arg5[%dma_wait3A] : memref<2048xi32, #tpu.memory_space<vmem>> -> memref<640xi32, #tpu.memory_space<vmem>>
          %dma_wait3A_92 = arith.constant 399360 : i32
          %dma_wait3A_93 = tpu.memref_slice %arg3[%dma_wait3A_92] : memref<400000xi32, #tpu.memory_space<hbm>> -> memref<640xi32, #tpu.memory_space<hbm>>
          %dma_wait3A_94 = arith.constant 0 : i32
          %dma_wait3A_95 = tpu.memref_slice %arg5[%dma_wait3A_94] : memref<2048xi32, #tpu.memory_space<vmem>> -> memref<640xi32, #tpu.memory_space<vmem>>
          %dma_wait3A_96 = arith.constant 399360 : i32
          %dma_wait3A_97 = tpu.memref_slice %arg3[%dma_wait3A_96] : memref<400000xi32, #tpu.memory_space<hbm>> -> memref<640xi32, #tpu.memory_space<hbm>>
          tpu.wait_dma2 semaphore(%run_scoped3A : memref<!tpu.dma_semaphore, #tpu.memory_space<semaphore_mem>>) src(%dma_wait3A_97 : memref<640xi32, #tpu.memory_space<hbm>>) dst(%dma_wait3A_95 : memref<640xi32, #tpu.memory_space<vmem>>)
          tpu.yield
        }) : () -> ()
        %scan3A_24 = arith.constant 0 : i32
        %scan3A_25 = arith.constant 5 : i32
        %scan3A_26 = arith.addi %scan3A_24, %scan3A_25 : i32
        %scan3A_27 = arith.constant 1 : i32
        scf.for %scan3A_84 = %scan3A_24 to %scan3A_26 step %scan3A_27  : i32 {
          %mul3A_85 = arith.constant 1 : i32
          %mul3A_86 = arith.muli %scan3A_84, %mul3A_85 : i32
          %add3A_87 = arith.constant 0 : i32
          %add3A_88 = arith.addi %add3A_87, %mul3A_86 : i32
          %mul3A_89 = arith.constant 128 : i32
          %mul3A_90 = arith.muli %add3A_88, %mul3A_89 : i32
          %mul3A_91 = arith.constant 128 : i32
          %mul3A_92 = arith.muli %add3A_88, %mul3A_91 : i32
          %dma_start3A = tpu.memref_slice %arg6[%mul3A_92] : memref<2048xf32, #tpu.memory_space<vmem>> -> memref<128xf32, #tpu.memory_space<vmem>>
          %dma_start3A_93 = tpu.memref_slice %arg5[%mul3A_90] : memref<2048xi32, #tpu.memory_space<vmem>> -> memref<128xi32, #tpu.memory_space<vmem>>
          %dma_start3A_94 = arith.constant 0 : i32
          %dma_start3A_95 = tpu.memref_slice %arg7[%dma_start3A_94] : memref<602112xf32, #tpu.memory_space<vmem_shared>> -> memref<100352xf32, #tpu.memory_space<vmem_shared>>
          %dma_start3A_96 = arith.constant 0 : i32
          %dma_start3A_97 = tpu.memref_slice %dma_start3A_95[%dma_start3A_96] : memref<100352xf32, #tpu.memory_space<vmem_shared>> -> memref<100352xf32, #tpu.memory_space<vmem_shared>>
          tpu.enqueue_indirect_dma source(%dma_start3A_97 : memref<100352xf32, #tpu.memory_space<vmem_shared>>) target(%dma_start3A : memref<128xf32, #tpu.memory_space<vmem>>) offsets(%dma_start3A_93 : memref<128xi32, #tpu.memory_space<vmem>>) semaphore(%arg8 : memref<!tpu.dma_semaphore, #tpu.memory_space<semaphore_mem>>)
        }
        %scan3A_28 = arith.constant 5 : i32
        %scan3A_29 = arith.constant 0 : i32
        %scan3A_30 = arith.constant 5 : i32
        %scan3A_31 = arith.addi %scan3A_29, %scan3A_30 : i32
        %scan3A_32 = arith.constant 1 : i32
        scf.for %scan3A_84 = %scan3A_29 to %scan3A_31 step %scan3A_32  : i32 {
          %mul3A_85 = arith.constant 1 : i32
          %mul3A_86 = arith.muli %scan3A_84, %mul3A_85 : i32
          %add3A_87 = arith.constant 0 : i32
          %add3A_88 = arith.addi %add3A_87, %mul3A_86 : i32
          %mul3A_89 = arith.constant 128 : i32
          %mul3A_90 = arith.muli %add3A_88, %mul3A_89 : i32
          %mul3A_91 = arith.constant 128 : i32
          %mul3A_92 = arith.muli %add3A_88, %mul3A_91 : i32
          %dma_wait3A = tpu.memref_slice %arg6[%mul3A_92] : memref<2048xf32, #tpu.memory_space<vmem>> -> memref<128xf32, #tpu.memory_space<vmem>>
          %dma_wait3A_93 = tpu.memref_slice %arg5[%mul3A_90] : memref<2048xi32, #tpu.memory_space<vmem>> -> memref<128xi32, #tpu.memory_space<vmem>>
          %dma_wait3A_94 = arith.constant 0 : i32
          %dma_wait3A_95 = tpu.memref_slice %arg7[%dma_wait3A_94] : memref<602112xf32, #tpu.memory_space<vmem_shared>> -> memref<100352xf32, #tpu.memory_space<vmem_shared>>
          %dma_wait3A_96 = arith.constant 0 : i32
          %dma_wait3A_97 = tpu.memref_slice %dma_wait3A_95[%dma_wait3A_96] : memref<100352xf32, #tpu.memory_space<vmem_shared>> -> memref<100352xf32, #tpu.memory_space<vmem_shared>>
          tpu.wait_indirect_dma semaphore(%arg8 : memref<!tpu.dma_semaphore, #tpu.memory_space<semaphore_mem>>) src(%dma_wait3A_97 : memref<100352xf32, #tpu.memory_space<vmem_shared>>) dst(%dma_wait3A : memref<128xf32, #tpu.memory_space<vmem>>)
        }
        %scan3A_33 = arith.constant 5 : i32
        "tpu.region"() ({
          %run_scoped3A = tpu.sem_alloc : memref<!tpu.dma_semaphore, #tpu.memory_space<semaphore_mem>>
          %dma_start3A = arith.constant 0 : i32
          %dma_start3A_84 = tpu.memref_slice %arg6[%dma_start3A] : memref<2048xf32, #tpu.memory_space<vmem>> -> memref<640xf32, #tpu.memory_space<vmem>>
          %dma_start3A_85 = arith.constant 399360 : i32
          %dma_start3A_86 = tpu.memref_slice %arg4[%dma_start3A_85] : memref<2400000xf32, #tpu.memory_space<hbm>> -> memref<640xf32, #tpu.memory_space<hbm>>
          %dma_start3A_87 = arith.constant 399360 : i32
          %dma_start3A_88 = tpu.memref_slice %arg4[%dma_start3A_87] : memref<2400000xf32, #tpu.memory_space<hbm>> -> memref<640xf32, #tpu.memory_space<hbm>>
          %dma_start3A_89 = arith.constant 0 : i32
          %dma_start3A_90 = tpu.memref_slice %arg6[%dma_start3A_89] : memref<2048xf32, #tpu.memory_space<vmem>> -> memref<640xf32, #tpu.memory_space<vmem>>
          tpu.enqueue_dma source(%dma_start3A_90 : memref<640xf32, #tpu.memory_space<vmem>>) target(%dma_start3A_88 : memref<640xf32, #tpu.memory_space<hbm>>) target_semaphore(%run_scoped3A : memref<!tpu.dma_semaphore, #tpu.memory_space<semaphore_mem>>)
          %dma_wait3A = arith.constant 0 : i32
          %dma_wait3A_91 = tpu.memref_slice %arg6[%dma_wait3A] : memref<2048xf32, #tpu.memory_space<vmem>> -> memref<640xf32, #tpu.memory_space<vmem>>
          %dma_wait3A_92 = arith.constant 399360 : i32
          %dma_wait3A_93 = tpu.memref_slice %arg4[%dma_wait3A_92] : memref<2400000xf32, #tpu.memory_space<hbm>> -> memref<640xf32, #tpu.memory_space<hbm>>
          %dma_wait3A_94 = arith.constant 399360 : i32
          %dma_wait3A_95 = tpu.memref_slice %arg4[%dma_wait3A_94] : memref<2400000xf32, #tpu.memory_space<hbm>> -> memref<640xf32, #tpu.memory_space<hbm>>
          %dma_wait3A_96 = arith.constant 0 : i32
          %dma_wait3A_97 = tpu.memref_slice %arg6[%dma_wait3A_96] : memref<2048xf32, #tpu.memory_space<vmem>> -> memref<640xf32, #tpu.memory_space<vmem>>
          tpu.wait_dma2 semaphore(%run_scoped3A : memref<!tpu.dma_semaphore, #tpu.memory_space<semaphore_mem>>) src(%dma_wait3A_97 : memref<640xf32, #tpu.memory_space<vmem>>) dst(%dma_wait3A_95 : memref<640xf32, #tpu.memory_space<hbm>>)
          tpu.yield
        }) : () -> ()
        %scan3A_34 = arith.constant 0 : i32
        %scan3A_35 = arith.constant 5 : i32
        %scan3A_36 = arith.addi %scan3A_34, %scan3A_35 : i32
        %scan3A_37 = arith.constant 1 : i32
        scf.for %scan3A_84 = %scan3A_34 to %scan3A_36 step %scan3A_37  : i32 {
          %mul3A_85 = arith.constant 1 : i32
          %mul3A_86 = arith.muli %scan3A_84, %mul3A_85 : i32
          %add3A_87 = arith.constant 0 : i32
          %add3A_88 = arith.addi %add3A_87, %mul3A_86 : i32
          %mul3A_89 = arith.constant 128 : i32
          %mul3A_90 = arith.muli %add3A_88, %mul3A_89 : i32
          %mul3A_91 = arith.constant 128 : i32
          %mul3A_92 = arith.muli %add3A_88, %mul3A_91 : i32
          %dma_start3A = tpu.memref_slice %arg6[%mul3A_92] : memref<2048xf32, #tpu.memory_space<vmem>> -> memref<128xf32, #tpu.memory_space<vmem>>
          %dma_start3A_93 = tpu.memref_slice %arg5[%mul3A_90] : memref<2048xi32, #tpu.memory_space<vmem>> -> memref<128xi32, #tpu.memory_space<vmem>>
          %dma_start3A_94 = arith.constant 100352 : i32
          %dma_start3A_95 = tpu.memref_slice %arg7[%dma_start3A_94] : memref<602112xf32, #tpu.memory_space<vmem_shared>> -> memref<100352xf32, #tpu.memory_space<vmem_shared>>
          %dma_start3A_96 = arith.constant 0 : i32
          %dma_start3A_97 = tpu.memref_slice %dma_start3A_95[%dma_start3A_96] : memref<100352xf32, #tpu.memory_space<vmem_shared>> -> memref<100352xf32, #tpu.memory_space<vmem_shared>>
          tpu.enqueue_indirect_dma source(%dma_start3A_97 : memref<100352xf32, #tpu.memory_space<vmem_shared>>) target(%dma_start3A : memref<128xf32, #tpu.memory_space<vmem>>) offsets(%dma_start3A_93 : memref<128xi32, #tpu.memory_space<vmem>>) semaphore(%arg8 : memref<!tpu.dma_semaphore, #tpu.memory_space<semaphore_mem>>)
        }
        %scan3A_38 = arith.constant 5 : i32
        %scan3A_39 = arith.constant 0 : i32
        %scan3A_40 = arith.constant 5 : i32
        %scan3A_41 = arith.addi %scan3A_39, %scan3A_40 : i32
        %scan3A_42 = arith.constant 1 : i32
        scf.for %scan3A_84 = %scan3A_39 to %scan3A_41 step %scan3A_42  : i32 {
          %mul3A_85 = arith.constant 1 : i32
          %mul3A_86 = arith.muli %scan3A_84, %mul3A_85 : i32
          %add3A_87 = arith.constant 0 : i32
          %add3A_88 = arith.addi %add3A_87, %mul3A_86 : i32
          %mul3A_89 = arith.constant 128 : i32
          %mul3A_90 = arith.muli %add3A_88, %mul3A_89 : i32
          %mul3A_91 = arith.constant 128 : i32
          %mul3A_92 = arith.muli %add3A_88, %mul3A_91 : i32
          %dma_wait3A = tpu.memref_slice %arg6[%mul3A_92] : memref<2048xf32, #tpu.memory_space<vmem>> -> memref<128xf32, #tpu.memory_space<vmem>>
          %dma_wait3A_93 = tpu.memref_slice %arg5[%mul3A_90] : memref<2048xi32, #tpu.memory_space<vmem>> -> memref<128xi32, #tpu.memory_space<vmem>>
          %dma_wait3A_94 = arith.constant 100352 : i32
          %dma_wait3A_95 = tpu.memref_slice %arg7[%dma_wait3A_94] : memref<602112xf32, #tpu.memory_space<vmem_shared>> -> memref<100352xf32, #tpu.memory_space<vmem_shared>>
          %dma_wait3A_96 = arith.constant 0 : i32
          %dma_wait3A_97 = tpu.memref_slice %dma_wait3A_95[%dma_wait3A_96] : memref<100352xf32, #tpu.memory_space<vmem_shared>> -> memref<100352xf32, #tpu.memory_space<vmem_shared>>
          tpu.wait_indirect_dma semaphore(%arg8 : memref<!tpu.dma_semaphore, #tpu.memory_space<semaphore_mem>>) src(%dma_wait3A_97 : memref<100352xf32, #tpu.memory_space<vmem_shared>>) dst(%dma_wait3A : memref<128xf32, #tpu.memory_space<vmem>>)
        }
        %scan3A_43 = arith.constant 5 : i32
        "tpu.region"() ({
          %run_scoped3A = tpu.sem_alloc : memref<!tpu.dma_semaphore, #tpu.memory_space<semaphore_mem>>
          %dma_start3A = arith.constant 0 : i32
          %dma_start3A_84 = tpu.memref_slice %arg6[%dma_start3A] : memref<2048xf32, #tpu.memory_space<vmem>> -> memref<640xf32, #tpu.memory_space<vmem>>
          %dma_start3A_85 = arith.constant 799360 : i32
          %dma_start3A_86 = tpu.memref_slice %arg4[%dma_start3A_85] : memref<2400000xf32, #tpu.memory_space<hbm>> -> memref<640xf32, #tpu.memory_space<hbm>>
          %dma_start3A_87 = arith.constant 799360 : i32
          %dma_start3A_88 = tpu.memref_slice %arg4[%dma_start3A_87] : memref<2400000xf32, #tpu.memory_space<hbm>> -> memref<640xf32, #tpu.memory_space<hbm>>
          %dma_start3A_89 = arith.constant 0 : i32
          %dma_start3A_90 = tpu.memref_slice %arg6[%dma_start3A_89] : memref<2048xf32, #tpu.memory_space<vmem>> -> memref<640xf32, #tpu.memory_space<vmem>>
          tpu.enqueue_dma source(%dma_start3A_90 : memref<640xf32, #tpu.memory_space<vmem>>) target(%dma_start3A_88 : memref<640xf32, #tpu.memory_space<hbm>>) target_semaphore(%run_scoped3A : memref<!tpu.dma_semaphore, #tpu.memory_space<semaphore_mem>>)
          %dma_wait3A = arith.constant 0 : i32
          %dma_wait3A_91 = tpu.memref_slice %arg6[%dma_wait3A] : memref<2048xf32, #tpu.memory_space<vmem>> -> memref<640xf32, #tpu.memory_space<vmem>>
          %dma_wait3A_92 = arith.constant 799360 : i32
          %dma_wait3A_93 = tpu.memref_slice %arg4[%dma_wait3A_92] : memref<2400000xf32, #tpu.memory_space<hbm>> -> memref<640xf32, #tpu.memory_space<hbm>>
          %dma_wait3A_94 = arith.constant 799360 : i32
          %dma_wait3A_95 = tpu.memref_slice %arg4[%dma_wait3A_94] : memref<2400000xf32, #tpu.memory_space<hbm>> -> memref<640xf32, #tpu.memory_space<hbm>>
          %dma_wait3A_96 = arith.constant 0 : i32
          %dma_wait3A_97 = tpu.memref_slice %arg6[%dma_wait3A_96] : memref<2048xf32, #tpu.memory_space<vmem>> -> memref<640xf32, #tpu.memory_space<vmem>>
          tpu.wait_dma2 semaphore(%run_scoped3A : memref<!tpu.dma_semaphore, #tpu.memory_space<semaphore_mem>>) src(%dma_wait3A_97 : memref<640xf32, #tpu.memory_space<vmem>>) dst(%dma_wait3A_95 : memref<640xf32, #tpu.memory_space<hbm>>)
          tpu.yield
        }) : () -> ()
        %scan3A_44 = arith.constant 0 : i32
        %scan3A_45 = arith.constant 5 : i32
        %scan3A_46 = arith.addi %scan3A_44, %scan3A_45 : i32
        %scan3A_47 = arith.constant 1 : i32
        scf.for %scan3A_84 = %scan3A_44 to %scan3A_46 step %scan3A_47  : i32 {
          %mul3A_85 = arith.constant 1 : i32
          %mul3A_86 = arith.muli %scan3A_84, %mul3A_85 : i32
          %add3A_87 = arith.constant 0 : i32
          %add3A_88 = arith.addi %add3A_87, %mul3A_86 : i32
          %mul3A_89 = arith.constant 128 : i32
          %mul3A_90 = arith.muli %add3A_88, %mul3A_89 : i32
          %mul3A_91 = arith.constant 128 : i32
          %mul3A_92 = arith.muli %add3A_88, %mul3A_91 : i32
          %dma_start3A = tpu.memref_slice %arg6[%mul3A_92] : memref<2048xf32, #tpu.memory_space<vmem>> -> memref<128xf32, #tpu.memory_space<vmem>>
          %dma_start3A_93 = tpu.memref_slice %arg5[%mul3A_90] : memref<2048xi32, #tpu.memory_space<vmem>> -> memref<128xi32, #tpu.memory_space<vmem>>
          %dma_start3A_94 = arith.constant 200704 : i32
          %dma_start3A_95 = tpu.memref_slice %arg7[%dma_start3A_94] : memref<602112xf32, #tpu.memory_space<vmem_shared>> -> memref<100352xf32, #tpu.memory_space<vmem_shared>>
          %dma_start3A_96 = arith.constant 0 : i32
          %dma_start3A_97 = tpu.memref_slice %dma_start3A_95[%dma_start3A_96] : memref<100352xf32, #tpu.memory_space<vmem_shared>> -> memref<100352xf32, #tpu.memory_space<vmem_shared>>
          tpu.enqueue_indirect_dma source(%dma_start3A_97 : memref<100352xf32, #tpu.memory_space<vmem_shared>>) target(%dma_start3A : memref<128xf32, #tpu.memory_space<vmem>>) offsets(%dma_start3A_93 : memref<128xi32, #tpu.memory_space<vmem>>) semaphore(%arg8 : memref<!tpu.dma_semaphore, #tpu.memory_space<semaphore_mem>>)
        }
        %scan3A_48 = arith.constant 5 : i32
        %scan3A_49 = arith.constant 0 : i32
        %scan3A_50 = arith.constant 5 : i32
        %scan3A_51 = arith.addi %scan3A_49, %scan3A_50 : i32
        %scan3A_52 = arith.constant 1 : i32
        scf.for %scan3A_84 = %scan3A_49 to %scan3A_51 step %scan3A_52  : i32 {
          %mul3A_85 = arith.constant 1 : i32
          %mul3A_86 = arith.muli %scan3A_84, %mul3A_85 : i32
          %add3A_87 = arith.constant 0 : i32
          %add3A_88 = arith.addi %add3A_87, %mul3A_86 : i32
          %mul3A_89 = arith.constant 128 : i32
          %mul3A_90 = arith.muli %add3A_88, %mul3A_89 : i32
          %mul3A_91 = arith.constant 128 : i32
          %mul3A_92 = arith.muli %add3A_88, %mul3A_91 : i32
          %dma_wait3A = tpu.memref_slice %arg6[%mul3A_92] : memref<2048xf32, #tpu.memory_space<vmem>> -> memref<128xf32, #tpu.memory_space<vmem>>
          %dma_wait3A_93 = tpu.memref_slice %arg5[%mul3A_90] : memref<2048xi32, #tpu.memory_space<vmem>> -> memref<128xi32, #tpu.memory_space<vmem>>
          %dma_wait3A_94 = arith.constant 200704 : i32
          %dma_wait3A_95 = tpu.memref_slice %arg7[%dma_wait3A_94] : memref<602112xf32, #tpu.memory_space<vmem_shared>> -> memref<100352xf32, #tpu.memory_space<vmem_shared>>
          %dma_wait3A_96 = arith.constant 0 : i32
          %dma_wait3A_97 = tpu.memref_slice %dma_wait3A_95[%dma_wait3A_96] : memref<100352xf32, #tpu.memory_space<vmem_shared>> -> memref<100352xf32, #tpu.memory_space<vmem_shared>>
          tpu.wait_indirect_dma semaphore(%arg8 : memref<!tpu.dma_semaphore, #tpu.memory_space<semaphore_mem>>) src(%dma_wait3A_97 : memref<100352xf32, #tpu.memory_space<vmem_shared>>) dst(%dma_wait3A : memref<128xf32, #tpu.memory_space<vmem>>)
        }
        %scan3A_53 = arith.constant 5 : i32
        "tpu.region"() ({
          %run_scoped3A = tpu.sem_alloc : memref<!tpu.dma_semaphore, #tpu.memory_space<semaphore_mem>>
          %dma_start3A = arith.constant 0 : i32
          %dma_start3A_84 = tpu.memref_slice %arg6[%dma_start3A] : memref<2048xf32, #tpu.memory_space<vmem>> -> memref<640xf32, #tpu.memory_space<vmem>>
          %dma_start3A_85 = arith.constant 1199360 : i32
          %dma_start3A_86 = tpu.memref_slice %arg4[%dma_start3A_85] : memref<2400000xf32, #tpu.memory_space<hbm>> -> memref<640xf32, #tpu.memory_space<hbm>>
          %dma_start3A_87 = arith.constant 1199360 : i32
          %dma_start3A_88 = tpu.memref_slice %arg4[%dma_start3A_87] : memref<2400000xf32, #tpu.memory_space<hbm>> -> memref<640xf32, #tpu.memory_space<hbm>>
          %dma_start3A_89 = arith.constant 0 : i32
          %dma_start3A_90 = tpu.memref_slice %arg6[%dma_start3A_89] : memref<2048xf32, #tpu.memory_space<vmem>> -> memref<640xf32, #tpu.memory_space<vmem>>
          tpu.enqueue_dma source(%dma_start3A_90 : memref<640xf32, #tpu.memory_space<vmem>>) target(%dma_start3A_88 : memref<640xf32, #tpu.memory_space<hbm>>) target_semaphore(%run_scoped3A : memref<!tpu.dma_semaphore, #tpu.memory_space<semaphore_mem>>)
          %dma_wait3A = arith.constant 0 : i32
          %dma_wait3A_91 = tpu.memref_slice %arg6[%dma_wait3A] : memref<2048xf32, #tpu.memory_space<vmem>> -> memref<640xf32, #tpu.memory_space<vmem>>
          %dma_wait3A_92 = arith.constant 1199360 : i32
          %dma_wait3A_93 = tpu.memref_slice %arg4[%dma_wait3A_92] : memref<2400000xf32, #tpu.memory_space<hbm>> -> memref<640xf32, #tpu.memory_space<hbm>>
          %dma_wait3A_94 = arith.constant 1199360 : i32
          %dma_wait3A_95 = tpu.memref_slice %arg4[%dma_wait3A_94] : memref<2400000xf32, #tpu.memory_space<hbm>> -> memref<640xf32, #tpu.memory_space<hbm>>
          %dma_wait3A_96 = arith.constant 0 : i32
          %dma_wait3A_97 = tpu.memref_slice %arg6[%dma_wait3A_96] : memref<2048xf32, #tpu.memory_space<vmem>> -> memref<640xf32, #tpu.memory_space<vmem>>
          tpu.wait_dma2 semaphore(%run_scoped3A : memref<!tpu.dma_semaphore, #tpu.memory_space<semaphore_mem>>) src(%dma_wait3A_97 : memref<640xf32, #tpu.memory_space<vmem>>) dst(%dma_wait3A_95 : memref<640xf32, #tpu.memory_space<hbm>>)
          tpu.yield
        }) : () -> ()
        %scan3A_54 = arith.constant 0 : i32
        %scan3A_55 = arith.constant 5 : i32
        %scan3A_56 = arith.addi %scan3A_54, %scan3A_55 : i32
        %scan3A_57 = arith.constant 1 : i32
        scf.for %scan3A_84 = %scan3A_54 to %scan3A_56 step %scan3A_57  : i32 {
          %mul3A_85 = arith.constant 1 : i32
          %mul3A_86 = arith.muli %scan3A_84, %mul3A_85 : i32
          %add3A_87 = arith.constant 0 : i32
          %add3A_88 = arith.addi %add3A_87, %mul3A_86 : i32
          %mul3A_89 = arith.constant 128 : i32
          %mul3A_90 = arith.muli %add3A_88, %mul3A_89 : i32
          %mul3A_91 = arith.constant 128 : i32
          %mul3A_92 = arith.muli %add3A_88, %mul3A_91 : i32
          %dma_start3A = tpu.memref_slice %arg6[%mul3A_92] : memref<2048xf32, #tpu.memory_space<vmem>> -> memref<128xf32, #tpu.memory_space<vmem>>
          %dma_start3A_93 = tpu.memref_slice %arg5[%mul3A_90] : memref<2048xi32, #tpu.memory_space<vmem>> -> memref<128xi32, #tpu.memory_space<vmem>>
          %dma_start3A_94 = arith.constant 301056 : i32
          %dma_start3A_95 = tpu.memref_slice %arg7[%dma_start3A_94] : memref<602112xf32, #tpu.memory_space<vmem_shared>> -> memref<100352xf32, #tpu.memory_space<vmem_shared>>
          %dma_start3A_96 = arith.constant 0 : i32
          %dma_start3A_97 = tpu.memref_slice %dma_start3A_95[%dma_start3A_96] : memref<100352xf32, #tpu.memory_space<vmem_shared>> -> memref<100352xf32, #tpu.memory_space<vmem_shared>>
          tpu.enqueue_indirect_dma source(%dma_start3A_97 : memref<100352xf32, #tpu.memory_space<vmem_shared>>) target(%dma_start3A : memref<128xf32, #tpu.memory_space<vmem>>) offsets(%dma_start3A_93 : memref<128xi32, #tpu.memory_space<vmem>>) semaphore(%arg8 : memref<!tpu.dma_semaphore, #tpu.memory_space<semaphore_mem>>)
        }
        %scan3A_58 = arith.constant 5 : i32
        %scan3A_59 = arith.constant 0 : i32
        %scan3A_60 = arith.constant 5 : i32
        %scan3A_61 = arith.addi %scan3A_59, %scan3A_60 : i32
        %scan3A_62 = arith.constant 1 : i32
        scf.for %scan3A_84 = %scan3A_59 to %scan3A_61 step %scan3A_62  : i32 {
          %mul3A_85 = arith.constant 1 : i32
          %mul3A_86 = arith.muli %scan3A_84, %mul3A_85 : i32
          %add3A_87 = arith.constant 0 : i32
          %add3A_88 = arith.addi %add3A_87, %mul3A_86 : i32
          %mul3A_89 = arith.constant 128 : i32
          %mul3A_90 = arith.muli %add3A_88, %mul3A_89 : i32
          %mul3A_91 = arith.constant 128 : i32
          %mul3A_92 = arith.muli %add3A_88, %mul3A_91 : i32
          %dma_wait3A = tpu.memref_slice %arg6[%mul3A_92] : memref<2048xf32, #tpu.memory_space<vmem>> -> memref<128xf32, #tpu.memory_space<vmem>>
          %dma_wait3A_93 = tpu.memref_slice %arg5[%mul3A_90] : memref<2048xi32, #tpu.memory_space<vmem>> -> memref<128xi32, #tpu.memory_space<vmem>>
          %dma_wait3A_94 = arith.constant 301056 : i32
          %dma_wait3A_95 = tpu.memref_slice %arg7[%dma_wait3A_94] : memref<602112xf32, #tpu.memory_space<vmem_shared>> -> memref<100352xf32, #tpu.memory_space<vmem_shared>>
          %dma_wait3A_96 = arith.constant 0 : i32
          %dma_wait3A_97 = tpu.memref_slice %dma_wait3A_95[%dma_wait3A_96] : memref<100352xf32, #tpu.memory_space<vmem_shared>> -> memref<100352xf32, #tpu.memory_space<vmem_shared>>
          tpu.wait_indirect_dma semaphore(%arg8 : memref<!tpu.dma_semaphore, #tpu.memory_space<semaphore_mem>>) src(%dma_wait3A_97 : memref<100352xf32, #tpu.memory_space<vmem_shared>>) dst(%dma_wait3A : memref<128xf32, #tpu.memory_space<vmem>>)
        }
        %scan3A_63 = arith.constant 5 : i32
        "tpu.region"() ({
          %run_scoped3A = tpu.sem_alloc : memref<!tpu.dma_semaphore, #tpu.memory_space<semaphore_mem>>
          %dma_start3A = arith.constant 0 : i32
          %dma_start3A_84 = tpu.memref_slice %arg6[%dma_start3A] : memref<2048xf32, #tpu.memory_space<vmem>> -> memref<640xf32, #tpu.memory_space<vmem>>
          %dma_start3A_85 = arith.constant 1599360 : i32
          %dma_start3A_86 = tpu.memref_slice %arg4[%dma_start3A_85] : memref<2400000xf32, #tpu.memory_space<hbm>> -> memref<640xf32, #tpu.memory_space<hbm>>
          %dma_start3A_87 = arith.constant 1599360 : i32
          %dma_start3A_88 = tpu.memref_slice %arg4[%dma_start3A_87] : memref<2400000xf32, #tpu.memory_space<hbm>> -> memref<640xf32, #tpu.memory_space<hbm>>
          %dma_start3A_89 = arith.constant 0 : i32
          %dma_start3A_90 = tpu.memref_slice %arg6[%dma_start3A_89] : memref<2048xf32, #tpu.memory_space<vmem>> -> memref<640xf32, #tpu.memory_space<vmem>>
          tpu.enqueue_dma source(%dma_start3A_90 : memref<640xf32, #tpu.memory_space<vmem>>) target(%dma_start3A_88 : memref<640xf32, #tpu.memory_space<hbm>>) target_semaphore(%run_scoped3A : memref<!tpu.dma_semaphore, #tpu.memory_space<semaphore_mem>>)
          %dma_wait3A = arith.constant 0 : i32
          %dma_wait3A_91 = tpu.memref_slice %arg6[%dma_wait3A] : memref<2048xf32, #tpu.memory_space<vmem>> -> memref<640xf32, #tpu.memory_space<vmem>>
          %dma_wait3A_92 = arith.constant 1599360 : i32
          %dma_wait3A_93 = tpu.memref_slice %arg4[%dma_wait3A_92] : memref<2400000xf32, #tpu.memory_space<hbm>> -> memref<640xf32, #tpu.memory_space<hbm>>
          %dma_wait3A_94 = arith.constant 1599360 : i32
          %dma_wait3A_95 = tpu.memref_slice %arg4[%dma_wait3A_94] : memref<2400000xf32, #tpu.memory_space<hbm>> -> memref<640xf32, #tpu.memory_space<hbm>>
          %dma_wait3A_96 = arith.constant 0 : i32
          %dma_wait3A_97 = tpu.memref_slice %arg6[%dma_wait3A_96] : memref<2048xf32, #tpu.memory_space<vmem>> -> memref<640xf32, #tpu.memory_space<vmem>>
          tpu.wait_dma2 semaphore(%run_scoped3A : memref<!tpu.dma_semaphore, #tpu.memory_space<semaphore_mem>>) src(%dma_wait3A_97 : memref<640xf32, #tpu.memory_space<vmem>>) dst(%dma_wait3A_95 : memref<640xf32, #tpu.memory_space<hbm>>)
          tpu.yield
        }) : () -> ()
        %scan3A_64 = arith.constant 0 : i32
        %scan3A_65 = arith.constant 5 : i32
        %scan3A_66 = arith.addi %scan3A_64, %scan3A_65 : i32
        %scan3A_67 = arith.constant 1 : i32
        scf.for %scan3A_84 = %scan3A_64 to %scan3A_66 step %scan3A_67  : i32 {
          %mul3A_85 = arith.constant 1 : i32
          %mul3A_86 = arith.muli %scan3A_84, %mul3A_85 : i32
          %add3A_87 = arith.constant 0 : i32
          %add3A_88 = arith.addi %add3A_87, %mul3A_86 : i32
          %mul3A_89 = arith.constant 128 : i32
          %mul3A_90 = arith.muli %add3A_88, %mul3A_89 : i32
          %mul3A_91 = arith.constant 128 : i32
          %mul3A_92 = arith.muli %add3A_88, %mul3A_91 : i32
          %dma_start3A = tpu.memref_slice %arg6[%mul3A_92] : memref<2048xf32, #tpu.memory_space<vmem>> -> memref<128xf32, #tpu.memory_space<vmem>>
          %dma_start3A_93 = tpu.memref_slice %arg5[%mul3A_90] : memref<2048xi32, #tpu.memory_space<vmem>> -> memref<128xi32, #tpu.memory_space<vmem>>
          %dma_start3A_94 = arith.constant 401408 : i32
          %dma_start3A_95 = tpu.memref_slice %arg7[%dma_start3A_94] : memref<602112xf32, #tpu.memory_space<vmem_shared>> -> memref<100352xf32, #tpu.memory_space<vmem_shared>>
          %dma_start3A_96 = arith.constant 0 : i32
          %dma_start3A_97 = tpu.memref_slice %dma_start3A_95[%dma_start3A_96] : memref<100352xf32, #tpu.memory_space<vmem_shared>> -> memref<100352xf32, #tpu.memory_space<vmem_shared>>
          tpu.enqueue_indirect_dma source(%dma_start3A_97 : memref<100352xf32, #tpu.memory_space<vmem_shared>>) target(%dma_start3A : memref<128xf32, #tpu.memory_space<vmem>>) offsets(%dma_start3A_93 : memref<128xi32, #tpu.memory_space<vmem>>) semaphore(%arg8 : memref<!tpu.dma_semaphore, #tpu.memory_space<semaphore_mem>>)
        }
        %scan3A_68 = arith.constant 5 : i32
        %scan3A_69 = arith.constant 0 : i32
        %scan3A_70 = arith.constant 5 : i32
        %scan3A_71 = arith.addi %scan3A_69, %scan3A_70 : i32
        %scan3A_72 = arith.constant 1 : i32
        scf.for %scan3A_84 = %scan3A_69 to %scan3A_71 step %scan3A_72  : i32 {
          %mul3A_85 = arith.constant 1 : i32
          %mul3A_86 = arith.muli %scan3A_84, %mul3A_85 : i32
          %add3A_87 = arith.constant 0 : i32
          %add3A_88 = arith.addi %add3A_87, %mul3A_86 : i32
          %mul3A_89 = arith.constant 128 : i32
          %mul3A_90 = arith.muli %add3A_88, %mul3A_89 : i32
          %mul3A_91 = arith.constant 128 : i32
          %mul3A_92 = arith.muli %add3A_88, %mul3A_91 : i32
          %dma_wait3A = tpu.memref_slice %arg6[%mul3A_92] : memref<2048xf32, #tpu.memory_space<vmem>> -> memref<128xf32, #tpu.memory_space<vmem>>
          %dma_wait3A_93 = tpu.memref_slice %arg5[%mul3A_90] : memref<2048xi32, #tpu.memory_space<vmem>> -> memref<128xi32, #tpu.memory_space<vmem>>
          %dma_wait3A_94 = arith.constant 401408 : i32
          %dma_wait3A_95 = tpu.memref_slice %arg7[%dma_wait3A_94] : memref<602112xf32, #tpu.memory_space<vmem_shared>> -> memref<100352xf32, #tpu.memory_space<vmem_shared>>
          %dma_wait3A_96 = arith.constant 0 : i32
          %dma_wait3A_97 = tpu.memref_slice %dma_wait3A_95[%dma_wait3A_96] : memref<100352xf32, #tpu.memory_space<vmem_shared>> -> memref<100352xf32, #tpu.memory_space<vmem_shared>>
          tpu.wait_indirect_dma semaphore(%arg8 : memref<!tpu.dma_semaphore, #tpu.memory_space<semaphore_mem>>) src(%dma_wait3A_97 : memref<100352xf32, #tpu.memory_space<vmem_shared>>) dst(%dma_wait3A : memref<128xf32, #tpu.memory_space<vmem>>)
        }
        %scan3A_73 = arith.constant 5 : i32
        "tpu.region"() ({
          %run_scoped3A = tpu.sem_alloc : memref<!tpu.dma_semaphore, #tpu.memory_space<semaphore_mem>>
          %dma_start3A = arith.constant 0 : i32
          %dma_start3A_84 = tpu.memref_slice %arg6[%dma_start3A] : memref<2048xf32, #tpu.memory_space<vmem>> -> memref<640xf32, #tpu.memory_space<vmem>>
          %dma_start3A_85 = arith.constant 1999360 : i32
          %dma_start3A_86 = tpu.memref_slice %arg4[%dma_start3A_85] : memref<2400000xf32, #tpu.memory_space<hbm>> -> memref<640xf32, #tpu.memory_space<hbm>>
          %dma_start3A_87 = arith.constant 1999360 : i32
          %dma_start3A_88 = tpu.memref_slice %arg4[%dma_start3A_87] : memref<2400000xf32, #tpu.memory_space<hbm>> -> memref<640xf32, #tpu.memory_space<hbm>>
          %dma_start3A_89 = arith.constant 0 : i32
          %dma_start3A_90 = tpu.memref_slice %arg6[%dma_start3A_89] : memref<2048xf32, #tpu.memory_space<vmem>> -> memref<640xf32, #tpu.memory_space<vmem>>
          tpu.enqueue_dma source(%dma_start3A_90 : memref<640xf32, #tpu.memory_space<vmem>>) target(%dma_start3A_88 : memref<640xf32, #tpu.memory_space<hbm>>) target_semaphore(%run_scoped3A : memref<!tpu.dma_semaphore, #tpu.memory_space<semaphore_mem>>)
          %dma_wait3A = arith.constant 0 : i32
          %dma_wait3A_91 = tpu.memref_slice %arg6[%dma_wait3A] : memref<2048xf32, #tpu.memory_space<vmem>> -> memref<640xf32, #tpu.memory_space<vmem>>
          %dma_wait3A_92 = arith.constant 1999360 : i32
          %dma_wait3A_93 = tpu.memref_slice %arg4[%dma_wait3A_92] : memref<2400000xf32, #tpu.memory_space<hbm>> -> memref<640xf32, #tpu.memory_space<hbm>>
          %dma_wait3A_94 = arith.constant 1999360 : i32
          %dma_wait3A_95 = tpu.memref_slice %arg4[%dma_wait3A_94] : memref<2400000xf32, #tpu.memory_space<hbm>> -> memref<640xf32, #tpu.memory_space<hbm>>
          %dma_wait3A_96 = arith.constant 0 : i32
          %dma_wait3A_97 = tpu.memref_slice %arg6[%dma_wait3A_96] : memref<2048xf32, #tpu.memory_space<vmem>> -> memref<640xf32, #tpu.memory_space<vmem>>
          tpu.wait_dma2 semaphore(%run_scoped3A : memref<!tpu.dma_semaphore, #tpu.memory_space<semaphore_mem>>) src(%dma_wait3A_97 : memref<640xf32, #tpu.memory_space<vmem>>) dst(%dma_wait3A_95 : memref<640xf32, #tpu.memory_space<hbm>>)
          tpu.yield
        }) : () -> ()
        %scan3A_74 = arith.constant 0 : i32
        %scan3A_75 = arith.constant 5 : i32
        %scan3A_76 = arith.addi %scan3A_74, %scan3A_75 : i32
        %scan3A_77 = arith.constant 1 : i32
        scf.for %scan3A_84 = %scan3A_74 to %scan3A_76 step %scan3A_77  : i32 {
          %mul3A_85 = arith.constant 1 : i32
          %mul3A_86 = arith.muli %scan3A_84, %mul3A_85 : i32
          %add3A_87 = arith.constant 0 : i32
          %add3A_88 = arith.addi %add3A_87, %mul3A_86 : i32
          %mul3A_89 = arith.constant 128 : i32
          %mul3A_90 = arith.muli %add3A_88, %mul3A_89 : i32
          %mul3A_91 = arith.constant 128 : i32
          %mul3A_92 = arith.muli %add3A_88, %mul3A_91 : i32
          %dma_start3A = tpu.memref_slice %arg6[%mul3A_92] : memref<2048xf32, #tpu.memory_space<vmem>> -> memref<128xf32, #tpu.memory_space<vmem>>
          %dma_start3A_93 = tpu.memref_slice %arg5[%mul3A_90] : memref<2048xi32, #tpu.memory_space<vmem>> -> memref<128xi32, #tpu.memory_space<vmem>>
          %dma_start3A_94 = arith.constant 501760 : i32
          %dma_start3A_95 = tpu.memref_slice %arg7[%dma_start3A_94] : memref<602112xf32, #tpu.memory_space<vmem_shared>> -> memref<100352xf32, #tpu.memory_space<vmem_shared>>
          %dma_start3A_96 = arith.constant 0 : i32
          %dma_start3A_97 = tpu.memref_slice %dma_start3A_95[%dma_start3A_96] : memref<100352xf32, #tpu.memory_space<vmem_shared>> -> memref<100352xf32, #tpu.memory_space<vmem_shared>>
          tpu.enqueue_indirect_dma source(%dma_start3A_97 : memref<100352xf32, #tpu.memory_space<vmem_shared>>) target(%dma_start3A : memref<128xf32, #tpu.memory_space<vmem>>) offsets(%dma_start3A_93 : memref<128xi32, #tpu.memory_space<vmem>>) semaphore(%arg8 : memref<!tpu.dma_semaphore, #tpu.memory_space<semaphore_mem>>)
        }
        %scan3A_78 = arith.constant 5 : i32
        %scan3A_79 = arith.constant 0 : i32
        %scan3A_80 = arith.constant 5 : i32
        %scan3A_81 = arith.addi %scan3A_79, %scan3A_80 : i32
        %scan3A_82 = arith.constant 1 : i32
        scf.for %scan3A_84 = %scan3A_79 to %scan3A_81 step %scan3A_82  : i32 {
          %mul3A_85 = arith.constant 1 : i32
          %mul3A_86 = arith.muli %scan3A_84, %mul3A_85 : i32
          %add3A_87 = arith.constant 0 : i32
          %add3A_88 = arith.addi %add3A_87, %mul3A_86 : i32
          %mul3A_89 = arith.constant 128 : i32
          %mul3A_90 = arith.muli %add3A_88, %mul3A_89 : i32
          %mul3A_91 = arith.constant 128 : i32
          %mul3A_92 = arith.muli %add3A_88, %mul3A_91 : i32
          %dma_wait3A = tpu.memref_slice %arg6[%mul3A_92] : memref<2048xf32, #tpu.memory_space<vmem>> -> memref<128xf32, #tpu.memory_space<vmem>>
          %dma_wait3A_93 = tpu.memref_slice %arg5[%mul3A_90] : memref<2048xi32, #tpu.memory_space<vmem>> -> memref<128xi32, #tpu.memory_space<vmem>>
          %dma_wait3A_94 = arith.constant 501760 : i32
          %dma_wait3A_95 = tpu.memref_slice %arg7[%dma_wait3A_94] : memref<602112xf32, #tpu.memory_space<vmem_shared>> -> memref<100352xf32, #tpu.memory_space<vmem_shared>>
          %dma_wait3A_96 = arith.constant 0 : i32
          %dma_wait3A_97 = tpu.memref_slice %dma_wait3A_95[%dma_wait3A_96] : memref<100352xf32, #tpu.memory_space<vmem_shared>> -> memref<100352xf32, #tpu.memory_space<vmem_shared>>
          tpu.wait_indirect_dma semaphore(%arg8 : memref<!tpu.dma_semaphore, #tpu.memory_space<semaphore_mem>>) src(%dma_wait3A_97 : memref<100352xf32, #tpu.memory_space<vmem_shared>>) dst(%dma_wait3A : memref<128xf32, #tpu.memory_space<vmem>>)
        }
        %scan3A_83 = arith.constant 5 : i32
        "tpu.region"() ({
          %run_scoped3A = tpu.sem_alloc : memref<!tpu.dma_semaphore, #tpu.memory_space<semaphore_mem>>
          %dma_start3A = arith.constant 0 : i32
          %dma_start3A_84 = tpu.memref_slice %arg6[%dma_start3A] : memref<2048xf32, #tpu.memory_space<vmem>> -> memref<640xf32, #tpu.memory_space<vmem>>
          %dma_start3A_85 = arith.constant 2399360 : i32
          %dma_start3A_86 = tpu.memref_slice %arg4[%dma_start3A_85] : memref<2400000xf32, #tpu.memory_space<hbm>> -> memref<640xf32, #tpu.memory_space<hbm>>
          %dma_start3A_87 = arith.constant 2399360 : i32
          %dma_start3A_88 = tpu.memref_slice %arg4[%dma_start3A_87] : memref<2400000xf32, #tpu.memory_space<hbm>> -> memref<640xf32, #tpu.memory_space<hbm>>
          %dma_start3A_89 = arith.constant 0 : i32
          %dma_start3A_90 = tpu.memref_slice %arg6[%dma_start3A_89] : memref<2048xf32, #tpu.memory_space<vmem>> -> memref<640xf32, #tpu.memory_space<vmem>>
          tpu.enqueue_dma source(%dma_start3A_90 : memref<640xf32, #tpu.memory_space<vmem>>) target(%dma_start3A_88 : memref<640xf32, #tpu.memory_space<hbm>>) target_semaphore(%run_scoped3A : memref<!tpu.dma_semaphore, #tpu.memory_space<semaphore_mem>>)
          %dma_wait3A = arith.constant 0 : i32
          %dma_wait3A_91 = tpu.memref_slice %arg6[%dma_wait3A] : memref<2048xf32, #tpu.memory_space<vmem>> -> memref<640xf32, #tpu.memory_space<vmem>>
          %dma_wait3A_92 = arith.constant 2399360 : i32
          %dma_wait3A_93 = tpu.memref_slice %arg4[%dma_wait3A_92] : memref<2400000xf32, #tpu.memory_space<hbm>> -> memref<640xf32, #tpu.memory_space<hbm>>
          %dma_wait3A_94 = arith.constant 2399360 : i32
          %dma_wait3A_95 = tpu.memref_slice %arg4[%dma_wait3A_94] : memref<2400000xf32, #tpu.memory_space<hbm>> -> memref<640xf32, #tpu.memory_space<hbm>>
          %dma_wait3A_96 = arith.constant 0 : i32
          %dma_wait3A_97 = tpu.memref_slice %arg6[%dma_wait3A_96] : memref<2048xf32, #tpu.memory_space<vmem>> -> memref<640xf32, #tpu.memory_space<vmem>>
          tpu.wait_dma2 semaphore(%run_scoped3A : memref<!tpu.dma_semaphore, #tpu.memory_space<semaphore_mem>>) src(%dma_wait3A_97 : memref<640xf32, #tpu.memory_space<vmem>>) dst(%dma_wait3A_95 : memref<640xf32, #tpu.memory_space<hbm>>)
          tpu.yield
        }) : () -> ()
      } else {
      }
    }
    %scan3A_9 = arith.constant 7 : i32
    return
  }
}

module attributes {stable_mosaic.version = 14 : i64} {
  func.func @body(%arg0: i32, %arg1: memref<4000x128xbf16, #tpu.memory_space<vmem>>, %arg2: memref<2x25x4000xf32, #tpu.memory_space<vmem>>, %arg3: memref<128x128xbf16, #tpu.memory_space<vmem>>, %arg4: memref<1x128xf32, #tpu.memory_space<vmem>>, %arg5: memref<1x128xf32, #tpu.memory_space<vmem>>) attributes {dimension_semantics = [#tpu.dimension_semantics<arbitrary>], iteration_bounds = array<i64: 25>, scalar_prefetch = 0 : i64, scratch_operands = 0 : i64, tpu.core_type = #tpu.core_type<tc>, window_params = [{transform_indices = @transform_0, window_bounds = array<i64: 4000, 128>}, {pipeline_mode = #tpu.pipeline_mode<synchronous>, transform_indices = @transform_1, window_bounds = array<i64: 2, 25, 4000>}, {pipeline_mode = #tpu.pipeline_mode<synchronous>, transform_indices = @transform_2, window_bounds = array<i64: 128, 128>}, {pipeline_mode = #tpu.pipeline_mode<synchronous>, transform_indices = @transform_3, window_bounds = array<i64: 1, 128>}, {pipeline_mode = #tpu.pipeline_mode<synchronous>, transform_indices = @transform_4, window_bounds = array<i64: 1, 128>}]} {
    %get3A = arith.constant 0 : index
    %get3A_0 = arith.index_cast %arg0 : i32 to index
    %get3A_1 = arith.constant 0 : index
    %get3A_2 = vector.load %arg2[%get3A, %get3A_0, %get3A_1] : memref<2x25x4000xf32, #tpu.memory_space<vmem>>, vector<2x1x4000xf32>
    %reduce_sum3A = arith.constant dense<0.000000e+00> : vector<1x4000xf32>
    %reduce_sum3A_3 = vector.multi_reduction <add>, %get3A_2, %reduce_sum3A [0] : vector<2x1x4000xf32> to vector<1x4000xf32>
    %get3A_4 = arith.constant 0 : index
    %get3A_5 = arith.constant 0 : index
    %get3A_6 = vector.load %arg1[%get3A_4, %get3A_5] : memref<4000x128xbf16, #tpu.memory_space<vmem>>, vector<4000x128xbf16>
    %get3A_7 = arith.constant 0 : index
    %get3A_8 = arith.constant 0 : index
    %get3A_9 = vector.load %arg3[%get3A_7, %get3A_8] : memref<128x128xbf16, #tpu.memory_space<vmem>>, vector<128x128xbf16>
    %dot_general3A = arith.constant dense<0.000000e+00> : vector<4000x128xf32>
    %dot_general3A_10 = tpu.matmul %get3A_6, %get3A_9, %dot_general3A {dimension_numbers = #tpu.dot_dimension_numbers<[1], [0], [0], [1], [0, 0, 1, 1], [], []>, transpose_lhs_hint = false} : vector<4000x128xbf16>, vector<128x128xbf16>, vector<4000x128xf32> -> vector<4000x128xf32>
    %dot_general3A_11 = arith.constant dense<0.000000e+00> : vector<1x128xf32>
    %dot_general3A_12 = tpu.matmul %reduce_sum3A_3, %dot_general3A_10, %dot_general3A_11 {dimension_numbers = #tpu.dot_dimension_numbers<[1], [0], [0], [1], [0, 0, 1, 1], [], []>, transpose_lhs_hint = false} : vector<1x4000xf32>, vector<4000x128xf32>, vector<1x128xf32> -> vector<1x128xf32>
    %mul3A = arith.mulf %dot_general3A_10, %dot_general3A_10 : vector<4000x128xf32>
    %dot_general3A_13 = arith.constant dense<0.000000e+00> : vector<1x128xf32>
    %dot_general3A_14 = tpu.matmul %reduce_sum3A_3, %mul3A, %dot_general3A_13 {dimension_numbers = #tpu.dot_dimension_numbers<[1], [0], [0], [1], [0, 0, 1, 1], [], []>, transpose_lhs_hint = false} : vector<1x4000xf32>, vector<4000x128xf32>, vector<1x128xf32> -> vector<1x128xf32>
    %eq3A = arith.constant 0 : i32
    %eq3A_15 = arith.cmpi eq, %arg0, %eq3A : i32
    %convert_element_type3A = arith.extui %eq3A_15 : i1 to i32
    %cond3A = arith.constant 0 : i32
    %cond3A_16 = arith.cmpi ne, %convert_element_type3A, %cond3A : i32
    scf.if %cond3A_16 {
      %broadcast_in_dim3A = arith.constant 0.000000e+00 : f32
      %broadcast_in_dim3A_29 = vector.broadcast %broadcast_in_dim3A : f32 to vector<1x128xf32>
      %swap3A_30 = arith.constant 0 : index
      %swap3A_31 = arith.constant 0 : index
      %swap3A_32 = vector.load %arg4[%swap3A_30, %swap3A_31] : memref<1x128xf32, #tpu.memory_space<vmem>>, vector<1x128xf32>
      tpu.vector_store %arg4[%swap3A_30, %swap3A_31], %broadcast_in_dim3A_29 {strides = array<i32>} : memref<1x128xf32, #tpu.memory_space<vmem>>, vector<1x128xf32>,
      %broadcast_in_dim3A_33 = arith.constant 0.000000e+00 : f32
      %broadcast_in_dim3A_34 = vector.broadcast %broadcast_in_dim3A_33 : f32 to vector<1x128xf32>
      %swap3A_35 = arith.constant 0 : index
      %swap3A_36 = arith.constant 0 : index
      %swap3A_37 = vector.load %arg5[%swap3A_35, %swap3A_36] : memref<1x128xf32, #tpu.memory_space<vmem>>, vector<1x128xf32>
      tpu.vector_store %arg5[%swap3A_35, %swap3A_36], %broadcast_in_dim3A_34 {strides = array<i32>} : memref<1x128xf32, #tpu.memory_space<vmem>>, vector<1x128xf32>,
    } else {
    }
    %get3A_17 = arith.constant 0 : index
    %get3A_18 = arith.constant 0 : index
    %get3A_19 = vector.load %arg4[%get3A_17, %get3A_18] : memref<1x128xf32, #tpu.memory_space<vmem>>, vector<1x128xf32>
    %add3A = arith.addf %get3A_19, %dot_general3A_12 : vector<1x128xf32>
    %swap3A = arith.constant 0 : index
    %swap3A_20 = arith.constant 0 : index
    %swap3A_21 = vector.load %arg4[%swap3A, %swap3A_20] : memref<1x128xf32, #tpu.memory_space<vmem>>, vector<1x128xf32>
    tpu.vector_store %arg4[%swap3A, %swap3A_20], %add3A {strides = array<i32>} : memref<1x128xf32, #tpu.memory_space<vmem>>, vector<1x128xf32>,
    %get3A_22 = arith.constant 0 : index
    %get3A_23 = arith.constant 0 : index
    %get3A_24 = vector.load %arg5[%get3A_22, %get3A_23] : memref<1x128xf32, #tpu.memory_space<vmem>>, vector<1x128xf32>
    %add3A_25 = arith.addf %get3A_24, %dot_general3A_14 : vector<1x128xf32>
    %swap3A_26 = arith.constant 0 : index
    %swap3A_27 = arith.constant 0 : index
    %swap3A_28 = vector.load %arg5[%swap3A_26, %swap3A_27] : memref<1x128xf32, #tpu.memory_space<vmem>>, vector<1x128xf32>
    tpu.vector_store %arg5[%swap3A_26, %swap3A_27], %add3A_25 {strides = array<i32>} : memref<1x128xf32, #tpu.memory_space<vmem>>, vector<1x128xf32>,
    return
  }
  func.func @transform_0(%arg0: i32) -> (i32, i32) {
    %c0_i32 = arith.constant 0 : i32
    %c0_i32_0 = arith.constant 0 : i32
    return %arg0, %c0_i32 : i32, i32
  }
  func.func @transform_1(%arg0: i32) -> (i32, i32, i32) {
    %c0_i32 = arith.constant 0 : i32
    %c0_i32_0 = arith.constant 0 : i32
    %c0_i32_1 = arith.constant 0 : i32
    %c0_i32_2 = arith.constant 0 : i32
    return %c0_i32, %c0_i32_0, %c0_i32_1 : i32, i32, i32
  }
  func.func @transform_2(%arg0: i32) -> (i32, i32) {
    %c0_i32 = arith.constant 0 : i32
    %c0_i32_0 = arith.constant 0 : i32
    %c0_i32_1 = arith.constant 0 : i32
    return %c0_i32, %c0_i32_0 : i32, i32
  }
  func.func @transform_3(%arg0: i32) -> (i32, i32) {
    %c0_i32 = arith.constant 0 : i32
    %c0_i32_0 = arith.constant 0 : i32
    %c0_i32_1 = arith.constant 0 : i32
    return %c0_i32, %c0_i32_0 : i32, i32
  }
  func.func @transform_4(%arg0: i32) -> (i32, i32) {
    %c0_i32 = arith.constant 0 : i32
    %c0_i32_0 = arith.constant 0 : i32
    %c0_i32_1 = arith.constant 0 : i32
    return %c0_i32, %c0_i32_0 : i32, i32
  }
}

module attributes {stable_mosaic.version = 14 : i64} {
  func.func @body(%arg0: i32, %arg1: memref<4000x128xbf16, #tpu.memory_space<vmem>>, %arg2: memref<2x25x4000xf32, #tpu.memory_space<vmem>>, %arg3: memref<128x128xbf16, #tpu.memory_space<vmem>>, %arg4: memref<128x16xbf16, #tpu.memory_space<vmem>>, %arg5: memref<1x128xf32, #tpu.memory_space<vmem>>, %arg6: memref<1x128xf32, #tpu.memory_space<vmem>>, %arg7: memref<1x1xf32, #tpu.memory_space<vmem>>, %arg8: memref<4000x16xf32, #tpu.memory_space<vmem>>, %arg9: memref<1x16xf32, #tpu.memory_space<vmem>>, %arg10: memref<1x16xf32, #tpu.memory_space<vmem>>) attributes {dimension_semantics = [#tpu.dimension_semantics<arbitrary>], iteration_bounds = array<i64: 25>, scalar_prefetch = 0 : i64, scratch_operands = 0 : i64, tpu.core_type = #tpu.core_type<tc>, window_params = [{transform_indices = @transform_0, window_bounds = array<i64: 4000, 128>}, {pipeline_mode = #tpu.pipeline_mode<synchronous>, transform_indices = @transform_1, window_bounds = array<i64: 2, 25, 4000>}, {pipeline_mode = #tpu.pipeline_mode<synchronous>, transform_indices = @transform_2, window_bounds = array<i64: 128, 128>}, {pipeline_mode = #tpu.pipeline_mode<synchronous>, transform_indices = @transform_3, window_bounds = array<i64: 128, 16>}, {pipeline_mode = #tpu.pipeline_mode<synchronous>, transform_indices = @transform_4, window_bounds = array<i64: 1, 128>}, {pipeline_mode = #tpu.pipeline_mode<synchronous>, transform_indices = @transform_5, window_bounds = array<i64: 1, 128>}, {pipeline_mode = #tpu.pipeline_mode<synchronous>, transform_indices = @transform_6, window_bounds = array<i64: 1, 1>}, {transform_indices = @transform_7, window_bounds = array<i64: 4000, 16>}, {pipeline_mode = #tpu.pipeline_mode<synchronous>, transform_indices = @transform_8, window_bounds = array<i64: 1, 16>}, {pipeline_mode = #tpu.pipeline_mode<synchronous>, transform_indices = @transform_9, window_bounds = array<i64: 1, 16>}]} {
    %get3A = arith.constant 0 : index
    %get3A_0 = arith.index_cast %arg0 : i32 to index
    %get3A_1 = arith.constant 0 : index
    %get3A_2 = vector.load %arg2[%get3A, %get3A_0, %get3A_1] : memref<2x25x4000xf32, #tpu.memory_space<vmem>>, vector<2x1x4000xf32>
    %reduce_sum3A = arith.constant dense<0.000000e+00> : vector<1x4000xf32>
    %reduce_sum3A_3 = vector.multi_reduction <add>, %get3A_2, %reduce_sum3A [0] : vector<2x1x4000xf32> to vector<1x4000xf32>
    %get3A_4 = arith.constant 0 : index
    %get3A_5 = arith.constant 0 : index
    %get3A_6 = vector.load %arg1[%get3A_4, %get3A_5] : memref<4000x128xbf16, #tpu.memory_space<vmem>>, vector<4000x128xbf16>
    %get3A_7 = arith.constant 0 : index
    %get3A_8 = arith.constant 0 : index
    %get3A_9 = vector.load %arg3[%get3A_7, %get3A_8] : memref<128x128xbf16, #tpu.memory_space<vmem>>, vector<128x128xbf16>
    %dot_general3A = arith.constant dense<0.000000e+00> : vector<4000x128xf32>
    %dot_general3A_10 = tpu.matmul %get3A_6, %get3A_9, %dot_general3A {dimension_numbers = #tpu.dot_dimension_numbers<[1], [0], [0], [1], [0, 0, 1, 1], [], []>, transpose_lhs_hint = false} : vector<4000x128xbf16>, vector<128x128xbf16>, vector<4000x128xf32> -> vector<4000x128xf32>
    %get3A_11 = arith.constant 0 : index
    %get3A_12 = arith.constant 0 : index
    %get3A_13 = vector.load %arg5[%get3A_11, %get3A_12] : memref<1x128xf32, #tpu.memory_space<vmem>>, vector<1x128xf32>
    %mul3A = vector.broadcast %get3A_13 : vector<1x128xf32> to vector<4000x128xf32>
    %mul3A_14 = arith.mulf %dot_general3A_10, %mul3A : vector<4000x128xf32>
    %get3A_15 = arith.constant 0 : index
    %get3A_16 = arith.constant 0 : index
    %get3A_17 = vector.load %arg6[%get3A_15, %get3A_16] : memref<1x128xf32, #tpu.memory_space<vmem>>, vector<1x128xf32>
    %add3A = vector.broadcast %get3A_17 : vector<1x128xf32> to vector<4000x128xf32>
    %add3A_18 = arith.addf %mul3A_14, %add3A : vector<4000x128xf32>
    %ge3A = arith.constant 0.000000e+00 : f32
    %ge3A_19 = vector.broadcast %ge3A : f32 to vector<4000x128xf32>
    %ge3A_20 = arith.cmpf oge, %add3A_18, %ge3A_19 : vector<4000x128xf32>
    %get3A_21 = arith.constant 0 : index
    %get3A_22 = arith.constant 0 : index
    %get3A_23 = vector.load %arg7[%get3A_21, %get3A_22] : memref<1x1xf32, #tpu.memory_space<vmem>>, vector<1x1xf32>
    %get3A_24 = vector.extract %get3A_23[0, 0] : f32 from vector<1x1xf32>
    %mul3A_25 = vector.broadcast %get3A_24 : f32 to vector<4000x128xf32>
    %mul3A_26 = arith.mulf %mul3A_25, %add3A_18 : vector<4000x128xf32>
    %select_n3A = arith.select %ge3A_20, %add3A_18, %mul3A_26 : vector<4000x128xi1>, vector<4000x128xf32>
    %convert_element_type3A = arith.truncf %select_n3A : vector<4000x128xf32> to vector<4000x128xbf16>
    %get3A_27 = arith.constant 0 : index
    %get3A_28 = arith.constant 0 : index
    %get3A_29 = vector.load %arg4[%get3A_27, %get3A_28] : memref<128x16xbf16, #tpu.memory_space<vmem>>, vector<128x16xbf16>
    %dot_general3A_30 = arith.constant dense<0.000000e+00> : vector<4000x16xf32>
    %dot_general3A_31 = tpu.matmul %convert_element_type3A, %get3A_29, %dot_general3A_30 {dimension_numbers = #tpu.dot_dimension_numbers<[1], [0], [0], [1], [0, 0, 1, 1], [], []>, transpose_lhs_hint = false} : vector<4000x128xbf16>, vector<128x16xbf16>, vector<4000x16xf32> -> vector<4000x16xf32>
    %swap3A = arith.constant 0 : index
    %swap3A_32 = arith.constant 0 : index
    %swap3A_33 = vector.load %arg8[%swap3A, %swap3A_32] : memref<4000x16xf32, #tpu.memory_space<vmem>>, vector<4000x16xf32>
    tpu.vector_store %arg8[%swap3A, %swap3A_32], %dot_general3A_31 {strides = array<i32>} : memref<4000x16xf32, #tpu.memory_space<vmem>>, vector<4000x16xf32>,
    %dot_general3A_34 = arith.constant dense<0.000000e+00> : vector<1x16xf32>
    %dot_general3A_35 = tpu.matmul %reduce_sum3A_3, %dot_general3A_31, %dot_general3A_34 {dimension_numbers = #tpu.dot_dimension_numbers<[1], [0], [0], [1], [0, 0, 1, 1], [], []>, transpose_lhs_hint = false} : vector<1x4000xf32>, vector<4000x16xf32>, vector<1x16xf32> -> vector<1x16xf32>
    %mul3A_36 = arith.mulf %dot_general3A_31, %dot_general3A_31 : vector<4000x16xf32>
    %dot_general3A_37 = arith.constant dense<0.000000e+00> : vector<1x16xf32>
    %dot_general3A_38 = tpu.matmul %reduce_sum3A_3, %mul3A_36, %dot_general3A_37 {dimension_numbers = #tpu.dot_dimension_numbers<[1], [0], [0], [1], [0, 0, 1, 1], [], []>, transpose_lhs_hint = false} : vector<1x4000xf32>, vector<4000x16xf32>, vector<1x16xf32> -> vector<1x16xf32>
    %eq3A = arith.constant 0 : i32
    %eq3A_39 = arith.cmpi eq, %arg0, %eq3A : i32
    %convert_element_type3A_40 = arith.extui %eq3A_39 : i1 to i32
    %cond3A = arith.constant 0 : i32
    %cond3A_41 = arith.cmpi ne, %convert_element_type3A_40, %cond3A : i32
    scf.if %cond3A_41 {
      %broadcast_in_dim3A = arith.constant 0.000000e+00 : f32
      %broadcast_in_dim3A_56 = vector.broadcast %broadcast_in_dim3A : f32 to vector<1x16xf32>
      %swap3A_57 = arith.constant 0 : index
      %swap3A_58 = arith.constant 0 : index
      %swap3A_59 = vector.load %arg9[%swap3A_57, %swap3A_58] : memref<1x16xf32, #tpu.memory_space<vmem>>, vector<1x16xf32>
      tpu.vector_store %arg9[%swap3A_57, %swap3A_58], %broadcast_in_dim3A_56 {strides = array<i32>} : memref<1x16xf32, #tpu.memory_space<vmem>>, vector<1x16xf32>,
      %broadcast_in_dim3A_60 = arith.constant 0.000000e+00 : f32
      %broadcast_in_dim3A_61 = vector.broadcast %broadcast_in_dim3A_60 : f32 to vector<1x16xf32>
      %swap3A_62 = arith.constant 0 : index
      %swap3A_63 = arith.constant 0 : index
      %swap3A_64 = vector.load %arg10[%swap3A_62, %swap3A_63] : memref<1x16xf32, #tpu.memory_space<vmem>>, vector<1x16xf32>
      tpu.vector_store %arg10[%swap3A_62, %swap3A_63], %broadcast_in_dim3A_61 {strides = array<i32>} : memref<1x16xf32, #tpu.memory_space<vmem>>, vector<1x16xf32>,
    } else {
    }
    %get3A_42 = arith.constant 0 : index
    %get3A_43 = arith.constant 0 : index
    %get3A_44 = vector.load %arg9[%get3A_42, %get3A_43] : memref<1x16xf32, #tpu.memory_space<vmem>>, vector<1x16xf32>
    %add3A_45 = arith.addf %get3A_44, %dot_general3A_35 : vector<1x16xf32>
    %swap3A_46 = arith.constant 0 : index
    %swap3A_47 = arith.constant 0 : index
    %swap3A_48 = vector.load %arg9[%swap3A_46, %swap3A_47] : memref<1x16xf32, #tpu.memory_space<vmem>>, vector<1x16xf32>
    tpu.vector_store %arg9[%swap3A_46, %swap3A_47], %add3A_45 {strides = array<i32>} : memref<1x16xf32, #tpu.memory_space<vmem>>, vector<1x16xf32>,
    %get3A_49 = arith.constant 0 : index
    %get3A_50 = arith.constant 0 : index
    %get3A_51 = vector.load %arg10[%get3A_49, %get3A_50] : memref<1x16xf32, #tpu.memory_space<vmem>>, vector<1x16xf32>
    %add3A_52 = arith.addf %get3A_51, %dot_general3A_38 : vector<1x16xf32>
    %swap3A_53 = arith.constant 0 : index
    %swap3A_54 = arith.constant 0 : index
    %swap3A_55 = vector.load %arg10[%swap3A_53, %swap3A_54] : memref<1x16xf32, #tpu.memory_space<vmem>>, vector<1x16xf32>
    tpu.vector_store %arg10[%swap3A_53, %swap3A_54], %add3A_52 {strides = array<i32>} : memref<1x16xf32, #tpu.memory_space<vmem>>, vector<1x16xf32>,
    return
  }
  func.func @transform_0(%arg0: i32) -> (i32, i32) {
    %c0_i32 = arith.constant 0 : i32
    %c0_i32_0 = arith.constant 0 : i32
    return %arg0, %c0_i32 : i32, i32
  }
  func.func @transform_1(%arg0: i32) -> (i32, i32, i32) {
    %c0_i32 = arith.constant 0 : i32
    %c0_i32_0 = arith.constant 0 : i32
    %c0_i32_1 = arith.constant 0 : i32
    %c0_i32_2 = arith.constant 0 : i32
    return %c0_i32, %c0_i32_0, %c0_i32_1 : i32, i32, i32
  }
  func.func @transform_2(%arg0: i32) -> (i32, i32) {
    %c0_i32 = arith.constant 0 : i32
    %c0_i32_0 = arith.constant 0 : i32
    %c0_i32_1 = arith.constant 0 : i32
    return %c0_i32, %c0_i32_0 : i32, i32
  }
  func.func @transform_3(%arg0: i32) -> (i32, i32) {
    %c0_i32 = arith.constant 0 : i32
    %c0_i32_0 = arith.constant 0 : i32
    %c0_i32_1 = arith.constant 0 : i32
    return %c0_i32, %c0_i32_0 : i32, i32
  }
  func.func @transform_4(%arg0: i32) -> (i32, i32) {
    %c0_i32 = arith.constant 0 : i32
    %c0_i32_0 = arith.constant 0 : i32
    %c0_i32_1 = arith.constant 0 : i32
    return %c0_i32, %c0_i32_0 : i32, i32
  }
  func.func @transform_5(%arg0: i32) -> (i32, i32) {
    %c0_i32 = arith.constant 0 : i32
    %c0_i32_0 = arith.constant 0 : i32
    %c0_i32_1 = arith.constant 0 : i32
    return %c0_i32, %c0_i32_0 : i32, i32
  }
  func.func @transform_6(%arg0: i32) -> (i32, i32) {
    %c0_i32 = arith.constant 0 : i32
    %c0_i32_0 = arith.constant 0 : i32
    %c0_i32_1 = arith.constant 0 : i32
    return %c0_i32, %c0_i32_0 : i32, i32
  }
  func.func @transform_7(%arg0: i32) -> (i32, i32) {
    %c0_i32 = arith.constant 0 : i32
    %c0_i32_0 = arith.constant 0 : i32
    return %arg0, %c0_i32 : i32, i32
  }
  func.func @transform_8(%arg0: i32) -> (i32, i32) {
    %c0_i32 = arith.constant 0 : i32
    %c0_i32_0 = arith.constant 0 : i32
    %c0_i32_1 = arith.constant 0 : i32
    return %c0_i32, %c0_i32_0 : i32, i32
  }
  func.func @transform_9(%arg0: i32) -> (i32, i32) {
    %c0_i32 = arith.constant 0 : i32
    %c0_i32_0 = arith.constant 0 : i32
    %c0_i32_1 = arith.constant 0 : i32
    return %c0_i32, %c0_i32_0 : i32, i32
  }
}

module attributes {stable_mosaic.version = 14 : i64} {
  func.func @body(%arg0: i32, %arg1: memref<2048x16xf32, #tpu.memory_space<vmem>>, %arg2: memref<16x6xf32, #tpu.memory_space<vmem>>, %arg3: memref<6x1xf32, #tpu.memory_space<vmem>>, %arg4: memref<1x16xf32, #tpu.memory_space<vmem>>, %arg5: memref<1x16xf32, #tpu.memory_space<vmem>>, %arg6: memref<1x1xf32, #tpu.memory_space<vmem>>, %arg7: memref<6x2048xf32, #tpu.memory_space<vmem>>) attributes {dimension_semantics = [#tpu.dimension_semantics<arbitrary>], iteration_bounds = array<i64: 49>, scalar_prefetch = 0 : i64, scratch_operands = 0 : i64, tpu.core_type = #tpu.core_type<tc>, window_params = [{transform_indices = @transform_0, window_bounds = array<i64: 2048, 16>}, {pipeline_mode = #tpu.pipeline_mode<synchronous>, transform_indices = @transform_1, window_bounds = array<i64: 16, 6>}, {pipeline_mode = #tpu.pipeline_mode<synchronous>, transform_indices = @transform_2, window_bounds = array<i64: 6, 1>}, {pipeline_mode = #tpu.pipeline_mode<synchronous>, transform_indices = @transform_3, window_bounds = array<i64: 1, 16>}, {pipeline_mode = #tpu.pipeline_mode<synchronous>, transform_indices = @transform_4, window_bounds = array<i64: 1, 16>}, {pipeline_mode = #tpu.pipeline_mode<synchronous>, transform_indices = @transform_5, window_bounds = array<i64: 1, 1>}, {transform_indices = @transform_6, window_bounds = array<i64: 6, 2048>}]} {
    %get3A = arith.constant 0 : index
    %get3A_0 = arith.constant 0 : index
    %get3A_1 = vector.load %arg1[%get3A, %get3A_0] : memref<2048x16xf32, #tpu.memory_space<vmem>>, vector<2048x16xf32>
    %get3A_2 = arith.constant 0 : index
    %get3A_3 = arith.constant 0 : index
    %get3A_4 = vector.load %arg4[%get3A_2, %get3A_3] : memref<1x16xf32, #tpu.memory_space<vmem>>, vector<1x16xf32>
    %mul3A = vector.broadcast %get3A_4 : vector<1x16xf32> to vector<2048x16xf32>
    %mul3A_5 = arith.mulf %get3A_1, %mul3A : vector<2048x16xf32>
    %get3A_6 = arith.constant 0 : index
    %get3A_7 = arith.constant 0 : index
    %get3A_8 = vector.load %arg5[%get3A_6, %get3A_7] : memref<1x16xf32, #tpu.memory_space<vmem>>, vector<1x16xf32>
    %add3A = vector.broadcast %get3A_8 : vector<1x16xf32> to vector<2048x16xf32>
    %add3A_9 = arith.addf %mul3A_5, %add3A : vector<2048x16xf32>
    %ge3A = arith.constant 0.000000e+00 : f32
    %ge3A_10 = vector.broadcast %ge3A : f32 to vector<2048x16xf32>
    %ge3A_11 = arith.cmpf oge, %add3A_9, %ge3A_10 : vector<2048x16xf32>
    %get3A_12 = arith.constant 0 : index
    %get3A_13 = arith.constant 0 : index
    %get3A_14 = vector.load %arg6[%get3A_12, %get3A_13] : memref<1x1xf32, #tpu.memory_space<vmem>>, vector<1x1xf32>
    %get3A_15 = vector.extract %get3A_14[0, 0] : f32 from vector<1x1xf32>
    %mul3A_16 = vector.broadcast %get3A_15 : f32 to vector<2048x16xf32>
    %mul3A_17 = arith.mulf %mul3A_16, %add3A_9 : vector<2048x16xf32>
    %select_n3A = arith.select %ge3A_11, %add3A_9, %mul3A_17 : vector<2048x16xi1>, vector<2048x16xf32>
    %get3A_18 = arith.constant 0 : index
    %get3A_19 = arith.constant 0 : index
    %get3A_20 = vector.load %arg2[%get3A_18, %get3A_19] : memref<16x6xf32, #tpu.memory_space<vmem>>, vector<16x6xf32>
    %dot_general3A = arith.constant dense<0.000000e+00> : vector<6x2048xf32>
    %dot_general3A_21 = tpu.matmul %get3A_20, %select_n3A, %dot_general3A {dimension_numbers = #tpu.dot_dimension_numbers<[0], [1], [1], [0], [0, 1, 1, 0], [], []>, transpose_lhs_hint = false} : vector<16x6xf32>, vector<2048x16xf32>, vector<6x2048xf32> -> vector<6x2048xf32>
    %get3A_22 = arith.constant 0 : index
    %get3A_23 = arith.constant 0 : index
    %get3A_24 = vector.load %arg3[%get3A_22, %get3A_23] : memref<6x1xf32, #tpu.memory_space<vmem>>, vector<6x1xf32>
    %add3A_25 = vector.broadcast %get3A_24 : vector<6x1xf32> to vector<6x2048xf32>
    %add3A_26 = arith.addf %dot_general3A_21, %add3A_25 : vector<6x2048xf32>
    %swap3A = arith.constant 0 : index
    %swap3A_27 = arith.constant 0 : index
    %swap3A_28 = vector.load %arg7[%swap3A, %swap3A_27] : memref<6x2048xf32, #tpu.memory_space<vmem>>, vector<6x2048xf32>
    tpu.vector_store %arg7[%swap3A, %swap3A_27], %add3A_26 {strides = array<i32>} : memref<6x2048xf32, #tpu.memory_space<vmem>>, vector<6x2048xf32>,
    return
  }
  func.func @transform_0(%arg0: i32) -> (i32, i32) {
    %c0_i32 = arith.constant 0 : i32
    %c0_i32_0 = arith.constant 0 : i32
    return %arg0, %c0_i32 : i32, i32
  }
  func.func @transform_1(%arg0: i32) -> (i32, i32) {
    %c0_i32 = arith.constant 0 : i32
    %c0_i32_0 = arith.constant 0 : i32
    %c0_i32_1 = arith.constant 0 : i32
    return %c0_i32, %c0_i32_0 : i32, i32
  }
  func.func @transform_2(%arg0: i32) -> (i32, i32) {
    %c0_i32 = arith.constant 0 : i32
    %c0_i32_0 = arith.constant 0 : i32
    %c0_i32_1 = arith.constant 0 : i32
    return %c0_i32, %c0_i32_0 : i32, i32
  }
  func.func @transform_3(%arg0: i32) -> (i32, i32) {
    %c0_i32 = arith.constant 0 : i32
    %c0_i32_0 = arith.constant 0 : i32
    %c0_i32_1 = arith.constant 0 : i32
    return %c0_i32, %c0_i32_0 : i32, i32
  }
  func.func @transform_4(%arg0: i32) -> (i32, i32) {
    %c0_i32 = arith.constant 0 : i32
    %c0_i32_0 = arith.constant 0 : i32
    %c0_i32_1 = arith.constant 0 : i32
    return %c0_i32, %c0_i32_0 : i32, i32
  }
  func.func @transform_5(%arg0: i32) -> (i32, i32) {
    %c0_i32 = arith.constant 0 : i32
    %c0_i32_0 = arith.constant 0 : i32
    %c0_i32_1 = arith.constant 0 : i32
    return %c0_i32, %c0_i32_0 : i32, i32
  }
  func.func @transform_6(%arg0: i32) -> (i32, i32) {
    %c0_i32 = arith.constant 0 : i32
    %c0_i32_0 = arith.constant 0 : i32
    return %c0_i32, %arg0 : i32, i32
  }
}

</mosaic_0001>

<sc_bundles>
// kernel: kernel.10.cloned.1.call-start
scs
__scs_entry_jumppad:
0x0: {  	(pc) =	sbr.rel $0x88, $3  }
0x1: {  	(tag) =	ssettag $0x0;
	lr =	simm.s32 $0x1  }
0x2: {  	[smem:$0x3F94] =	sst lr;
	_ =	strace $0xD0000000  }
0x3: {  	_ = 	snop  }
0x4: {  	_ = 	snop  }
0x5: {  	_ = 	snop  }
0x6: {  	_ = 	snop  }
0x7: {  	_ = 	snop  }
__scs_overlays_trampoline_lowered:
0x8: {  	[smem:$0x3FA3] =	sst s0  }
0x9: {  	[smem:$0x3FA4] =	sst s1  }
0xa: {  	[smem:$0x3FA5] =	sst s2  }
0xb: {  	[smem:$0x3FA6] =	sst s3  }
0xc: {  	[smem:$0x3FA7] =	sst s4  }
0xd: {  	[smem:$0x3FA8] =	sst s5  }
0xe: {  	[smem:$0x3FA9] =	sst s6  }
0xf: {  	[smem:$0x3FAA] =	sst s7  }
0x10: {  	[smem:$0x3FAB] =	sst s8  }
0x11: {  	[smem:$0x3FAC] =	sst s9;
	s0 =	simm.s32 @!p0 $0x0  }
0x12: {  	s1 =	sld [smem:$0x3F92];
	s0 =	simm.s32 @p0 $0x1  }
0x13: {  	[smem:$0x3FAD] =	sst s0;
	s0 =	simm.s32 @!p1 $0x0  }
0x14: {  	s2 =	sld [smem:$0x3F91];
	s0 =	simm.s32 @p1 $0x1  }
0x15: {  	[smem:$0x3FAE] =	sst s0;
	s0 =	simm.s32 @!p2 $0x0  }
0x16: {  	s3 =	sld [smem:$0x3FDB];
	s0 =	simm.s32 @p2 $0x1  }
0x17: {  	s4 =	simm.s32 $0x1BF5;
	[smem:$0x3FB0] =	sst s0  }
0x18: {  	s0 =	sld [smem:$0x3F93];
	_ =	swait.ge [sflag:s4], $0x0  }
0x19: {  	s7 =	sld [smem:$0x3F94]  }
0x1a: {  	s8 =	sadd.s32 $0xFFFFE003, lr  }
0x1b: {  	s9 =	sadd.s32 $0xFFFFFEF7, lr;
	s5 =	simm.s32 $0xFFFFFFFF;
	p2 =	slt.u32 s8, $0xFFFFF086  }
0x1c: {  	p1 =	slt.u32 s9, $0xF7A;
	s5 =	simm.s32 @!p2 $0x0  }
0x1d: {  	s5 =	simm.s32 @p1 $0x1;
	p0 =	seq.s32 s7, s2  }
0x1e: {  	s7 =	smul.u32 @!p0 $0xF7A, s2;
	p2 =	seq.s32 @!p0 s5, $0x0  }
0x1f: {  	s9 =	smul.u32 $0xF7A, s1;
	s8 =	simm.s32 @!p0 $0x1BF5;
	p2 =	por !p2, p0  }
0x20: {  	[sflag:s8] =	ssyncset.s32 @!p0 $0xFFFFF086;
	s6 =	sadd.s32 @!p0 s3, s7;
	s7 =	simm.s32 @!p0 $0x108  }
0x21: {  	s3 =	sadd.s32 s3, s9;
	s6 =	sadd.s32 @!p0 $0x88, s6;
	s7 =	simm.s32 @p2 $0x1082  }
0x22: {  	[simem:s7], [sflag:s8] =	dma.local @!p0 [hbm:s6], $0xF7A  }
0x23: {  	s9 =	sor.u32 $0xD0000000, s2;
	s6 =	simm.s32 $0x108;
	_ =	swait.ge @!p0 [sflag:s8], $0x0  }
0x24: {  	s3 =	sadd.s32 $0x88, s3;
	s6 =	simm.s32 @!p1 $0x1082;
	[sflag:s4] =	ssyncset.s32 $0xFFFFF086  }
0x25: {  	[simem:s6], [sflag:s4] =	dma.local [hbm:s3], $0xF7A  }
0x26: {  	[smem:$0x3F94] =	sst s1;
	(tag) =	ssettag s2;
	_ =	strace s9  }
0x27: {  	s1 =	sld [smem:$0x3FA4]  }
0x28: {  	s2 =	sld [smem:$0x3FA5]  }
0x29: {  	s4 =	sld [smem:$0x3FA7]  }
0x2a: {  	p0 =	seq.s32 s5, $0x0;
	s5 =	sld [smem:$0x3FA8]  }
0x2b: {  	s6 =	sld [smem:$0x3FA9]  }
0x2c: {  	s7 =	sld [smem:$0x3FAA]  }
0x2d: {  	s3 =	simm.s32 $0x108;
	s8 =	sld [smem:$0x3FAB]  }
0x2e: {  	s3 =	simm.s32 @!p0 $0x1082;
	s9 =	sld [smem:$0x3FAC]  }
0x2f: {  	lr =	sadd.s32 s0, s3;
	s0 =	sld [smem:$0x3FA3]  }
0x30: {  	s3 =	sld [smem:$0x3FA6]  }
0x31: {  	[smem:$0x3FAF] =	sst s10  }
0x32: {  	s10 =	sld [smem:$0x3FAD];
	_ =	sdelay $0x3  }
0x33: {  	p0 =	seq.s32 s10, $0x1;
	s10 =	sld [smem:$0x3FAF];
	_ =	sdelay $0x3  }
0x34: {  	[smem:$0x3FAF] =	sst s10  }
0x35: {  	s10 =	sld [smem:$0x3FAE];
	_ =	sdelay $0x3  }
0x36: {  	p1 =	seq.s32 s10, $0x1;
	s10 =	sld [smem:$0x3FAF];
	_ =	sdelay $0x3  }
0x37: {  	[smem:$0x3FAF] =	sst s10  }
0x38: {  	s10 =	sld [smem:$0x3FB0]  }
0x39: {  	_ = 	snop;
	(pc) =	sbr.ind lr, $3  }
0x3a: {  	_ = 	snop  }
0x3b: {  	_ = 	snop  }
0x3c: {  	p2 =	seq.s32 s10, $0x1;
	s10 =	sld [smem:$0x3FAF]  }
0x3d: {  	_ =	shalt  }
0x3e: {  	_ =	shalt  }
0x3f: {  	_ =	shalt  }
0x40: {  	_ =	shalt  }
0x41: {  	_ =	shalt  }
0x42: {  	_ =	shalt  }
0x43: {  	_ =	shalt  }
0x44: {  	_ =	shalt  }
0x45: {  	_ =	shalt  }
0x46: {  	_ =	shalt  }
0x47: {  	_ =	shalt  }
0x48: {  	_ =	shalt  }
0x49: {  	_ =	shalt  }
0x4a: {  	_ =	shalt  }
0x4b: {  	_ =	shalt  }
0x4c: {  	_ =	shalt  }
0x4d: {  	_ =	shalt  }
0x4e: {  	_ =	shalt  }
0x4f: {  	_ =	shalt  }
0x50: {  	_ =	shalt  }
0x51: {  	_ =	shalt  }
0x52: {  	_ =	shalt  }
0x53: {  	_ =	shalt  }
0x54: {  	_ =	shalt  }
0x55: {  	_ =	shalt  }
0x56: {  	_ =	shalt  }
0x57: {  	_ =	shalt  }
0x58: {  	_ =	shalt  }
0x59: {  	_ =	shalt  }
0x5a: {  	_ =	shalt  }
0x5b: {  	_ =	shalt  }
0x5c: {  	_ =	shalt  }
0x5d: {  	_ =	shalt  }
0x5e: {  	_ =	shalt  }
0x5f: {  	_ =	shalt  }
0x60: {  	_ =	shalt  }
0x61: {  	_ =	shalt  }
0x62: {  	_ =	shalt  }
0x63: {  	_ =	shalt  }
0x64: {  	_ =	shalt  }
0x65: {  	_ =	shalt  }
0x66: {  	_ =	shalt  }
0x67: {  	_ =	shalt  }
0x68: {  	_ =	shalt  }
0x69: {  	_ =	shalt  }
0x6a: {  	_ =	shalt  }
0x6b: {  	_ =	shalt  }
0x6c: {  	_ =	shalt  }
0x6d: {  	_ =	shalt  }
0x6e: {  	_ =	shalt  }
0x6f: {  	_ =	shalt  }
0x70: {  	_ =	shalt  }
0x71: {  	_ =	shalt  }
0x72: {  	_ =	shalt  }
0x73: {  	_ =	shalt  }
0x74: {  	_ =	shalt  }
0x75: {  	_ =	shalt  }
0x76: {  	_ =	shalt  }
0x77: {  	_ =	shalt  }
0x78: {  	_ =	shalt  }
0x79: {  	_ =	shalt  }
0x7a: {  	_ =	shalt  }
0x7b: {  	_ =	shalt  }
0x7c: {  	_ =	shalt  }
0x7d: {  	_ =	shalt  }
0x7e: {  	_ =	shalt  }
0x7f: {  	_ =	shalt  }
0x80: {  	_ =	shalt  }
0x81: {  	_ =	shalt  }
0x82: {  	_ =	shalt  }
0x83: {  	_ =	shalt  }
0x84: {  	_ =	shalt  }
0x85: {  	_ =	shalt  }
0x86: {  	_ =	shalt  }
0x87: {  	_ =	shalt  }
.Lfunc_end0:
.L_simem_size_0:
called_computation.1_lowered:
.L_overlay_start_0:
0x88: {  	s2 =	sld [smem:$0x3FD9]  }
0x89: {  	s3 =	sld [smem:$0x3FFE];
	_ =	sdelay $0x1  }
0x8a: {  	s1 =	srdreg.scid  }
0x8b: {  	s0 =	sand.u32 $0x1, s1  }
0x8c: {  	s17 =	sshll.u32 s0, $0xA;
	s2 =	sadd.s32 s3, s2  }
0x8d: {  	s2 =	sadd.s32 s2, s17  }
0x8e: {  	[smem:$0x3FBB] =	sst s2  }
0x8f: {  	_ = 	snop  }
0x90: {  	s2 =	sld [smem:$0x3FC8]  }
0x91: {  	s18 =	sld [smem:$0x3FD0];
	(tm) =	ssettm $0x1  }
0x92: {  	s4 =	sld [smem:$0x3FFB];
	_ =	sdelay $0x3  }
0x93: {  	_ =	strace s4  }
0x94: {  	s4 =	sld [smem:$0x3FFC];
	_ =	sdelay $0x3  }
0x95: {  	_ =	strace s4  }
0x96: {  	s4 =	sld [smem:$0x3FFD];
	_ =	sdelay $0x3  }
0x97: {  	_ =	strace s4  }
0x98: {  	_ =	strace $0x8FFFFFFF  }
0x99: {  	s19 =	sld [smem:$0x3FDB];
	_ =	sdelay $0x1  }
0x9a: {  	s5 =	simm.s32 $_scs_section_size  }
0x9b: {  	s6 =	simm.s32 $_size__tile_overlayer_lowered;
	s7 =	simm.s32 $_tile_overlayer_lowered  }
0x9c: {  	s22 =	simm.s32 $0x1BFF;
	s21 =	sshll.u32 s7, $0x1;
	s4 =	sadd.s32 s5, s19  }
0x9d: {  	s8 =	simm.s32 $0x0;
	s20 =	sshll.u32 s6, $0x1;
	s6 =	sadd.s32 s21, s4  }
0x9e: {  	[timem:s8], [sflag:s22] =	dma.local [hbm:s6], s20  }
0x9f: {  	_ =	swait.ge [sflag:s22], s20  }
0xa0: {  	s5 =	ssub.s32 $0x0, s20;
	[sflag:s22] =	ssyncset.done $0x0  }
0xa1: {  	[sflag:s22] =	ssyncadd.s32 s5;
	_ =	sdelay $0x1  }
0xa2: {  	s23 =	simm.s32 $0x1B8B  }
0xa3: {  	_ =	swait.ge [sflag:s23], $0x1  }
0xa4: {  	[sflag:s23] =	ssyncset.done $0x0  }
0xa5: {  	s25 =	simm.s32 $0x1B8E;
	s24 =	sld [smem:$0x3FFE];
	[sflag:s23] =	ssyncadd.s32 $0xFFFFFFFF  }
0xa6: {  	s26 =	simm.s32 $execute0_lowered;
	[smem:$0x3FD2] =	sst s25  }
0xa7: {  	s6 =	sshll.u32 s26, $0x1;
	_ =	strace $0x80000049;
	[dreg:$0x1] =	wrdreg $0xFFFFFFFF  }
0xa8: {  	s28 =	simm.s32 $_size_execute0_lowered;
	s4 =	sadd.s32 s4, s6;
	[dreg:$0x0] =	wrdreg $0x0  }
0xa9: {  	s6 =	sshll.u32 s28, $0x1;
	[dreg:$0x2] =	wrdreg s4  }
0xaa: {  	[dreg:$0x3] =	wrdreg s6  }
0xab: {  	[dreg:$0x4] =	wrdreg $0xC0  }
0xac: {  	_ =	task [dreg:s8], $0x5FFFF  }
0xad: {  	[dreg:$0x1] =	wrdreg $0xFFFFFFFF  }
0xae: {  	[dreg:$0x0] =	wrdreg $0x60  }
0xaf: {  	[dreg:$0x2] =	wrdreg s18  }
0xb0: {  	[dreg:$0x3] =	wrdreg s2  }
0xb1: {  	[dreg:$0x4] =	wrdreg s24  }
0xb2: {  	[dreg:$0x5] =	wrdreg $0x10000  }
0xb3: {  	[dreg:$0x6] =	wrdreg $0x9  }
0xb4: {  	_ =	task.clear_ibuf [dreg:s8], $0x7FFFF;
	_ =	strace $0x90000049  }
0xb5: {  	s29 =	simm.s32 $0x9;
	_ =	strace $0x8000004B  }
0xb6: {  	_ =	swait.ge [sflag:s29], $0x1  }
0xb7: {  	[sflag:s29] =	ssyncadd.s32 $0xFFFFFFFF  }
0xb8: {  	_ =	strace $0x9000004B  }
0xb9: {  	_ =	sfence  }
0xba: {  	s30 =	sld [smem:$0x0];
	_ =	sdelay $0x2  }
0xbb: {  	s31 =	sshll.u32 s1, $0xD;
	s1 =	sshrl.u32 s1, $0x2  }
0xbc: {  	s3 =	sand.u32 $0x4000, s31;
	s1 =	sadd.s32 s1, s30  }
0xbd: {  	s0 =	sor.u32 s3, s0;
	s1 =	sshll.u32 s1, $0x11  }
0xbe: {  	s0 =	sor.u32 s1, s0  }
0xbf: {  	s0 =	sadd.s32 $0x8F2B, s0  }
0xc0: {  	[sflag:s0] =	ssyncadd.remote.s32 $0x1  }
0xc1: {  	_ =	sfence.sel $0xFFFF  }
0xc2: {  	[dreg:$0x0] =	wrdreg $0xFFFFFFFF;
	(pc) =	sbr.abs _section_cstart, $3  }
0xc3: {  	[dreg:$0x1] =	wrdreg $0xFFFFFFFF  }
0xc4: {  	_ =	task.clear_ibuf [dreg:s8], $0x2FFFF;
	_ =	strace $0x9FFFFFFF  }
0xc5: {  	(tm) =	ssettm $0x7FFFFFFF  }
tec
execute0_lowered:
.L_overlay_start_1:
0x0: {  	(tag) =	ssettag $0x1  }
0x1: {  	s0 =	rddreg [dreg:$0x0]  }
0x2: {  	s7 =	rddreg [dreg:$0x1]  }
0x3: {  	s8 =	rddreg [dreg:$0x2]  }
0x4: {  	s1 =	rddreg [dreg:$0x3];
	s3 =	srdreg.scid  }
0x5: {  	s2 =	simm.s32 $0x0;
	s29 =	simm.s32 $0x3;
	s30 =	simm.s32 $0x80  }
0x6: {  	s9 =	sand.u32 $0x1, s3;
	[smem:$0x7FF] =	sst s2;
	s3 =	stileid.u32  }
0x7: {  	s10 =	sadd.s32 $0x2400, s8;
	s6 =	sadd.s32 $0x49800, s1;
	s13 =	sadd.s32 $0xC300, s7  }
0x8: {  	s19 =	sadd.s32 $0xE700, s8;
	_ =	strace $0x8000004A;
	[dreg:$0x5] =	wrdreg s13  }
0x9: {  	s20 =	sadd.s32 $0x1AA50, s8;
	s21 =	sadd.s32 $0x26DA0, s8;
	[dreg:$0x6] =	wrdreg s19  }
0xa: {  	s22 =	sadd.s32 $0x330F0, s8;
	s28 =	sadd.s32 $0x7A800, s1;
	[dreg:$0x7] =	wrdreg s20  }
0xb: {  	s4 =	ssub.s32 $0x2, s9;
	s12 =	sshll.u32 s3, $0x1;
	[dreg:$0x8] =	wrdreg s21  }
0xc: {  	[dreg:$0x9] =	wrdreg s22;
	s23 =	sshll.u32 s3, $0x8;
	s14 =	sshll.u32 s3, $0x9  }
0xd: {  	s15 =	sshll.u32 s3, $0xC;
	s16 =	sshll.u32 s9, $0xB;
	s26 =	sshll.u32 s9, $0x8  }
0xe: {  	s5 =	sshrl.u32 s4, $0x1;
	s0 =	sadd.s32 s23, s0;
	s24 =	sadd.s32 s14, s7  }
0xf: {  	s25 =	sor.u32 s16, s15;
	s21 =	sadd.s32 s14, s10;
	s22 =	sor.u32 s26, s14  }
0x10: {  	s23 =	sadd.s32 $0x3F440, s8;
	s11 =	ssub.s32 s4, s5;
	s4 =	sadd.s32 $0x18800, s1  }
0x11: {  	s5 =	sadd.s32 $0x31000, s1;
	[dreg:$0xa] =	wrdreg s0;
	s15 =	sadd.s32 $0x61A80, s25  }
0x12: {  	s16 =	sadd.s32 $0xC3500, s25;
	s0 =	sadd.s32 s26, s24;
	[dreg:$0x12] =	wrdreg s22  }
0x13: {  	s17 =	sadd.s32 $0x124F80, s25;
	s18 =	sadd.s32 $0x186A00, s25;
	[dreg:$0x13] =	wrdreg s23  }
0x14: {  	s7 =	sadd.s32 $0x1E8480, s25;
	s24 =	sadd.s32 $0x4B790, s8;
	[dreg:$0xb] =	wrdreg s0  }
0x15: {  	s25 =	sor.u32 s9, s12;
	s31 =	sshrl.u32 s15, $0x3;
	[dreg:$0x14] =	wrdreg s24  }
0x16: {  	s2 =	sshrl.u32 s16, $0x3;
	[dreg:$0x15] =	wrdreg s25;
	s0 =	sadd.s32 s31, s10  }
0x17: {  	s7 =	sshrl.u32 s7, $0x3;
	s16 =	sadd.s32 s2, s10;
	[dreg:$0xc] =	wrdreg s0  }
0x18: {  	s19 =	sshrl.u32 s18, $0x3;
	s20 =	sadd.s32 s7, s10;
	[dreg:$0xd] =	wrdreg s16  }
0x19: {  	s31 =	smax.u32 s11, $0x1;
	s0 =	sshrl.u32 s17, $0x3;
	[dreg:$0x10] =	wrdreg s20  }
.Ltmp0:
0x1a: {  	[dreg:$0x16] =	wrdreg s31;
	s0 =	sadd.s32 s0, s10;
	(pc) =	sbr.rel .LBB2_1-.Ltmp0, $4  }
0x1b: {  	s15 =	simm.s32 $0x0;
	[dreg:$0xe] =	wrdreg s0;
	s0 =	sadd.s32 s19, s10  }
0x1c: {  	[dreg:$0xf] =	wrdreg s0;
	s0 =	sadd.s32 s26, s21;
	s26 =	sshll.u32 s3, $0xB  }
0x1d: {  	s17 =	simm.s32 $0x1;
	[dreg:$0x11] =	wrdreg s0;
	s0 =	sadd.s32 s26, s1  }
0x1e: {  	s26 =	sadd.s32 $0x62000, s1;
	[dreg:$0x17] =	wrdreg s0;
	s0 =	simm.s32 $0x0  }
.LBB2_9:
0x1f: {  	s0 =	rddreg [dreg:$0x18]  }
0x20: {  	s9 =	rddreg [dreg:$0x16];
	s0 =	sadd.s32 $0x1, s0  }
0x21: {  	p0 =	sne.s32 s0, s9  }
.Ltmp1:
0x22: {  	_ = 	snop;
	(pc) =	sbr.rel @!p0 .LBB2_10-.Ltmp1, $1  }
0x23: {  	_ =	sdelay $0x3  }
.LBB2_1:
0x24: {  	[dreg:$0x18] =	wrdreg s0;
	s9 =	sadd.s32 $0x0, s3  }
0x25: {  	s10 =	rddreg [dreg:$0xa];
	p0 =	sgt.u32 s9, $0x125  }
0x26: {  	s9 =	simm.s32 @!p0 $0x0;
	s18 =	simm.s32 @!p0 $0x800;
	s20 =	simm.s32 @!p0 $0x3  }
0x27: {  	[tilespmem:s18], [sflag:$0x3] =	stream.linear.gather @!p0 [hbm4b:s10+s9], $0x800, $0x38;
	[tilespmem:$0xA300] =	vst v63  }
0x28: {  	_ =	swait.ge @!p0 [sflag:s20], $0x800  }
0x29: {  	[sflag:s20] =	ssyncset.done @!p0 $0x0;
	p0 =	por p0, p0  }
0x2a: {  	s19 =	simm.s32 $0x20;
	s9 =	rddreg [dreg:$0x17];
	[sflag:s20] =	ssyncadd.s32 @!p0 $0xFFFFF800  }
0x2b: {  	[spmem:s9] =	stream.linear.scatter @!p0 [tilespmem:s18], [sflag:$0x2], $0x800, $0x38;
	[tilespmem:$0xA300] =	vst v63  }
0x2c: {  	s31 =	sadd.s32 $0x10, s3;
	s18 =	sadd.s32 $0x8000, s9;
	s9 =	simm.s32 @!p0 $0x2  }
0x2d: {  	p1 =	sgt.u32 s31, $0x125;
	s20 =	sadd.s32 $0x1000, s10;
	_ =	swait.ge @!p0 [sflag:s9], $0x800  }
.LBB2_2:
0x2e: {  	s10 =	simm.s32 @!p1 $0x0;
	s11 =	simm.s32 @!p1 $0x800;
	[sflag:s9] =	ssyncset.done @!p0 $0x0  }
0x2f: {  	s21 =	smov.u32 s19;
	s22 =	smov.u32 s18;
	s19 =	sadd.s32 $0x10, s19  }
0x30: {  	s13 =	simm.s32 @!p1 $0x3;
	[sflag:s9] =	ssyncadd.s32 @!p0 $0xFFFFF800;
	p2 =	sne.s32 s19, $0x130  }
0x31: {  	[tilespmem:s11], [sflag:$0x3] =	stream.linear.gather @!p1 [hbm4b:s20+s10], $0x800, $0x38;
	[tilespmem:$0xA300] =	vst v63  }
.Ltmp2:
0x32: {  	_ =	swait.ge @!p1 [sflag:s13], $0x800;
	(pc) =	sbr.rel @p2 .LBB2_2-.Ltmp2, $4  }
0x33: {  	s18 =	sadd.s32 $0x8000, s18;
	p0 =	por p1, p1;
	[sflag:s13] =	ssyncset.done @!p1 $0x0  }
0x34: {  	s10 =	sadd.s32 s21, s3;
	s9 =	simm.s32 @!p0 $0x2;
	[sflag:s13] =	ssyncadd.s32 @!p0 $0xFFFFF800  }
0x35: {  	[spmem:s22] =	stream.linear.scatter @!p0 [tilespmem:s11], [sflag:$0x2], $0x800, $0x38;
	[tilespmem:$0xA300] =	vst v63  }
0x36: {  	s20 =	sadd.s32 $0x1000, s20;
	p1 =	sgt.u32 s10, $0x125;
	_ =	swait.ge @!p0 [sflag:s9], $0x800  }
0x37: {  	s10 =	simm.s32 @!p1 $0x0;
	[sflag:s9] =	ssyncset.done @!p0 $0x0  }
0x38: {  	s11 =	simm.s32 @!p1 $0x800;
	s13 =	simm.s32 @!p1 $0x3;
	[sflag:s9] =	ssyncadd.s32 @!p0 $0xFFFFF800  }
0x39: {  	[tilespmem:s11], [sflag:$0x3] =	stream.linear.gather @!p1 [hbm4b:s20+s10], $0x800, $0x38;
	[tilespmem:$0xA300] =	vst v63  }
0x3a: {  	_ =	swait.ge @!p1 [sflag:s13], $0x800  }
0x3b: {  	p0 =	por p1, p1;
	[sflag:s13] =	ssyncset.done @!p1 $0x0  }
0x3c: {  	s9 =	simm.s32 @!p0 $0x2;
	[sflag:s13] =	ssyncadd.s32 @!p0 $0xFFFFF800  }
0x3d: {  	[spmem:s18] =	stream.linear.scatter @!p0 [tilespmem:s11], [sflag:$0x2], $0x800, $0x38;
	[tilespmem:$0xA300] =	vst v63  }
.Ltmp3:
0x3e: {  	_ =	swait.ge @!p0 [sflag:s9], $0x800;
	(pc) =	sbr.rel .LBB2_4-.Ltmp3, $4  }
0x3f: {  	[sflag:s9] =	ssyncset.done @!p0 $0x0  }
0x40: {  	[sflag:s9] =	ssyncadd.s32 @!p0 $0xFFFFF800  }
0x41: {  	[bflag:$0x0] =	sbarrier.arrive $0xFFFF  }
0x42: {  	s18 =	simm.s32 $0x0;
	s19 =	rddreg [dreg:$0x15]  }
.LBB2_5:
0x43: {  	s0 =	rddreg [dreg:$0xb]  }
0x44: {  	s9 =	sadd.s32 s18, s0  }
0x45: {  	[tilespmem:s15], [sflag:$0x3] =	stream.linear.gather [hbm4b:s9+s15], $0x800, $0x38;
	[tilespmem:$0xA300] =	vst v63  }
0x46: {  	_ =	swait.ge [sflag:s29], $0x800  }
0x47: {  	[sflag:s29] =	ssyncset.done $0x0  }
0x48: {  	[sflag:s29] =	ssyncadd.s32 $0xFFFFF800  }
0x49: {  	s22 =	simm.s32 $0x800;
	s24 =	rddreg [dreg:$0x3]  }
0x4a: {  	[tilespmem:s22], [sflag:$0x1] =	stream.indirect.gather [spmem:s24], $0x1, s15, s30, $0xb8;
	[tilespmem:$0xA300] =	vst v63  }
0x4b: {  	s13 =	simm.s32 $0x880  }
0x4c: {  	[tilespmem:s13], [sflag:$0x1] =	stream.indirect.gather [spmem:s24], $0x1, s30, s30, $0xb8;
	[tilespmem:$0xA300] =	vst v63  }
0x4d: {  	s14 =	simm.s32 $0x100;
	s7 =	simm.s32 $0x900  }
0x4e: {  	[tilespmem:s7], [sflag:$0x1] =	stream.indirect.gather [spmem:s24], $0x1, s14, s30, $0xb8;
	[tilespmem:$0xA300] =	vst v63  }
0x4f: {  	s16 =	simm.s32 $0x180;
	s8 =	simm.s32 $0x980  }
0x50: {  	[tilespmem:s8], [sflag:$0x1] =	stream.indirect.gather [spmem:s24], $0x1, s16, s30, $0xb8;
	[tilespmem:$0xA300] =	vst v63  }
0x51: {  	s20 =	simm.s32 $0x200;
	s21 =	simm.s32 $0xA00  }
0x52: {  	[tilespmem:s21], [sflag:$0x1] =	stream.indirect.gather [spmem:s24], $0x1, s20, s30, $0xb8;
	[tilespmem:$0xA300] =	vst v63  }
0x53: {  	s23 =	simm.s32 $0x280;
	s2 =	simm.s32 $0xA80  }
0x54: {  	[tilespmem:s2], [sflag:$0x1] =	stream.indirect.gather [spmem:s24], $0x1, s23, s30, $0xb8;
	[tilespmem:$0xA300] =	vst v63  }
0x55: {  	s9 =	simm.s32 $0xB00;
	s8 =	simm.s32 $0x300  }
0x56: {  	[tilespmem:s9], [sflag:$0x1] =	stream.indirect.gather [spmem:s24], $0x1, s8, s30, $0xb8;
	[tilespmem:$0xA300] =	vst v63  }
0x57: {  	s10 =	simm.s32 $0x380;
	s11 =	simm.s32 $0xB80  }
0x58: {  	[tilespmem:s11], [sflag:$0x1] =	stream.indirect.gather [spmem:s24], $0x1, s10, s30, $0xb8;
	[tilespmem:$0xA300] =	vst v63  }
0x59: {  	s12 =	simm.s32 $0x400;
	s13 =	simm.s32 $0xC00  }
0x5a: {  	[tilespmem:s13], [sflag:$0x1] =	stream.indirect.gather [spmem:s24], $0x1, s12, s30, $0xb8;
	[tilespmem:$0xA300] =	vst v63  }
0x5b: {  	s14 =	simm.s32 $0x480;
	s16 =	simm.s32 $0xC80  }
0x5c: {  	[tilespmem:s16], [sflag:$0x1] =	stream.indirect.gather [spmem:s24], $0x1, s14, s30, $0xb8;
	[tilespmem:$0xA300] =	vst v63  }
0x5d: {  	s21 =	simm.s32 $0x500;
	s23 =	simm.s32 $0xD00  }
0x5e: {  	[tilespmem:s23], [sflag:$0x1] =	stream.indirect.gather [spmem:s24], $0x1, s21, s30, $0xb8;
	[tilespmem:$0xA300] =	vst v63  }
0x5f: {  	s0 =	simm.s32 $0x580;
	s2 =	simm.s32 $0xD80  }
0x60: {  	[tilespmem:s2], [sflag:$0x1] =	stream.indirect.gather [spmem:s24], $0x1, s0, s30, $0xb8;
	[tilespmem:$0xA300] =	vst v63  }
0x61: {  	s7 =	simm.s32 $0x600;
	s13 =	simm.s32 $0xE00  }
0x62: {  	[tilespmem:s13], [sflag:$0x1] =	stream.indirect.gather [spmem:s24], $0x1, s7, s30, $0xb8;
	[tilespmem:$0xA300] =	vst v63  }
0x63: {  	s14 =	simm.s32 $0x680;
	s16 =	simm.s32 $0xE80  }
0x64: {  	[tilespmem:s16], [sflag:$0x1] =	stream.indirect.gather [spmem:s24], $0x1, s14, s30, $0xb8;
	[tilespmem:$0xA300] =	vst v63  }
0x65: {  	s21 =	simm.s32 $0x700;
	s23 =	simm.s32 $0xF00  }
0x66: {  	[tilespmem:s23], [sflag:$0x1] =	stream.indirect.gather [spmem:s24], $0x1, s21, s30, $0xb8;
	[tilespmem:$0xA300] =	vst v63  }
0x67: {  	s0 =	simm.s32 $0x780;
	s2 =	simm.s32 $0xF80  }
0x68: {  	[tilespmem:s2], [sflag:$0x1] =	stream.indirect.gather [spmem:s24], $0x1, s0, s30, $0xb8;
	[tilespmem:$0xA300] =	vst v63  }
0x69: {  	_ =	swait.ge [sflag:s17], $0x80  }
0x6a: {  	[sflag:s17] =	ssyncset.done $0x0  }
0x6b: {  	[sflag:s17] =	ssyncadd.s32 $0xFFFFFF80  }
0x6c: {  	_ =	swait.ge [sflag:s17], $0x80  }
0x6d: {  	[sflag:s17] =	ssyncset.done $0x0  }
0x6e: {  	[sflag:s17] =	ssyncadd.s32 $0xFFFFFF80  }
0x6f: {  	_ =	swait.ge [sflag:s17], $0x80  }
0x70: {  	[sflag:s17] =	ssyncset.done $0x0  }
0x71: {  	[sflag:s17] =	ssyncadd.s32 $0xFFFFFF80  }
0x72: {  	_ =	swait.ge [sflag:s17], $0x80  }
0x73: {  	[sflag:s17] =	ssyncset.done $0x0  }
0x74: {  	[sflag:s17] =	ssyncadd.s32 $0xFFFFFF80  }
0x75: {  	_ =	swait.ge [sflag:s17], $0x80  }
0x76: {  	[sflag:s17] =	ssyncset.done $0x0  }
0x77: {  	[sflag:s17] =	ssyncadd.s32 $0xFFFFFF80  }
0x78: {  	_ =	swait.ge [sflag:s17], $0x80  }
0x79: {  	[sflag:s17] =	ssyncset.done $0x0  }
0x7a: {  	[sflag:s17] =	ssyncadd.s32 $0xFFFFFF80  }
0x7b: {  	_ =	swait.ge [sflag:s17], $0x80  }
0x7c: {  	[sflag:s17] =	ssyncset.done $0x0  }
0x7d: {  	[sflag:s17] =	ssyncadd.s32 $0xFFFFFF80  }
0x7e: {  	_ =	swait.ge [sflag:s17], $0x80  }
0x7f: {  	[sflag:s17] =	ssyncset.done $0x0  }
0x80: {  	[sflag:s17] =	ssyncadd.s32 $0xFFFFFF80  }
0x81: {  	_ =	swait.ge [sflag:s17], $0x80  }
0x82: {  	[sflag:s17] =	ssyncset.done $0x0  }
0x83: {  	[sflag:s17] =	ssyncadd.s32 $0xFFFFFF80  }
0x84: {  	_ =	swait.ge [sflag:s17], $0x80  }
0x85: {  	[sflag:s17] =	ssyncset.done $0x0  }
0x86: {  	[sflag:s17] =	ssyncadd.s32 $0xFFFFFF80  }
0x87: {  	_ =	swait.ge [sflag:s17], $0x80  }
0x88: {  	[sflag:s17] =	ssyncset.done $0x0  }
0x89: {  	[sflag:s17] =	ssyncadd.s32 $0xFFFFFF80  }
0x8a: {  	_ =	swait.ge [sflag:s17], $0x80  }
0x8b: {  	[sflag:s17] =	ssyncset.done $0x0  }
0x8c: {  	[sflag:s17] =	ssyncadd.s32 $0xFFFFFF80  }
0x8d: {  	_ =	swait.ge [sflag:s17], $0x80  }
0x8e: {  	[sflag:s17] =	ssyncset.done $0x0  }
0x8f: {  	[sflag:s17] =	ssyncadd.s32 $0xFFFFFF80  }
0x90: {  	_ =	swait.ge [sflag:s17], $0x80  }
0x91: {  	[sflag:s17] =	ssyncset.done $0x0  }
0x92: {  	[sflag:s17] =	ssyncadd.s32 $0xFFFFFF80  }
0x93: {  	_ =	swait.ge [sflag:s17], $0x80  }
0x94: {  	[sflag:s17] =	ssyncset.done $0x0  }
0x95: {  	[sflag:s17] =	ssyncadd.s32 $0xFFFFFF80  }
0x96: {  	_ =	swait.ge [sflag:s17], $0x80  }
0x97: {  	[sflag:s17] =	ssyncset.done $0x0;
	s7 =	rddreg [dreg:$0x11]  }
0x98: {  	[sflag:s17] =	ssyncadd.s32 $0xFFFFFF80;
	s9 =	sadd.s32 s18, s7  }
0x99: {  	[hbm4b:s9+s15] =	stream.linear.scatter [tilespmem:s22], [sflag:$0x3], $0x800, $0x38;
	[tilespmem:$0xA300] =	vst v63  }
0x9a: {  	_ =	swait.ge [sflag:s29], $0x800  }
0x9b: {  	[sflag:s29] =	ssyncset.done $0x0  }
0x9c: {  	[sflag:s29] =	ssyncadd.s32 $0xFFFFF800  }
0x9d: {  	[tilespmem:s22], [sflag:$0x1] =	stream.indirect.gather [spmem:s4], $0x1, s15, s30, $0xb8;
	[tilespmem:$0xA300] =	vst v63  }
0x9e: {  	s24 =	simm.s32 $0x880  }
0x9f: {  	[tilespmem:s24], [sflag:$0x1] =	stream.indirect.gather [spmem:s4], $0x1, s30, s30, $0xb8;
	[tilespmem:$0xA300] =	vst v63  }
0xa0: {  	s1 =	simm.s32 $0x900;
	s25 =	simm.s32 $0x100  }
0xa1: {  	[tilespmem:s1], [sflag:$0x1] =	stream.indirect.gather [spmem:s4], $0x1, s25, s30, $0xb8;
	[tilespmem:$0xA300] =	vst v63  }
0xa2: {  	s16 =	simm.s32 $0x180;
	s2 =	simm.s32 $0x980  }
0xa3: {  	[tilespmem:s2], [sflag:$0x1] =	stream.indirect.gather [spmem:s4], $0x1, s16, s30, $0xb8;
	[tilespmem:$0xA300] =	vst v63  }
0xa4: {  	s31 =	simm.s32 $0x200;
	s20 =	simm.s32 $0xA00  }
0xa5: {  	[tilespmem:s20], [sflag:$0x1] =	stream.indirect.gather [spmem:s4], $0x1, s31, s30, $0xb8;
	[tilespmem:$0xA300] =	vst v63  }
0xa6: {  	s21 =	simm.s32 $0x280;
	s20 =	simm.s32 $0xA80  }
0xa7: {  	[tilespmem:s20], [sflag:$0x1] =	stream.indirect.gather [spmem:s4], $0x1, s21, s30, $0xb8;
	[tilespmem:$0xA300] =	vst v63  }
0xa8: {  	s0 =	simm.s32 $0xB00;
	s31 =	simm.s32 $0x300  }
0xa9: {  	[tilespmem:s0], [sflag:$0x1] =	stream.indirect.gather [spmem:s4], $0x1, s31, s30, $0xb8;
	[tilespmem:$0xA300] =	vst v63  }
0xaa: {  	s25 =	simm.s32 $0x380;
	s1 =	simm.s32 $0xB80  }
0xab: {  	[tilespmem:s1], [sflag:$0x1] =	stream.indirect.gather [spmem:s4], $0x1, s25, s30, $0xb8;
	[tilespmem:$0xA300] =	vst v63  }
0xac: {  	s8 =	simm.s32 $0x400;
	s7 =	simm.s32 $0xC00  }
0xad: {  	[tilespmem:s7], [sflag:$0x1] =	stream.indirect.gather [spmem:s4], $0x1, s8, s30, $0xb8;
	[tilespmem:$0xA300] =	vst v63  }
0xae: {  	s10 =	simm.s32 $0x480;
	s8 =	simm.s32 $0xC80  }
0xaf: {  	[tilespmem:s8], [sflag:$0x1] =	stream.indirect.gather [spmem:s4], $0x1, s10, s30, $0xb8;
	[tilespmem:$0xA300] =	vst v63  }
0xb0: {  	s11 =	simm.s32 $0x500;
	s10 =	simm.s32 $0xD00  }
0xb1: {  	[tilespmem:s10], [sflag:$0x1] =	stream.indirect.gather [spmem:s4], $0x1, s11, s30, $0xb8;
	[tilespmem:$0xA300] =	vst v63  }
0xb2: {  	s12 =	simm.s32 $0x580;
	s11 =	simm.s32 $0xD80  }
0xb3: {  	[tilespmem:s11], [sflag:$0x1] =	stream.indirect.gather [spmem:s4], $0x1, s12, s30, $0xb8;
	[tilespmem:$0xA300] =	vst v63  }
0xb4: {  	s13 =	simm.s32 $0x600;
	s12 =	simm.s32 $0xE00  }
0xb5: {  	[tilespmem:s12], [sflag:$0x1] =	stream.indirect.gather [spmem:s4], $0x1, s13, s30, $0xb8;
	[tilespmem:$0xA300] =	vst v63  }
0xb6: {  	s14 =	simm.s32 $0x680;
	s13 =	simm.s32 $0xE80  }
0xb7: {  	[tilespmem:s13], [sflag:$0x1] =	stream.indirect.gather [spmem:s4], $0x1, s14, s30, $0xb8;
	[tilespmem:$0xA300] =	vst v63  }
0xb8: {  	s9 =	simm.s32 $0x700;
	s14 =	simm.s32 $0xF00  }
0xb9: {  	[tilespmem:s14], [sflag:$0x1] =	stream.indirect.gather [spmem:s4], $0x1, s9, s30, $0xb8;
	[tilespmem:$0xA300] =	vst v63  }
0xba: {  	s23 =	simm.s32 $0x780;
	s9 =	simm.s32 $0xF80  }
0xbb: {  	[tilespmem:s9], [sflag:$0x1] =	stream.indirect.gather [spmem:s4], $0x1, s23, s30, $0xb8;
	[tilespmem:$0xA300] =	vst v63  }
0xbc: {  	_ =	swait.ge [sflag:s17], $0x80  }
0xbd: {  	[sflag:s17] =	ssyncset.done $0x0  }
0xbe: {  	[sflag:s17] =	ssyncadd.s32 $0xFFFFFF80  }
0xbf: {  	_ =	swait.ge [sflag:s17], $0x80  }
0xc0: {  	[sflag:s17] =	ssyncset.done $0x0  }
0xc1: {  	[sflag:s17] =	ssyncadd.s32 $0xFFFFFF80  }
0xc2: {  	_ =	swait.ge [sflag:s17], $0x80  }
0xc3: {  	[sflag:s17] =	ssyncset.done $0x0  }
0xc4: {  	[sflag:s17] =	ssyncadd.s32 $0xFFFFFF80  }
0xc5: {  	_ =	swait.ge [sflag:s17], $0x80  }
0xc6: {  	[sflag:s17] =	ssyncset.done $0x0  }
0xc7: {  	[sflag:s17] =	ssyncadd.s32 $0xFFFFFF80  }
0xc8: {  	_ =	swait.ge [sflag:s17], $0x80  }
0xc9: {  	[sflag:s17] =	ssyncset.done $0x0  }
0xca: {  	[sflag:s17] =	ssyncadd.s32 $0xFFFFFF80  }
0xcb: {  	_ =	swait.ge [sflag:s17], $0x80  }
0xcc: {  	[sflag:s17] =	ssyncset.done $0x0  }
0xcd: {  	[sflag:s17] =	ssyncadd.s32 $0xFFFFFF80  }
0xce: {  	_ =	swait.ge [sflag:s17], $0x80  }
0xcf: {  	[sflag:s17] =	ssyncset.done $0x0  }
0xd0: {  	[sflag:s17] =	ssyncadd.s32 $0xFFFFFF80  }
0xd1: {  	_ =	swait.ge [sflag:s17], $0x80  }
0xd2: {  	[sflag:s17] =	ssyncset.done $0x0  }
0xd3: {  	[sflag:s17] =	ssyncadd.s32 $0xFFFFFF80  }
0xd4: {  	_ =	swait.ge [sflag:s17], $0x80  }
0xd5: {  	[sflag:s17] =	ssyncset.done $0x0  }
0xd6: {  	[sflag:s17] =	ssyncadd.s32 $0xFFFFFF80  }
0xd7: {  	_ =	swait.ge [sflag:s17], $0x80  }
0xd8: {  	[sflag:s17] =	ssyncset.done $0x0  }
0xd9: {  	[sflag:s17] =	ssyncadd.s32 $0xFFFFFF80  }
0xda: {  	_ =	swait.ge [sflag:s17], $0x80  }
0xdb: {  	[sflag:s17] =	ssyncset.done $0x0  }
0xdc: {  	[sflag:s17] =	ssyncadd.s32 $0xFFFFFF80  }
0xdd: {  	_ =	swait.ge [sflag:s17], $0x80  }
0xde: {  	[sflag:s17] =	ssyncset.done $0x0  }
0xdf: {  	[sflag:s17] =	ssyncadd.s32 $0xFFFFFF80  }
0xe0: {  	_ =	swait.ge [sflag:s17], $0x80  }
0xe1: {  	[sflag:s17] =	ssyncset.done $0x0  }
0xe2: {  	[sflag:s17] =	ssyncadd.s32 $0xFFFFFF80  }
0xe3: {  	_ =	swait.ge [sflag:s17], $0x80  }
0xe4: {  	[sflag:s17] =	ssyncset.done $0x0  }
0xe5: {  	[sflag:s17] =	ssyncadd.s32 $0xFFFFFF80  }
0xe6: {  	_ =	swait.ge [sflag:s17], $0x80  }
0xe7: {  	[sflag:s17] =	ssyncset.done $0x0  }
0xe8: {  	[sflag:s17] =	ssyncadd.s32 $0xFFFFFF80  }
0xe9: {  	_ =	swait.ge [sflag:s17], $0x80  }
0xea: {  	[sflag:s17] =	ssyncset.done $0x0;
	s9 =	rddreg [dreg:$0xc]  }
0xeb: {  	[sflag:s17] =	ssyncadd.s32 $0xFFFFFF80;
	s9 =	sadd.s32 s18, s9  }
0xec: {  	[hbm4b:s9+s15] =	stream.linear.scatter [tilespmem:s22], [sflag:$0x3], $0x800, $0x38;
	[tilespmem:$0xA300] =	vst v63  }
0xed: {  	_ =	swait.ge [sflag:s29], $0x800  }
0xee: {  	[sflag:s29] =	ssyncset.done $0x0  }
0xef: {  	[sflag:s29] =	ssyncadd.s32 $0xFFFFF800  }
0xf0: {  	[tilespmem:s22], [sflag:$0x1] =	stream.indirect.gather [spmem:s5], $0x1, s15, s30, $0xb8;
	[tilespmem:$0xA300] =	vst v63  }
0xf1: {  	_ = 	snop  }
0xf2: {  	[tilespmem:s24], [sflag:$0x1] =	stream.indirect.gather [spmem:s5], $0x1, s30, s30, $0xb8;
	[tilespmem:$0xA300] =	vst v63  }
0xf3: {  	s9 =	simm.s32 $0x900;
	s24 =	simm.s32 $0x100  }
0xf4: {  	[tilespmem:s9], [sflag:$0x1] =	stream.indirect.gather [spmem:s5], $0x1, s24, s30, $0xb8;
	[tilespmem:$0xA300] =	vst v63  }
0xf5: {  	_ = 	snop  }
0xf6: {  	[tilespmem:s2], [sflag:$0x1] =	stream.indirect.gather [spmem:s5], $0x1, s16, s30, $0xb8;
	[tilespmem:$0xA300] =	vst v63  }
0xf7: {  	s9 =	simm.s32 $0xA00;
	s24 =	simm.s32 $0x200  }
0xf8: {  	[tilespmem:s9], [sflag:$0x1] =	stream.indirect.gather [spmem:s5], $0x1, s24, s30, $0xb8;
	[tilespmem:$0xA300] =	vst v63  }
0xf9: {  	_ = 	snop  }
0xfa: {  	[tilespmem:s20], [sflag:$0x1] =	stream.indirect.gather [spmem:s5], $0x1, s21, s30, $0xb8;
	[tilespmem:$0xA300] =	vst v63  }
0xfb: {  	_ = 	snop  }
0xfc: {  	[tilespmem:s0], [sflag:$0x1] =	stream.indirect.gather [spmem:s5], $0x1, s31, s30, $0xb8;
	[tilespmem:$0xA300] =	vst v63  }
0xfd: {  	_ = 	snop  }
0xfe: {  	[tilespmem:s1], [sflag:$0x1] =	stream.indirect.gather [spmem:s5], $0x1, s25, s30, $0xb8;
	[tilespmem:$0xA300] =	vst v63  }
0xff: {  	s21 =	simm.s32 $0x400  }
0x100: {  	[tilespmem:s7], [sflag:$0x1] =	stream.indirect.gather [spmem:s5], $0x1, s21, s30, $0xb8;
	[tilespmem:$0xA300] =	vst v63  }
0x101: {  	s24 =	simm.s32 $0x480  }
0x102: {  	[tilespmem:s8], [sflag:$0x1] =	stream.indirect.gather [spmem:s5], $0x1, s24, s30, $0xb8;
	[tilespmem:$0xA300] =	vst v63  }
0x103: {  	s31 =	simm.s32 $0x500  }
0x104: {  	[tilespmem:s10], [sflag:$0x1] =	stream.indirect.gather [spmem:s5], $0x1, s31, s30, $0xb8;
	[tilespmem:$0xA300] =	vst v63  }
0x105: {  	s20 =	simm.s32 $0x580  }
0x106: {  	[tilespmem:s11], [sflag:$0x1] =	stream.indirect.gather [spmem:s5], $0x1, s20, s30, $0xb8;
	[tilespmem:$0xA300] =	vst v63  }
0x107: {  	s21 =	simm.s32 $0x600  }
0x108: {  	[tilespmem:s12], [sflag:$0x1] =	stream.indirect.gather [spmem:s5], $0x1, s21, s30, $0xb8;
	[tilespmem:$0xA300] =	vst v63  }
0x109: {  	s24 =	simm.s32 $0x680  }
0x10a: {  	[tilespmem:s13], [sflag:$0x1] =	stream.indirect.gather [spmem:s5], $0x1, s24, s30, $0xb8;
	[tilespmem:$0xA300] =	vst v63  }
0x10b: {  	s20 =	simm.s32 $0x700  }
0x10c: {  	[tilespmem:s14], [sflag:$0x1] =	stream.indirect.gather [spmem:s5], $0x1, s20, s30, $0xb8;
	[tilespmem:$0xA300] =	vst v63  }
0x10d: {  	s23 =	simm.s32 $0x780;
	s21 =	simm.s32 $0xF80  }
0x10e: {  	[tilespmem:s21], [sflag:$0x1] =	stream.indirect.gather [spmem:s5], $0x1, s23, s30, $0xb8;
	[tilespmem:$0xA300] =	vst v63  }
0x10f: {  	_ =	swait.ge [sflag:s17], $0x80  }
0x110: {  	[sflag:s17] =	ssyncset.done $0x0  }
0x111: {  	[sflag:s17] =	ssyncadd.s32 $0xFFFFFF80  }
0x112: {  	_ =	swait.ge [sflag:s17], $0x80  }
0x113: {  	[sflag:s17] =	ssyncset.done $0x0  }
0x114: {  	[sflag:s17] =	ssyncadd.s32 $0xFFFFFF80  }
0x115: {  	_ =	swait.ge [sflag:s17], $0x80  }
0x116: {  	[sflag:s17] =	ssyncset.done $0x0  }
0x117: {  	[sflag:s17] =	ssyncadd.s32 $0xFFFFFF80  }
0x118: {  	_ =	swait.ge [sflag:s17], $0x80  }
0x119: {  	[sflag:s17] =	ssyncset.done $0x0  }
0x11a: {  	[sflag:s17] =	ssyncadd.s32 $0xFFFFFF80  }
0x11b: {  	_ =	swait.ge [sflag:s17], $0x80  }
0x11c: {  	[sflag:s17] =	ssyncset.done $0x0  }
0x11d: {  	[sflag:s17] =	ssyncadd.s32 $0xFFFFFF80  }
0x11e: {  	_ =	swait.ge [sflag:s17], $0x80  }
0x11f: {  	[sflag:s17] =	ssyncset.done $0x0  }
0x120: {  	[sflag:s17] =	ssyncadd.s32 $0xFFFFFF80  }
0x121: {  	_ =	swait.ge [sflag:s17], $0x80  }
0x122: {  	[sflag:s17] =	ssyncset.done $0x0  }
0x123: {  	[sflag:s17] =	ssyncadd.s32 $0xFFFFFF80  }
0x124: {  	_ =	swait.ge [sflag:s17], $0x80  }
0x125: {  	[sflag:s17] =	ssyncset.done $0x0  }
0x126: {  	[sflag:s17] =	ssyncadd.s32 $0xFFFFFF80  }
0x127: {  	_ =	swait.ge [sflag:s17], $0x80  }
0x128: {  	[sflag:s17] =	ssyncset.done $0x0  }
0x129: {  	[sflag:s17] =	ssyncadd.s32 $0xFFFFFF80  }
0x12a: {  	_ =	swait.ge [sflag:s17], $0x80  }
0x12b: {  	[sflag:s17] =	ssyncset.done $0x0  }
0x12c: {  	[sflag:s17] =	ssyncadd.s32 $0xFFFFFF80  }
0x12d: {  	_ =	swait.ge [sflag:s17], $0x80  }
0x12e: {  	[sflag:s17] =	ssyncset.done $0x0  }
0x12f: {  	[sflag:s17] =	ssyncadd.s32 $0xFFFFFF80  }
0x130: {  	_ =	swait.ge [sflag:s17], $0x80  }
0x131: {  	[sflag:s17] =	ssyncset.done $0x0  }
0x132: {  	[sflag:s17] =	ssyncadd.s32 $0xFFFFFF80  }
0x133: {  	_ =	swait.ge [sflag:s17], $0x80  }
0x134: {  	[sflag:s17] =	ssyncset.done $0x0  }
0x135: {  	[sflag:s17] =	ssyncadd.s32 $0xFFFFFF80  }
0x136: {  	_ =	swait.ge [sflag:s17], $0x80  }
0x137: {  	[sflag:s17] =	ssyncset.done $0x0  }
0x138: {  	[sflag:s17] =	ssyncadd.s32 $0xFFFFFF80  }
0x139: {  	_ =	swait.ge [sflag:s17], $0x80  }
0x13a: {  	[sflag:s17] =	ssyncset.done $0x0  }
0x13b: {  	[sflag:s17] =	ssyncadd.s32 $0xFFFFFF80  }
0x13c: {  	_ =	swait.ge [sflag:s17], $0x80  }
0x13d: {  	[sflag:s17] =	ssyncset.done $0x0;
	s23 =	rddreg [dreg:$0xd]  }
0x13e: {  	[sflag:s17] =	ssyncadd.s32 $0xFFFFFF80;
	s9 =	sadd.s32 s18, s23  }
0x13f: {  	[hbm4b:s9+s15] =	stream.linear.scatter [tilespmem:s22], [sflag:$0x3], $0x800, $0x38;
	[tilespmem:$0xA300] =	vst v63  }
0x140: {  	_ =	swait.ge [sflag:s29], $0x800  }
0x141: {  	[sflag:s29] =	ssyncset.done $0x0  }
0x142: {  	[sflag:s29] =	ssyncadd.s32 $0xFFFFF800  }
0x143: {  	[tilespmem:s22], [sflag:$0x1] =	stream.indirect.gather [spmem:s6], $0x1, s15, s30, $0xb8;
	[tilespmem:$0xA300] =	vst v63  }
0x144: {  	s24 =	simm.s32 $0x880  }
0x145: {  	[tilespmem:s24], [sflag:$0x1] =	stream.indirect.gather [spmem:s6], $0x1, s30, s30, $0xb8;
	[tilespmem:$0xA300] =	vst v63  }
0x146: {  	s21 =	simm.s32 $0x100;
	s23 =	simm.s32 $0x900  }
0x147: {  	[tilespmem:s23], [sflag:$0x1] =	stream.indirect.gather [spmem:s6], $0x1, s21, s30, $0xb8;
	[tilespmem:$0xA300] =	vst v63  }
0x148: {  	s16 =	simm.s32 $0x180;
	s23 =	simm.s32 $0x980  }
0x149: {  	[tilespmem:s23], [sflag:$0x1] =	stream.indirect.gather [spmem:s6], $0x1, s16, s30, $0xb8;
	[tilespmem:$0xA300] =	vst v63  }
0x14a: {  	s9 =	simm.s32 $0xA00;
	s23 =	simm.s32 $0x200  }
0x14b: {  	[tilespmem:s9], [sflag:$0x1] =	stream.indirect.gather [spmem:s6], $0x1, s23, s30, $0xb8;
	[tilespmem:$0xA300] =	vst v63  }
0x14c: {  	s2 =	simm.s32 $0x280;
	s9 =	simm.s32 $0xA80  }
0x14d: {  	[tilespmem:s9], [sflag:$0x1] =	stream.indirect.gather [spmem:s6], $0x1, s2, s30, $0xb8;
	[tilespmem:$0xA300] =	vst v63  }
0x14e: {  	s0 =	simm.s32 $0x300;
	s9 =	simm.s32 $0xB00  }
0x14f: {  	[tilespmem:s9], [sflag:$0x1] =	stream.indirect.gather [spmem:s6], $0x1, s0, s30, $0xb8;
	[tilespmem:$0xA300] =	vst v63  }
0x150: {  	s25 =	simm.s32 $0xB80;
	s1 =	simm.s32 $0x380  }
0x151: {  	[tilespmem:s25], [sflag:$0x1] =	stream.indirect.gather [spmem:s6], $0x1, s1, s30, $0xb8;
	[tilespmem:$0xA300] =	vst v63  }
0x152: {  	s7 =	simm.s32 $0xC00;
	s25 =	simm.s32 $0x400  }
0x153: {  	[tilespmem:s7], [sflag:$0x1] =	stream.indirect.gather [spmem:s6], $0x1, s25, s30, $0xb8;
	[tilespmem:$0xA300] =	vst v63  }
0x154: {  	s8 =	simm.s32 $0xC80;
	s25 =	simm.s32 $0x480  }
0x155: {  	[tilespmem:s8], [sflag:$0x1] =	stream.indirect.gather [spmem:s6], $0x1, s25, s30, $0xb8;
	[tilespmem:$0xA300] =	vst v63  }
0x156: {  	s31 =	simm.s32 $0x500;
	s10 =	simm.s32 $0xD00  }
0x157: {  	[tilespmem:s10], [sflag:$0x1] =	stream.indirect.gather [spmem:s6], $0x1, s31, s30, $0xb8;
	[tilespmem:$0xA300] =	vst v63  }
0x158: {  	s11 =	simm.s32 $0xD80;
	s25 =	simm.s32 $0x580  }
0x159: {  	[tilespmem:s11], [sflag:$0x1] =	stream.indirect.gather [spmem:s6], $0x1, s25, s30, $0xb8;
	[tilespmem:$0xA300] =	vst v63  }
0x15a: {  	s12 =	simm.s32 $0xE00;
	s31 =	simm.s32 $0x600  }
0x15b: {  	[tilespmem:s12], [sflag:$0x1] =	stream.indirect.gather [spmem:s6], $0x1, s31, s30, $0xb8;
	[tilespmem:$0xA300] =	vst v63  }
0x15c: {  	s13 =	simm.s32 $0xE80;
	s25 =	simm.s32 $0x680  }
0x15d: {  	[tilespmem:s13], [sflag:$0x1] =	stream.indirect.gather [spmem:s6], $0x1, s25, s30, $0xb8;
	[tilespmem:$0xA300] =	vst v63  }
0x15e: {  	s14 =	simm.s32 $0xF00;
	s31 =	simm.s32 $0x700  }
0x15f: {  	[tilespmem:s14], [sflag:$0x1] =	stream.indirect.gather [spmem:s6], $0x1, s31, s30, $0xb8;
	[tilespmem:$0xA300] =	vst v63  }
0x160: {  	s20 =	simm.s32 $0x780;
	s25 =	simm.s32 $0xF80  }
0x161: {  	[tilespmem:s25], [sflag:$0x1] =	stream.indirect.gather [spmem:s6], $0x1, s20, s30, $0xb8;
	[tilespmem:$0xA300] =	vst v63  }
0x162: {  	_ =	swait.ge [sflag:s17], $0x80  }
0x163: {  	[sflag:s17] =	ssyncset.done $0x0  }
0x164: {  	[sflag:s17] =	ssyncadd.s32 $0xFFFFFF80  }
0x165: {  	_ =	swait.ge [sflag:s17], $0x80  }
0x166: {  	[sflag:s17] =	ssyncset.done $0x0  }
0x167: {  	[sflag:s17] =	ssyncadd.s32 $0xFFFFFF80  }
0x168: {  	_ =	swait.ge [sflag:s17], $0x80  }
0x169: {  	[sflag:s17] =	ssyncset.done $0x0  }
0x16a: {  	[sflag:s17] =	ssyncadd.s32 $0xFFFFFF80  }
0x16b: {  	_ =	swait.ge [sflag:s17], $0x80  }
0x16c: {  	[sflag:s17] =	ssyncset.done $0x0  }
0x16d: {  	[sflag:s17] =	ssyncadd.s32 $0xFFFFFF80  }
0x16e: {  	_ =	swait.ge [sflag:s17], $0x80  }
0x16f: {  	[sflag:s17] =	ssyncset.done $0x0  }
0x170: {  	[sflag:s17] =	ssyncadd.s32 $0xFFFFFF80  }
0x171: {  	_ =	swait.ge [sflag:s17], $0x80  }
0x172: {  	[sflag:s17] =	ssyncset.done $0x0  }
0x173: {  	[sflag:s17] =	ssyncadd.s32 $0xFFFFFF80  }
0x174: {  	_ =	swait.ge [sflag:s17], $0x80  }
0x175: {  	[sflag:s17] =	ssyncset.done $0x0  }
0x176: {  	[sflag:s17] =	ssyncadd.s32 $0xFFFFFF80  }
0x177: {  	_ =	swait.ge [sflag:s17], $0x80  }
0x178: {  	[sflag:s17] =	ssyncset.done $0x0  }
0x179: {  	[sflag:s17] =	ssyncadd.s32 $0xFFFFFF80  }
0x17a: {  	_ =	swait.ge [sflag:s17], $0x80  }
0x17b: {  	[sflag:s17] =	ssyncset.done $0x0  }
0x17c: {  	[sflag:s17] =	ssyncadd.s32 $0xFFFFFF80  }
0x17d: {  	_ =	swait.ge [sflag:s17], $0x80  }
0x17e: {  	[sflag:s17] =	ssyncset.done $0x0  }
0x17f: {  	[sflag:s17] =	ssyncadd.s32 $0xFFFFFF80  }
0x180: {  	_ =	swait.ge [sflag:s17], $0x80  }
0x181: {  	[sflag:s17] =	ssyncset.done $0x0  }
0x182: {  	[sflag:s17] =	ssyncadd.s32 $0xFFFFFF80  }
0x183: {  	_ =	swait.ge [sflag:s17], $0x80  }
0x184: {  	[sflag:s17] =	ssyncset.done $0x0  }
0x185: {  	[sflag:s17] =	ssyncadd.s32 $0xFFFFFF80  }
0x186: {  	_ =	swait.ge [sflag:s17], $0x80  }
0x187: {  	[sflag:s17] =	ssyncset.done $0x0  }
0x188: {  	[sflag:s17] =	ssyncadd.s32 $0xFFFFFF80  }
0x189: {  	_ =	swait.ge [sflag:s17], $0x80  }
0x18a: {  	[sflag:s17] =	ssyncset.done $0x0  }
0x18b: {  	[sflag:s17] =	ssyncadd.s32 $0xFFFFFF80  }
0x18c: {  	_ =	swait.ge [sflag:s17], $0x80  }
0x18d: {  	[sflag:s17] =	ssyncset.done $0x0  }
0x18e: {  	[sflag:s17] =	ssyncadd.s32 $0xFFFFFF80  }
0x18f: {  	_ =	swait.ge [sflag:s17], $0x80  }
0x190: {  	[sflag:s17] =	ssyncset.done $0x0;
	s31 =	rddreg [dreg:$0xe]  }
0x191: {  	[sflag:s17] =	ssyncadd.s32 $0xFFFFFF80;
	s9 =	sadd.s32 s18, s31  }
0x192: {  	[hbm4b:s9+s15] =	stream.linear.scatter [tilespmem:s22], [sflag:$0x3], $0x800, $0x38;
	[tilespmem:$0xA300] =	vst v63  }
0x193: {  	_ =	swait.ge [sflag:s29], $0x800  }
0x194: {  	[sflag:s29] =	ssyncset.done $0x0  }
0x195: {  	[sflag:s29] =	ssyncadd.s32 $0xFFFFF800  }
0x196: {  	[tilespmem:s22], [sflag:$0x1] =	stream.indirect.gather [spmem:s26], $0x1, s15, s30, $0xb8;
	[tilespmem:$0xA300] =	vst v63  }
0x197: {  	s24 =	simm.s32 $0x880  }
0x198: {  	[tilespmem:s24], [sflag:$0x1] =	stream.indirect.gather [spmem:s26], $0x1, s30, s30, $0xb8;
	[tilespmem:$0xA300] =	vst v63  }
0x199: {  	s21 =	simm.s32 $0x100;
	s20 =	simm.s32 $0x900  }
0x19a: {  	[tilespmem:s20], [sflag:$0x1] =	stream.indirect.gather [spmem:s26], $0x1, s21, s30, $0xb8;
	[tilespmem:$0xA300] =	vst v63  }
0x19b: {  	s16 =	simm.s32 $0x980;
	s24 =	simm.s32 $0x180  }
0x19c: {  	[tilespmem:s16], [sflag:$0x1] =	stream.indirect.gather [spmem:s26], $0x1, s24, s30, $0xb8;
	[tilespmem:$0xA300] =	vst v63  }
0x19d: {  	s23 =	simm.s32 $0xA00;
	s31 =	simm.s32 $0x200  }
0x19e: {  	[tilespmem:s23], [sflag:$0x1] =	stream.indirect.gather [spmem:s26], $0x1, s31, s30, $0xb8;
	[tilespmem:$0xA300] =	vst v63  }
0x19f: {  	s2 =	simm.s32 $0xA80;
	s21 =	simm.s32 $0x280  }
0x1a0: {  	[tilespmem:s2], [sflag:$0x1] =	stream.indirect.gather [spmem:s26], $0x1, s21, s30, $0xb8;
	[tilespmem:$0xA300] =	vst v63  }
0x1a1: {  	s0 =	simm.s32 $0xB00;
	s23 =	simm.s32 $0x300  }
0x1a2: {  	[tilespmem:s0], [sflag:$0x1] =	stream.indirect.gather [spmem:s26], $0x1, s23, s30, $0xb8;
	[tilespmem:$0xA300] =	vst v63  }
0x1a3: {  	s1 =	simm.s32 $0xB80;
	s31 =	simm.s32 $0x380  }
0x1a4: {  	[tilespmem:s1], [sflag:$0x1] =	stream.indirect.gather [spmem:s26], $0x1, s31, s30, $0xb8;
	[tilespmem:$0xA300] =	vst v63  }
0x1a5: {  	s7 =	simm.s32 $0x400;
	s21 =	simm.s32 $0xC00  }
0x1a6: {  	[tilespmem:s21], [sflag:$0x1] =	stream.indirect.gather [spmem:s26], $0x1, s7, s30, $0xb8;
	[tilespmem:$0xA300] =	vst v63  }
0x1a7: {  	s8 =	simm.s32 $0x480;
	s23 =	simm.s32 $0xC80  }
0x1a8: {  	[tilespmem:s23], [sflag:$0x1] =	stream.indirect.gather [spmem:s26], $0x1, s8, s30, $0xb8;
	[tilespmem:$0xA300] =	vst v63  }
0x1a9: {  	s10 =	simm.s32 $0x500;
	s21 =	simm.s32 $0xD00  }
0x1aa: {  	[tilespmem:s21], [sflag:$0x1] =	stream.indirect.gather [spmem:s26], $0x1, s10, s30, $0xb8;
	[tilespmem:$0xA300] =	vst v63  }
0x1ab: {  	s11 =	simm.s32 $0x580;
	s21 =	simm.s32 $0xD80  }
0x1ac: {  	[tilespmem:s21], [sflag:$0x1] =	stream.indirect.gather [spmem:s26], $0x1, s11, s30, $0xb8;
	[tilespmem:$0xA300] =	vst v63  }
0x1ad: {  	s12 =	simm.s32 $0x600;
	s21 =	simm.s32 $0xE00  }
0x1ae: {  	[tilespmem:s21], [sflag:$0x1] =	stream.indirect.gather [spmem:s26], $0x1, s12, s30, $0xb8;
	[tilespmem:$0xA300] =	vst v63  }
0x1af: {  	s13 =	simm.s32 $0x680;
	s21 =	simm.s32 $0xE80  }
0x1b0: {  	[tilespmem:s21], [sflag:$0x1] =	stream.indirect.gather [spmem:s26], $0x1, s13, s30, $0xb8;
	[tilespmem:$0xA300] =	vst v63  }
0x1b1: {  	s14 =	simm.s32 $0x700;
	s21 =	simm.s32 $0xF00  }
0x1b2: {  	[tilespmem:s21], [sflag:$0x1] =	stream.indirect.gather [spmem:s26], $0x1, s14, s30, $0xb8;
	[tilespmem:$0xA300] =	vst v63  }
0x1b3: {  	s25 =	simm.s32 $0xF80;
	s21 =	simm.s32 $0x780  }
0x1b4: {  	[tilespmem:s25], [sflag:$0x1] =	stream.indirect.gather [spmem:s26], $0x1, s21, s30, $0xb8;
	[tilespmem:$0xA300] =	vst v63  }
0x1b5: {  	_ =	swait.ge [sflag:s17], $0x80  }
0x1b6: {  	[sflag:s17] =	ssyncset.done $0x0  }
0x1b7: {  	[sflag:s17] =	ssyncadd.s32 $0xFFFFFF80  }
0x1b8: {  	_ =	swait.ge [sflag:s17], $0x80  }
0x1b9: {  	[sflag:s17] =	ssyncset.done $0x0  }
0x1ba: {  	[sflag:s17] =	ssyncadd.s32 $0xFFFFFF80  }
0x1bb: {  	_ =	swait.ge [sflag:s17], $0x80  }
0x1bc: {  	[sflag:s17] =	ssyncset.done $0x0  }
0x1bd: {  	[sflag:s17] =	ssyncadd.s32 $0xFFFFFF80  }
0x1be: {  	_ =	swait.ge [sflag:s17], $0x80  }
0x1bf: {  	[sflag:s17] =	ssyncset.done $0x0  }
0x1c0: {  	[sflag:s17] =	ssyncadd.s32 $0xFFFFFF80  }
0x1c1: {  	_ =	swait.ge [sflag:s17], $0x80  }
0x1c2: {  	[sflag:s17] =	ssyncset.done $0x0  }
0x1c3: {  	[sflag:s17] =	ssyncadd.s32 $0xFFFFFF80  }
0x1c4: {  	_ =	swait.ge [sflag:s17], $0x80  }
0x1c5: {  	[sflag:s17] =	ssyncset.done $0x0  }
0x1c6: {  	[sflag:s17] =	ssyncadd.s32 $0xFFFFFF80  }
0x1c7: {  	_ =	swait.ge [sflag:s17], $0x80  }
0x1c8: {  	[sflag:s17] =	ssyncset.done $0x0  }
0x1c9: {  	[sflag:s17] =	ssyncadd.s32 $0xFFFFFF80  }
0x1ca: {  	_ =	swait.ge [sflag:s17], $0x80  }
0x1cb: {  	[sflag:s17] =	ssyncset.done $0x0  }
0x1cc: {  	[sflag:s17] =	ssyncadd.s32 $0xFFFFFF80  }
0x1cd: {  	_ =	swait.ge [sflag:s17], $0x80  }
0x1ce: {  	[sflag:s17] =	ssyncset.done $0x0  }
0x1cf: {  	[sflag:s17] =	ssyncadd.s32 $0xFFFFFF80  }
0x1d0: {  	_ =	swait.ge [sflag:s17], $0x80  }
0x1d1: {  	[sflag:s17] =	ssyncset.done $0x0  }
0x1d2: {  	[sflag:s17] =	ssyncadd.s32 $0xFFFFFF80  }
0x1d3: {  	_ =	swait.ge [sflag:s17], $0x80  }
0x1d4: {  	[sflag:s17] =	ssyncset.done $0x0  }
0x1d5: {  	[sflag:s17] =	ssyncadd.s32 $0xFFFFFF80  }
0x1d6: {  	_ =	swait.ge [sflag:s17], $0x80  }
0x1d7: {  	[sflag:s17] =	ssyncset.done $0x0  }
0x1d8: {  	[sflag:s17] =	ssyncadd.s32 $0xFFFFFF80  }
0x1d9: {  	_ =	swait.ge [sflag:s17], $0x80  }
0x1da: {  	[sflag:s17] =	ssyncset.done $0x0  }
0x1db: {  	[sflag:s17] =	ssyncadd.s32 $0xFFFFFF80  }
0x1dc: {  	_ =	swait.ge [sflag:s17], $0x80  }
0x1dd: {  	[sflag:s17] =	ssyncset.done $0x0  }
0x1de: {  	[sflag:s17] =	ssyncadd.s32 $0xFFFFFF80  }
0x1df: {  	_ =	swait.ge [sflag:s17], $0x80  }
0x1e0: {  	[sflag:s17] =	ssyncset.done $0x0  }
0x1e1: {  	[sflag:s17] =	ssyncadd.s32 $0xFFFFFF80  }
0x1e2: {  	_ =	swait.ge [sflag:s17], $0x80  }
0x1e3: {  	[sflag:s17] =	ssyncset.done $0x0;
	s9 =	rddreg [dreg:$0xf]  }
0x1e4: {  	[sflag:s17] =	ssyncadd.s32 $0xFFFFFF80;
	s9 =	sadd.s32 s18, s9  }
0x1e5: {  	[hbm4b:s9+s15] =	stream.linear.scatter [tilespmem:s22], [sflag:$0x3], $0x800, $0x38;
	[tilespmem:$0xA300] =	vst v63  }
0x1e6: {  	_ =	swait.ge [sflag:s29], $0x800  }
0x1e7: {  	[sflag:s29] =	ssyncset.done $0x0  }
0x1e8: {  	[sflag:s29] =	ssyncadd.s32 $0xFFFFF800  }
0x1e9: {  	[tilespmem:s22], [sflag:$0x1] =	stream.indirect.gather [spmem:s28], $0x1, s15, s30, $0xb8;
	[tilespmem:$0xA300] =	vst v63  }
0x1ea: {  	s9 =	simm.s32 $0x880  }
0x1eb: {  	[tilespmem:s9], [sflag:$0x1] =	stream.indirect.gather [spmem:s28], $0x1, s30, s30, $0xb8;
	[tilespmem:$0xA300] =	vst v63  }
0x1ec: {  	s20 =	simm.s32 $0x900;
	s9 =	simm.s32 $0x100  }
0x1ed: {  	[tilespmem:s20], [sflag:$0x1] =	stream.indirect.gather [spmem:s28], $0x1, s9, s30, $0xb8;
	[tilespmem:$0xA300] =	vst v63  }
0x1ee: {  	s16 =	simm.s32 $0x180;
	s20 =	simm.s32 $0x980  }
0x1ef: {  	[tilespmem:s20], [sflag:$0x1] =	stream.indirect.gather [spmem:s28], $0x1, s16, s30, $0xb8;
	[tilespmem:$0xA300] =	vst v63  }
0x1f0: {  	s24 =	simm.s32 $0x200;
	s16 =	simm.s32 $0xA00  }
0x1f1: {  	[tilespmem:s16], [sflag:$0x1] =	stream.indirect.gather [spmem:s28], $0x1, s24, s30, $0xb8;
	[tilespmem:$0xA300] =	vst v63  }
0x1f2: {  	s2 =	simm.s32 $0x280;
	s20 =	simm.s32 $0xA80  }
0x1f3: {  	[tilespmem:s20], [sflag:$0x1] =	stream.indirect.gather [spmem:s28], $0x1, s2, s30, $0xb8;
	[tilespmem:$0xA300] =	vst v63  }
0x1f4: {  	s0 =	simm.s32 $0x300;
	s24 =	simm.s32 $0xB00  }
0x1f5: {  	[tilespmem:s24], [sflag:$0x1] =	stream.indirect.gather [spmem:s28], $0x1, s0, s30, $0xb8;
	[tilespmem:$0xA300] =	vst v63  }
0x1f6: {  	s31 =	simm.s32 $0xB80;
	s1 =	simm.s32 $0x380  }
0x1f7: {  	[tilespmem:s31], [sflag:$0x1] =	stream.indirect.gather [spmem:s28], $0x1, s1, s30, $0xb8;
	[tilespmem:$0xA300] =	vst v63  }
0x1f8: {  	s7 =	simm.s32 $0xC00;
	s2 =	simm.s32 $0x400  }
0x1f9: {  	[tilespmem:s7], [sflag:$0x1] =	stream.indirect.gather [spmem:s28], $0x1, s2, s30, $0xb8;
	[tilespmem:$0xA300] =	vst v63  }
0x1fa: {  	s23 =	simm.s32 $0x480;
	s8 =	simm.s32 $0xC80  }
0x1fb: {  	[tilespmem:s8], [sflag:$0x1] =	stream.indirect.gather [spmem:s28], $0x1, s23, s30, $0xb8;
	[tilespmem:$0xA300] =	vst v63  }
0x1fc: {  	s10 =	simm.s32 $0xD00;
	s9 =	simm.s32 $0x500  }
0x1fd: {  	[tilespmem:s10], [sflag:$0x1] =	stream.indirect.gather [spmem:s28], $0x1, s9, s30, $0xb8;
	[tilespmem:$0xA300] =	vst v63  }
0x1fe: {  	s11 =	simm.s32 $0xD80;
	s16 =	simm.s32 $0x580  }
0x1ff: {  	[tilespmem:s11], [sflag:$0x1] =	stream.indirect.gather [spmem:s28], $0x1, s16, s30, $0xb8;
	[tilespmem:$0xA300] =	vst v63  }
0x200: {  	s12 =	simm.s32 $0xE00;
	s20 =	simm.s32 $0x600  }
0x201: {  	[tilespmem:s12], [sflag:$0x1] =	stream.indirect.gather [spmem:s28], $0x1, s20, s30, $0xb8;
	[tilespmem:$0xA300] =	vst v63  }
0x202: {  	s13 =	simm.s32 $0xE80;
	s23 =	simm.s32 $0x680  }
0x203: {  	[tilespmem:s13], [sflag:$0x1] =	stream.indirect.gather [spmem:s28], $0x1, s23, s30, $0xb8;
	[tilespmem:$0xA300] =	vst v63  }
0x204: {  	s14 =	simm.s32 $0xF00;
	s24 =	simm.s32 $0x700  }
0x205: {  	[tilespmem:s14], [sflag:$0x1] =	stream.indirect.gather [spmem:s28], $0x1, s24, s30, $0xb8;
	[tilespmem:$0xA300] =	vst v63  }
0x206: {  	s25 =	simm.s32 $0xF80;
	s21 =	simm.s32 $0x780  }
0x207: {  	[tilespmem:s25], [sflag:$0x1] =	stream.indirect.gather [spmem:s28], $0x1, s21, s30, $0xb8;
	[tilespmem:$0xA300] =	vst v63  }
0x208: {  	_ =	swait.ge [sflag:s17], $0x80  }
0x209: {  	[sflag:s17] =	ssyncset.done $0x0  }
0x20a: {  	[sflag:s17] =	ssyncadd.s32 $0xFFFFFF80  }
0x20b: {  	_ =	swait.ge [sflag:s17], $0x80  }
0x20c: {  	[sflag:s17] =	ssyncset.done $0x0  }
0x20d: {  	[sflag:s17] =	ssyncadd.s32 $0xFFFFFF80  }
0x20e: {  	_ =	swait.ge [sflag:s17], $0x80  }
0x20f: {  	[sflag:s17] =	ssyncset.done $0x0  }
0x210: {  	[sflag:s17] =	ssyncadd.s32 $0xFFFFFF80  }
0x211: {  	_ =	swait.ge [sflag:s17], $0x80  }
0x212: {  	[sflag:s17] =	ssyncset.done $0x0  }
0x213: {  	[sflag:s17] =	ssyncadd.s32 $0xFFFFFF80  }
0x214: {  	_ =	swait.ge [sflag:s17], $0x80  }
0x215: {  	[sflag:s17] =	ssyncset.done $0x0  }
0x216: {  	[sflag:s17] =	ssyncadd.s32 $0xFFFFFF80  }
0x217: {  	_ =	swait.ge [sflag:s17], $0x80  }
0x218: {  	[sflag:s17] =	ssyncset.done $0x0  }
0x219: {  	[sflag:s17] =	ssyncadd.s32 $0xFFFFFF80  }
0x21a: {  	_ =	swait.ge [sflag:s17], $0x80  }
0x21b: {  	[sflag:s17] =	ssyncset.done $0x0  }
0x21c: {  	[sflag:s17] =	ssyncadd.s32 $0xFFFFFF80  }
0x21d: {  	_ =	swait.ge [sflag:s17], $0x80  }
0x21e: {  	[sflag:s17] =	ssyncset.done $0x0  }
0x21f: {  	[sflag:s17] =	ssyncadd.s32 $0xFFFFFF80  }
0x220: {  	_ =	swait.ge [sflag:s17], $0x80  }
0x221: {  	[sflag:s17] =	ssyncset.done $0x0  }
0x222: {  	[sflag:s17] =	ssyncadd.s32 $0xFFFFFF80  }
0x223: {  	_ =	swait.ge [sflag:s17], $0x80  }
0x224: {  	[sflag:s17] =	ssyncset.done $0x0  }
0x225: {  	[sflag:s17] =	ssyncadd.s32 $0xFFFFFF80  }
0x226: {  	_ =	swait.ge [sflag:s17], $0x80  }
0x227: {  	[sflag:s17] =	ssyncset.done $0x0  }
0x228: {  	[sflag:s17] =	ssyncadd.s32 $0xFFFFFF80  }
0x229: {  	_ =	swait.ge [sflag:s17], $0x80  }
0x22a: {  	[sflag:s17] =	ssyncset.done $0x0  }
0x22b: {  	[sflag:s17] =	ssyncadd.s32 $0xFFFFFF80  }
0x22c: {  	_ =	swait.ge [sflag:s17], $0x80  }
0x22d: {  	[sflag:s17] =	ssyncset.done $0x0  }
0x22e: {  	[sflag:s17] =	ssyncadd.s32 $0xFFFFFF80  }
0x22f: {  	_ =	swait.ge [sflag:s17], $0x80  }
0x230: {  	[sflag:s17] =	ssyncset.done $0x0  }
0x231: {  	[sflag:s17] =	ssyncadd.s32 $0xFFFFFF80  }
0x232: {  	_ =	swait.ge [sflag:s17], $0x80  }
0x233: {  	[sflag:s17] =	ssyncset.done $0x0  }
0x234: {  	[sflag:s17] =	ssyncadd.s32 $0xFFFFFF80  }
0x235: {  	_ =	swait.ge [sflag:s17], $0x80  }
0x236: {  	[sflag:s17] =	ssyncset.done $0x0;
	s31 =	rddreg [dreg:$0x10]  }
0x237: {  	[sflag:s17] =	ssyncadd.s32 $0xFFFFFF80;
	s9 =	sadd.s32 s18, s31  }
0x238: {  	[hbm4b:s9+s15] =	stream.linear.scatter [tilespmem:s22], [sflag:$0x3], $0x800, $0x38;
	[tilespmem:$0xA300] =	vst v63  }
0x239: {  	_ =	swait.ge [sflag:s29], $0x800  }
0x23a: {  	[sflag:s29] =	ssyncset.done $0x0  }
0x23b: {  	[sflag:s29] =	ssyncadd.s32 $0xFFFFF800  }
.LBB2_8:
0x23c: {  	s18 =	sadd.s32 $0x2000, s18  }
0x23d: {  	p0 =	sne.s32 s18, $0xE000  }
.Ltmp4:
0x23e: {  	_ = 	snop;
	(pc) =	sbr.rel @!p0 .LBB2_9-.Ltmp4, $2  }
0x23f: {  	_ =	sdelay $0x2  }
0x240: {  	s19 =	sadd.s32 $0x20, s19  }
.LBB2_4:
0x241: {  	p0 =	sgt.u32 s19, $0xC2  }
.Ltmp5:
0x242: {  	_ = 	snop;
	(pc) =	sbr.rel @!p0 .LBB2_5-.Ltmp5, $1  }
0x243: {  	_ =	sdelay $0x3  }
0x244: {  	s9 =	rddreg [dreg:$0x12]  }
0x245: {  	s9 =	sadd.s32 s18, s9  }
0x246: {  	s9 =	sadd.s32 $0xFFFF3D00, s9  }
0x247: {  	p0 =	sne.s32 s9, $0x0  }
.Ltmp6:
0x248: {  	_ = 	snop;
	(pc) =	sbr.rel @p0 .LBB2_8-.Ltmp6, $1  }
0x249: {  	_ =	sdelay $0x3  }
0x24a: {  	s0 =	rddreg [dreg:$0x5];
	s2 =	simm.s32 $0x0  }
0x24b: {  	[tilespmem:s2], [sflag:$0x3] =	stream.linear.gather [hbm4b:s0+s2], $0x280, $0x38;
	[tilespmem:$0xA300] =	vst v63  }
0x24c: {  	_ =	swait.ge [sflag:s29], $0x280  }
0x24d: {  	[sflag:s29] =	ssyncset.done $0x0  }
0x24e: {  	[sflag:s29] =	ssyncadd.s32 $0xFFFFFD80  }
0x24f: {  	s1 =	simm.s32 $0x800;
	s9 =	rddreg [dreg:$0x3]  }
0x250: {  	[tilespmem:s1], [sflag:$0x1] =	stream.indirect.gather [spmem:s9], $0x1, s2, s30, $0xb8;
	[tilespmem:$0xA300] =	vst v63  }
0x251: {  	s16 =	simm.s32 $0x880  }
0x252: {  	[tilespmem:s16], [sflag:$0x1] =	stream.indirect.gather [spmem:s9], $0x1, s30, s30, $0xb8;
	[tilespmem:$0xA300] =	vst v63  }
0x253: {  	s10 =	simm.s32 $0x100;
	s11 =	simm.s32 $0x900  }
0x254: {  	[tilespmem:s11], [sflag:$0x1] =	stream.indirect.gather [spmem:s9], $0x1, s10, s30, $0xb8;
	[tilespmem:$0xA300] =	vst v63  }
0x255: {  	s7 =	simm.s32 $0x180;
	s12 =	simm.s32 $0x980  }
0x256: {  	[tilespmem:s12], [sflag:$0x1] =	stream.indirect.gather [spmem:s9], $0x1, s7, s30, $0xb8;
	[tilespmem:$0xA300] =	vst v63  }
0x257: {  	s8 =	simm.s32 $0x200;
	s13 =	simm.s32 $0xA00  }
0x258: {  	[tilespmem:s13], [sflag:$0x1] =	stream.indirect.gather [spmem:s9], $0x1, s8, s30, $0xb8;
	[tilespmem:$0xA300] =	vst v63  }
0x259: {  	_ =	swait.ge [sflag:s17], $0x80  }
0x25a: {  	[sflag:s17] =	ssyncset.done $0x0  }
0x25b: {  	[sflag:s17] =	ssyncadd.s32 $0xFFFFFF80  }
0x25c: {  	_ =	swait.ge [sflag:s17], $0x80  }
0x25d: {  	[sflag:s17] =	ssyncset.done $0x0  }
0x25e: {  	[sflag:s17] =	ssyncadd.s32 $0xFFFFFF80  }
0x25f: {  	_ =	swait.ge [sflag:s17], $0x80  }
0x260: {  	[sflag:s17] =	ssyncset.done $0x0  }
0x261: {  	[sflag:s17] =	ssyncadd.s32 $0xFFFFFF80  }
0x262: {  	_ =	swait.ge [sflag:s17], $0x80  }
0x263: {  	[sflag:s17] =	ssyncset.done $0x0  }
0x264: {  	[sflag:s17] =	ssyncadd.s32 $0xFFFFFF80  }
0x265: {  	_ =	swait.ge [sflag:s17], $0x80  }
0x266: {  	[sflag:s17] =	ssyncset.done $0x0  }
0x267: {  	s20 =	rddreg [dreg:$0x6];
	[sflag:s17] =	ssyncadd.s32 $0xFFFFFF80  }
0x268: {  	[hbm4b:s20+s2] =	stream.linear.scatter [tilespmem:s1], [sflag:$0x3], $0x280, $0x38;
	[tilespmem:$0xA300] =	vst v63  }
0x269: {  	_ =	swait.ge [sflag:s29], $0x280  }
0x26a: {  	[sflag:s29] =	ssyncset.done $0x0  }
0x26b: {  	[sflag:s29] =	ssyncadd.s32 $0xFFFFFD80  }
0x26c: {  	[tilespmem:s1], [sflag:$0x1] =	stream.indirect.gather [spmem:s4], $0x1, s2, s30, $0xb8;
	[tilespmem:$0xA300] =	vst v63  }
0x26d: {  	_ = 	snop  }
0x26e: {  	[tilespmem:s16], [sflag:$0x1] =	stream.indirect.gather [spmem:s4], $0x1, s30, s30, $0xb8;
	[tilespmem:$0xA300] =	vst v63  }
0x26f: {  	_ = 	snop  }
0x270: {  	[tilespmem:s11], [sflag:$0x1] =	stream.indirect.gather [spmem:s4], $0x1, s10, s30, $0xb8;
	[tilespmem:$0xA300] =	vst v63  }
0x271: {  	_ = 	snop  }
0x272: {  	[tilespmem:s12], [sflag:$0x1] =	stream.indirect.gather [spmem:s4], $0x1, s7, s30, $0xb8;
	[tilespmem:$0xA300] =	vst v63  }
0x273: {  	_ = 	snop  }
0x274: {  	[tilespmem:s13], [sflag:$0x1] =	stream.indirect.gather [spmem:s4], $0x1, s8, s30, $0xb8;
	[tilespmem:$0xA300] =	vst v63  }
0x275: {  	_ =	swait.ge [sflag:s17], $0x80  }
0x276: {  	[sflag:s17] =	ssyncset.done $0x0  }
0x277: {  	[sflag:s17] =	ssyncadd.s32 $0xFFFFFF80  }
0x278: {  	_ =	swait.ge [sflag:s17], $0x80  }
0x279: {  	[sflag:s17] =	ssyncset.done $0x0  }
0x27a: {  	[sflag:s17] =	ssyncadd.s32 $0xFFFFFF80  }
0x27b: {  	_ =	swait.ge [sflag:s17], $0x80  }
0x27c: {  	[sflag:s17] =	ssyncset.done $0x0  }
0x27d: {  	[sflag:s17] =	ssyncadd.s32 $0xFFFFFF80  }
0x27e: {  	_ =	swait.ge [sflag:s17], $0x80  }
0x27f: {  	[sflag:s17] =	ssyncset.done $0x0  }
0x280: {  	[sflag:s17] =	ssyncadd.s32 $0xFFFFFF80  }
0x281: {  	_ =	swait.ge [sflag:s17], $0x80  }
0x282: {  	[sflag:s17] =	ssyncset.done $0x0  }
0x283: {  	s21 =	rddreg [dreg:$0x7];
	[sflag:s17] =	ssyncadd.s32 $0xFFFFFF80  }
0x284: {  	[hbm4b:s21+s2] =	stream.linear.scatter [tilespmem:s1], [sflag:$0x3], $0x280, $0x38;
	[tilespmem:$0xA300] =	vst v63  }
0x285: {  	_ =	swait.ge [sflag:s29], $0x280  }
0x286: {  	[sflag:s29] =	ssyncset.done $0x0  }
0x287: {  	[sflag:s29] =	ssyncadd.s32 $0xFFFFFD80  }
0x288: {  	[tilespmem:s1], [sflag:$0x1] =	stream.indirect.gather [spmem:s5], $0x1, s2, s30, $0xb8;
	[tilespmem:$0xA300] =	vst v63  }
0x289: {  	_ = 	snop  }
0x28a: {  	[tilespmem:s16], [sflag:$0x1] =	stream.indirect.gather [spmem:s5], $0x1, s30, s30, $0xb8;
	[tilespmem:$0xA300] =	vst v63  }
0x28b: {  	_ = 	snop  }
0x28c: {  	[tilespmem:s11], [sflag:$0x1] =	stream.indirect.gather [spmem:s5], $0x1, s10, s30, $0xb8;
	[tilespmem:$0xA300] =	vst v63  }
0x28d: {  	_ = 	snop  }
0x28e: {  	[tilespmem:s12], [sflag:$0x1] =	stream.indirect.gather [spmem:s5], $0x1, s7, s30, $0xb8;
	[tilespmem:$0xA300] =	vst v63  }
0x28f: {  	_ = 	snop  }
0x290: {  	[tilespmem:s13], [sflag:$0x1] =	stream.indirect.gather [spmem:s5], $0x1, s8, s30, $0xb8;
	[tilespmem:$0xA300] =	vst v63  }
0x291: {  	_ =	swait.ge [sflag:s17], $0x80  }
0x292: {  	[sflag:s17] =	ssyncset.done $0x0  }
0x293: {  	[sflag:s17] =	ssyncadd.s32 $0xFFFFFF80  }
0x294: {  	_ =	swait.ge [sflag:s17], $0x80  }
0x295: {  	[sflag:s17] =	ssyncset.done $0x0  }
0x296: {  	[sflag:s17] =	ssyncadd.s32 $0xFFFFFF80  }
0x297: {  	_ =	swait.ge [sflag:s17], $0x80  }
0x298: {  	[sflag:s17] =	ssyncset.done $0x0  }
0x299: {  	[sflag:s17] =	ssyncadd.s32 $0xFFFFFF80  }
0x29a: {  	_ =	swait.ge [sflag:s17], $0x80  }
0x29b: {  	[sflag:s17] =	ssyncset.done $0x0  }
0x29c: {  	[sflag:s17] =	ssyncadd.s32 $0xFFFFFF80  }
0x29d: {  	_ =	swait.ge [sflag:s17], $0x80  }
0x29e: {  	[sflag:s17] =	ssyncset.done $0x0  }
0x29f: {  	s22 =	rddreg [dreg:$0x8];
	[sflag:s17] =	ssyncadd.s32 $0xFFFFFF80  }
0x2a0: {  	[hbm4b:s22+s2] =	stream.linear.scatter [tilespmem:s1], [sflag:$0x3], $0x280, $0x38;
	[tilespmem:$0xA300] =	vst v63  }
0x2a1: {  	_ =	swait.ge [sflag:s29], $0x280  }
0x2a2: {  	[sflag:s29] =	ssyncset.done $0x0  }
0x2a3: {  	[sflag:s29] =	ssyncadd.s32 $0xFFFFFD80  }
0x2a4: {  	[tilespmem:s1], [sflag:$0x1] =	stream.indirect.gather [spmem:s6], $0x1, s2, s30, $0xb8;
	[tilespmem:$0xA300] =	vst v63  }
0x2a5: {  	_ = 	snop  }
0x2a6: {  	[tilespmem:s16], [sflag:$0x1] =	stream.indirect.gather [spmem:s6], $0x1, s30, s30, $0xb8;
	[tilespmem:$0xA300] =	vst v63  }
0x2a7: {  	_ = 	snop  }
0x2a8: {  	[tilespmem:s11], [sflag:$0x1] =	stream.indirect.gather [spmem:s6], $0x1, s10, s30, $0xb8;
	[tilespmem:$0xA300] =	vst v63  }
0x2a9: {  	_ = 	snop  }
0x2aa: {  	[tilespmem:s12], [sflag:$0x1] =	stream.indirect.gather [spmem:s6], $0x1, s7, s30, $0xb8;
	[tilespmem:$0xA300] =	vst v63  }
0x2ab: {  	_ = 	snop  }
0x2ac: {  	[tilespmem:s13], [sflag:$0x1] =	stream.indirect.gather [spmem:s6], $0x1, s8, s30, $0xb8;
	[tilespmem:$0xA300] =	vst v63  }
0x2ad: {  	_ =	swait.ge [sflag:s17], $0x80  }
0x2ae: {  	[sflag:s17] =	ssyncset.done $0x0  }
0x2af: {  	[sflag:s17] =	ssyncadd.s32 $0xFFFFFF80  }
0x2b0: {  	_ =	swait.ge [sflag:s17], $0x80  }
0x2b1: {  	[sflag:s17] =	ssyncset.done $0x0  }
0x2b2: {  	[sflag:s17] =	ssyncadd.s32 $0xFFFFFF80  }
0x2b3: {  	_ =	swait.ge [sflag:s17], $0x80  }
0x2b4: {  	[sflag:s17] =	ssyncset.done $0x0  }
0x2b5: {  	[sflag:s17] =	ssyncadd.s32 $0xFFFFFF80  }
0x2b6: {  	_ =	swait.ge [sflag:s17], $0x80  }
0x2b7: {  	[sflag:s17] =	ssyncset.done $0x0  }
0x2b8: {  	[sflag:s17] =	ssyncadd.s32 $0xFFFFFF80  }
0x2b9: {  	_ =	swait.ge [sflag:s17], $0x80  }
0x2ba: {  	[sflag:s17] =	ssyncset.done $0x0  }
0x2bb: {  	s23 =	rddreg [dreg:$0x9];
	[sflag:s17] =	ssyncadd.s32 $0xFFFFFF80  }
0x2bc: {  	[hbm4b:s23+s2] =	stream.linear.scatter [tilespmem:s1], [sflag:$0x3], $0x280, $0x38;
	[tilespmem:$0xA300] =	vst v63  }
0x2bd: {  	_ =	swait.ge [sflag:s29], $0x280  }
0x2be: {  	[sflag:s29] =	ssyncset.done $0x0  }
0x2bf: {  	[sflag:s29] =	ssyncadd.s32 $0xFFFFFD80  }
0x2c0: {  	[tilespmem:s1], [sflag:$0x1] =	stream.indirect.gather [spmem:s26], $0x1, s2, s30, $0xb8;
	[tilespmem:$0xA300] =	vst v63  }
0x2c1: {  	_ = 	snop  }
0x2c2: {  	[tilespmem:s16], [sflag:$0x1] =	stream.indirect.gather [spmem:s26], $0x1, s30, s30, $0xb8;
	[tilespmem:$0xA300] =	vst v63  }
0x2c3: {  	_ = 	snop  }
0x2c4: {  	[tilespmem:s11], [sflag:$0x1] =	stream.indirect.gather [spmem:s26], $0x1, s10, s30, $0xb8;
	[tilespmem:$0xA300] =	vst v63  }
0x2c5: {  	_ = 	snop  }
0x2c6: {  	[tilespmem:s12], [sflag:$0x1] =	stream.indirect.gather [spmem:s26], $0x1, s7, s30, $0xb8;
	[tilespmem:$0xA300] =	vst v63  }
0x2c7: {  	_ = 	snop  }
0x2c8: {  	[tilespmem:s13], [sflag:$0x1] =	stream.indirect.gather [spmem:s26], $0x1, s8, s30, $0xb8;
	[tilespmem:$0xA300] =	vst v63  }
0x2c9: {  	_ =	swait.ge [sflag:s17], $0x80  }
0x2ca: {  	[sflag:s17] =	ssyncset.done $0x0  }
0x2cb: {  	[sflag:s17] =	ssyncadd.s32 $0xFFFFFF80  }
0x2cc: {  	_ =	swait.ge [sflag:s17], $0x80  }
0x2cd: {  	[sflag:s17] =	ssyncset.done $0x0  }
0x2ce: {  	[sflag:s17] =	ssyncadd.s32 $0xFFFFFF80  }
0x2cf: {  	_ =	swait.ge [sflag:s17], $0x80  }
0x2d0: {  	[sflag:s17] =	ssyncset.done $0x0  }
0x2d1: {  	[sflag:s17] =	ssyncadd.s32 $0xFFFFFF80  }
0x2d2: {  	_ =	swait.ge [sflag:s17], $0x80  }
0x2d3: {  	[sflag:s17] =	ssyncset.done $0x0  }
0x2d4: {  	[sflag:s17] =	ssyncadd.s32 $0xFFFFFF80  }
0x2d5: {  	_ =	swait.ge [sflag:s17], $0x80  }
0x2d6: {  	[sflag:s17] =	ssyncset.done $0x0  }
0x2d7: {  	s24 =	rddreg [dreg:$0x13];
	[sflag:s17] =	ssyncadd.s32 $0xFFFFFF80  }
0x2d8: {  	[hbm4b:s24+s2] =	stream.linear.scatter [tilespmem:s1], [sflag:$0x3], $0x280, $0x38;
	[tilespmem:$0xA300] =	vst v63  }
0x2d9: {  	_ =	swait.ge [sflag:s29], $0x280  }
0x2da: {  	[sflag:s29] =	ssyncset.done $0x0  }
0x2db: {  	[sflag:s29] =	ssyncadd.s32 $0xFFFFFD80  }
0x2dc: {  	[tilespmem:s1], [sflag:$0x1] =	stream.indirect.gather [spmem:s28], $0x1, s2, s30, $0xb8;
	[tilespmem:$0xA300] =	vst v63  }
0x2dd: {  	_ = 	snop  }
0x2de: {  	[tilespmem:s16], [sflag:$0x1] =	stream.indirect.gather [spmem:s28], $0x1, s30, s30, $0xb8;
	[tilespmem:$0xA300] =	vst v63  }
0x2df: {  	_ = 	snop  }
0x2e0: {  	[tilespmem:s11], [sflag:$0x1] =	stream.indirect.gather [spmem:s28], $0x1, s10, s30, $0xb8;
	[tilespmem:$0xA300] =	vst v63  }
0x2e1: {  	_ = 	snop  }
0x2e2: {  	[tilespmem:s12], [sflag:$0x1] =	stream.indirect.gather [spmem:s28], $0x1, s7, s30, $0xb8;
	[tilespmem:$0xA300] =	vst v63  }
0x2e3: {  	_ = 	snop  }
0x2e4: {  	[tilespmem:s13], [sflag:$0x1] =	stream.indirect.gather [spmem:s28], $0x1, s8, s30, $0xb8;
	[tilespmem:$0xA300] =	vst v63  }
0x2e5: {  	_ =	swait.ge [sflag:s17], $0x80  }
0x2e6: {  	[sflag:s17] =	ssyncset.done $0x0  }
0x2e7: {  	[sflag:s17] =	ssyncadd.s32 $0xFFFFFF80  }
0x2e8: {  	_ =	swait.ge [sflag:s17], $0x80  }
0x2e9: {  	[sflag:s17] =	ssyncset.done $0x0  }
0x2ea: {  	[sflag:s17] =	ssyncadd.s32 $0xFFFFFF80  }
0x2eb: {  	_ =	swait.ge [sflag:s17], $0x80  }
0x2ec: {  	[sflag:s17] =	ssyncset.done $0x0  }
0x2ed: {  	[sflag:s17] =	ssyncadd.s32 $0xFFFFFF80  }
0x2ee: {  	_ =	swait.ge [sflag:s17], $0x80  }
0x2ef: {  	[sflag:s17] =	ssyncset.done $0x0  }
0x2f0: {  	[sflag:s17] =	ssyncadd.s32 $0xFFFFFF80  }
0x2f1: {  	_ =	swait.ge [sflag:s17], $0x80  }
0x2f2: {  	s31 =	simm.s32 $0x2;
	[sflag:s17] =	ssyncset.done $0x0  }
.Ltmp7:
0x2f3: {  	s25 =	rddreg [dreg:$0x14];
	[sflag:s17] =	ssyncadd.s32 $0xFFFFFF80;
	(pc) =	sbr.rel .LBB2_8-.Ltmp7, $4  }
0x2f4: {  	[hbm4b:s25+s2] =	stream.linear.scatter [tilespmem:s1], [sflag:$0x2], $0x280, $0x38;
	[tilespmem:$0xA300] =	vst v63  }
0x2f5: {  	_ =	swait.ge [sflag:s31], $0x280  }
0x2f6: {  	[sflag:s31] =	ssyncset.done $0x0  }
0x2f7: {  	[sflag:s31] =	ssyncadd.s32 $0xFFFFFD80  }
.LBB2_10:
0x2f8: {  	_ =	sfence.sel $0x180000  }
0x2f9: {  	[bflag:$0x0] =	sbarrier.arrive $0xFFFF  }
0x2fa: {  	_ =	strace $0x9000004A  }
0x2fb: {  	[bflag:$0x2] =	sbarrier.arrive $0xFFFF  }
0x2fc: {  	p0 =	sne.s32 s3, $0x0;
	s0 =	rddreg [dreg:$0x4]  }
0x2fd: {  	s0 =	sadd.s32 @!p0 $0x100000, s0  }
0x2fe: {  	[sflag:s0] =	ssyncadd.tile.s32 @!p0 $0x1;
	_ =	shalt  }
.Lfunc_end2:
_tile_overlayer_lowered:
.L_overlay_start_2:
0x2ff: {  	(tag) =	ssettag $0x2  }
0x300: {  	s0 =	rddreg [dreg:$0x0];
	s2 =	stileid.u32  }
0x301: {  	s1 =	rddreg [dreg:$0x1];
	p0 =	sne.s32 s2, $0x0  }
0x302: {  	s3 =	rddreg [dreg:$0x2];
	[bflag:$0x3] =	sbarrier.arrive $0xFFFF;
	s2 =	simm.s32 @!p0 $0x1C02  }
0x303: {  	[timem:s3], [sflag:s2] =	dma.local @!p0 [hbm:s0], s1  }
0x304: {  	s0 =	simm.s32 @!p0 $0x2  }
0x305: {  	_ =	swait.ge @!p0 [sflag:s0], s1  }
0x306: {  	s1 =	ssub.s32 @!p0 $0x0, s1;
	[sflag:s0] =	ssyncset.done @!p0 $0x0  }
0x307: {  	[sflag:s0] =	ssyncadd.s32 @!p0 s1  }
0x308: {  	[bflag:$0x3] =	sbarrier.arrive $0xFFFF  }
0x309: {  	_ =	shalt  }

// kernel: kernel.7.cloned.1.call-start
scs
__scs_entry_jumppad:
0x0: {  	(pc) =	sbr.rel $0x88, $3  }
0x1: {  	(tag) =	ssettag $0x0;
	lr =	simm.s32 $0x1  }
0x2: {  	[smem:$0x3F94] =	sst lr;
	_ =	strace $0xD0000000  }
0x3: {  	_ = 	snop  }
0x4: {  	_ = 	snop  }
0x5: {  	_ = 	snop  }
0x6: {  	_ = 	snop  }
0x7: {  	_ = 	snop  }
__scs_overlays_trampoline_lowered:
0x8: {  	[smem:$0x3FA3] =	sst s0  }
0x9: {  	[smem:$0x3FA4] =	sst s1  }
0xa: {  	[smem:$0x3FA5] =	sst s2  }
0xb: {  	[smem:$0x3FA6] =	sst s3  }
0xc: {  	[smem:$0x3FA7] =	sst s4  }
0xd: {  	[smem:$0x3FA8] =	sst s5  }
0xe: {  	[smem:$0x3FA9] =	sst s6  }
0xf: {  	[smem:$0x3FAA] =	sst s7  }
0x10: {  	[smem:$0x3FAB] =	sst s8  }
0x11: {  	[smem:$0x3FAC] =	sst s9;
	s0 =	simm.s32 @!p0 $0x0  }
0x12: {  	s1 =	sld [smem:$0x3F92];
	s0 =	simm.s32 @p0 $0x1  }
0x13: {  	[smem:$0x3FAD] =	sst s0;
	s0 =	simm.s32 @!p1 $0x0  }
0x14: {  	s2 =	sld [smem:$0x3F91];
	s0 =	simm.s32 @p1 $0x1  }
0x15: {  	[smem:$0x3FAE] =	sst s0;
	s0 =	simm.s32 @!p2 $0x0  }
0x16: {  	s3 =	sld [smem:$0x3FDB];
	s0 =	simm.s32 @p2 $0x1  }
0x17: {  	s4 =	simm.s32 $0x1BF5;
	[smem:$0x3FB0] =	sst s0  }
0x18: {  	s0 =	sld [smem:$0x3F93];
	_ =	swait.ge [sflag:s4], $0x0  }
0x19: {  	s7 =	sld [smem:$0x3F94]  }
0x1a: {  	s8 =	sadd.s32 $0xFFFFE003, lr  }
0x1b: {  	s9 =	sadd.s32 $0xFFFFFEF7, lr;
	s5 =	simm.s32 $0xFFFFFFFF;
	p2 =	slt.u32 s8, $0xFFFFF086  }
0x1c: {  	p1 =	slt.u32 s9, $0xF7A;
	s5 =	simm.s32 @!p2 $0x0  }
0x1d: {  	s5 =	simm.s32 @p1 $0x1;
	p0 =	seq.s32 s7, s2  }
0x1e: {  	s7 =	smul.u32 @!p0 $0xF7A, s2;
	p2 =	seq.s32 @!p0 s5, $0x0  }
0x1f: {  	s9 =	smul.u32 $0xF7A, s1;
	s8 =	simm.s32 @!p0 $0x1BF5;
	p2 =	por !p2, p0  }
0x20: {  	[sflag:s8] =	ssyncset.s32 @!p0 $0xFFFFF086;
	s6 =	sadd.s32 @!p0 s3, s7;
	s7 =	simm.s32 @!p0 $0x108  }
0x21: {  	s3 =	sadd.s32 s3, s9;
	s6 =	sadd.s32 @!p0 $0x88, s6;
	s7 =	simm.s32 @p2 $0x1082  }
0x22: {  	[simem:s7], [sflag:s8] =	dma.local @!p0 [hbm:s6], $0xF7A  }
0x23: {  	s9 =	sor.u32 $0xD0000000, s2;
	s6 =	simm.s32 $0x108;
	_ =	swait.ge @!p0 [sflag:s8], $0x0  }
0x24: {  	s3 =	sadd.s32 $0x88, s3;
	s6 =	simm.s32 @!p1 $0x1082;
	[sflag:s4] =	ssyncset.s32 $0xFFFFF086  }
0x25: {  	[simem:s6], [sflag:s4] =	dma.local [hbm:s3], $0xF7A  }
0x26: {  	[smem:$0x3F94] =	sst s1;
	(tag) =	ssettag s2;
	_ =	strace s9  }
0x27: {  	s1 =	sld [smem:$0x3FA4]  }
0x28: {  	s2 =	sld [smem:$0x3FA5]  }
0x29: {  	s4 =	sld [smem:$0x3FA7]  }
0x2a: {  	p0 =	seq.s32 s5, $0x0;
	s5 =	sld [smem:$0x3FA8]  }
0x2b: {  	s6 =	sld [smem:$0x3FA9]  }
0x2c: {  	s7 =	sld [smem:$0x3FAA]  }
0x2d: {  	s3 =	simm.s32 $0x108;
	s8 =	sld [smem:$0x3FAB]  }
0x2e: {  	s3 =	simm.s32 @!p0 $0x1082;
	s9 =	sld [smem:$0x3FAC]  }
0x2f: {  	lr =	sadd.s32 s0, s3;
	s0 =	sld [smem:$0x3FA3]  }
0x30: {  	s3 =	sld [smem:$0x3FA6]  }
0x31: {  	[smem:$0x3FAF] =	sst s10  }
0x32: {  	s10 =	sld [smem:$0x3FAD];
	_ =	sdelay $0x3  }
0x33: {  	p0 =	seq.s32 s10, $0x1;
	s10 =	sld [smem:$0x3FAF];
	_ =	sdelay $0x3  }
0x34: {  	[smem:$0x3FAF] =	sst s10  }
0x35: {  	s10 =	sld [smem:$0x3FAE];
	_ =	sdelay $0x3  }
0x36: {  	p1 =	seq.s32 s10, $0x1;
	s10 =	sld [smem:$0x3FAF];
	_ =	sdelay $0x3  }
0x37: {  	[smem:$0x3FAF] =	sst s10  }
0x38: {  	s10 =	sld [smem:$0x3FB0]  }
0x39: {  	_ = 	snop;
	(pc) =	sbr.ind lr, $3  }
0x3a: {  	_ = 	snop  }
0x3b: {  	_ = 	snop  }
0x3c: {  	p2 =	seq.s32 s10, $0x1;
	s10 =	sld [smem:$0x3FAF]  }
0x3d: {  	_ =	shalt  }
0x3e: {  	_ =	shalt  }
0x3f: {  	_ =	shalt  }
0x40: {  	_ =	shalt  }
0x41: {  	_ =	shalt  }
0x42: {  	_ =	shalt  }
0x43: {  	_ =	shalt  }
0x44: {  	_ =	shalt  }
0x45: {  	_ =	shalt  }
0x46: {  	_ =	shalt  }
0x47: {  	_ =	shalt  }
0x48: {  	_ =	shalt  }
0x49: {  	_ =	shalt  }
0x4a: {  	_ =	shalt  }
0x4b: {  	_ =	shalt  }
0x4c: {  	_ =	shalt  }
0x4d: {  	_ =	shalt  }
0x4e: {  	_ =	shalt  }
0x4f: {  	_ =	shalt  }
0x50: {  	_ =	shalt  }
0x51: {  	_ =	shalt  }
0x52: {  	_ =	shalt  }
0x53: {  	_ =	shalt  }
0x54: {  	_ =	shalt  }
0x55: {  	_ =	shalt  }
0x56: {  	_ =	shalt  }
0x57: {  	_ =	shalt  }
0x58: {  	_ =	shalt  }
0x59: {  	_ =	shalt  }
0x5a: {  	_ =	shalt  }
0x5b: {  	_ =	shalt  }
0x5c: {  	_ =	shalt  }
0x5d: {  	_ =	shalt  }
0x5e: {  	_ =	shalt  }
0x5f: {  	_ =	shalt  }
0x60: {  	_ =	shalt  }
0x61: {  	_ =	shalt  }
0x62: {  	_ =	shalt  }
0x63: {  	_ =	shalt  }
0x64: {  	_ =	shalt  }
0x65: {  	_ =	shalt  }
0x66: {  	_ =	shalt  }
0x67: {  	_ =	shalt  }
0x68: {  	_ =	shalt  }
0x69: {  	_ =	shalt  }
0x6a: {  	_ =	shalt  }
0x6b: {  	_ =	shalt  }
0x6c: {  	_ =	shalt  }
0x6d: {  	_ =	shalt  }
0x6e: {  	_ =	shalt  }
0x6f: {  	_ =	shalt  }
0x70: {  	_ =	shalt  }
0x71: {  	_ =	shalt  }
0x72: {  	_ =	shalt  }
0x73: {  	_ =	shalt  }
0x74: {  	_ =	shalt  }
0x75: {  	_ =	shalt  }
0x76: {  	_ =	shalt  }
0x77: {  	_ =	shalt  }
0x78: {  	_ =	shalt  }
0x79: {  	_ =	shalt  }
0x7a: {  	_ =	shalt  }
0x7b: {  	_ =	shalt  }
0x7c: {  	_ =	shalt  }
0x7d: {  	_ =	shalt  }
0x7e: {  	_ =	shalt  }
0x7f: {  	_ =	shalt  }
0x80: {  	_ =	shalt  }
0x81: {  	_ =	shalt  }
0x82: {  	_ =	shalt  }
0x83: {  	_ =	shalt  }
0x84: {  	_ =	shalt  }
0x85: {  	_ =	shalt  }
0x86: {  	_ =	shalt  }
0x87: {  	_ =	shalt  }
.Lfunc_end0:
.L_simem_size_0:
called_computation_lowered:
.L_overlay_start_0:
0x88: {  	s2 =	sld [smem:$0x3FD9]  }
0x89: {  	s3 =	sld [smem:$0x3FFE];
	_ =	sdelay $0x1  }
0x8a: {  	s1 =	srdreg.scid  }
0x8b: {  	s0 =	sand.u32 $0x1, s1  }
0x8c: {  	s18 =	sshll.u32 s0, $0xA;
	s2 =	sadd.s32 s3, s2  }
0x8d: {  	s2 =	sadd.s32 s2, s18  }
0x8e: {  	[smem:$0x3FBB] =	sst s2  }
0x8f: {  	_ = 	snop  }
0x90: {  	s2 =	sld [smem:$0x3FC8]  }
0x91: {  	s19 =	sld [smem:$0x3FD0];
	(tm) =	ssettm $0x1  }
0x92: {  	s4 =	sld [smem:$0x3FFB];
	_ =	sdelay $0x3  }
0x93: {  	_ =	strace s4  }
0x94: {  	s4 =	sld [smem:$0x3FFC];
	_ =	sdelay $0x3  }
0x95: {  	_ =	strace s4  }
0x96: {  	s4 =	sld [smem:$0x3FFD];
	_ =	sdelay $0x3  }
0x97: {  	_ =	strace s4  }
0x98: {  	_ =	strace $0x8FFFFFFF  }
0x99: {  	s20 =	sld [smem:$0x3FDB];
	_ =	sdelay $0x1  }
0x9a: {  	s5 =	simm.s32 $_scs_section_size  }
0x9b: {  	s6 =	simm.s32 $_size__tile_overlayer_lowered;
	s7 =	simm.s32 $_tile_overlayer_lowered  }
0x9c: {  	s23 =	simm.s32 $0x1BFF;
	s22 =	sshll.u32 s7, $0x1;
	s4 =	sadd.s32 s5, s20  }
0x9d: {  	s8 =	simm.s32 $0x0;
	s21 =	sshll.u32 s6, $0x1;
	s6 =	sadd.s32 s22, s4  }
0x9e: {  	[timem:s8], [sflag:s23] =	dma.local [hbm:s6], s21  }
0x9f: {  	_ =	swait.ge [sflag:s23], s21  }
0xa0: {  	s5 =	ssub.s32 $0x0, s21;
	[sflag:s23] =	ssyncset.done $0x0  }
0xa1: {  	[sflag:s23] =	ssyncadd.s32 s5;
	_ =	sdelay $0x1  }
0xa2: {  	s24 =	simm.s32 $0x1B8B  }
0xa3: {  	_ =	swait.ge [sflag:s24], $0x1  }
0xa4: {  	[sflag:s24] =	ssyncset.done $0x0  }
0xa5: {  	s25 =	simm.s32 $0x1B8E;
	[sflag:s24] =	ssyncadd.s32 $0xFFFFFFFF  }
0xa6: {  	s26 =	simm.s32 $execute0_lowered;
	[smem:$0x3FD2] =	sst s25  }
0xa7: {  	s5 =	sshll.u32 s26, $0x1;
	_ =	strace $0x80000046;
	[dreg:$0x1] =	wrdreg $0xFFFFFFFF  }
0xa8: {  	s28 =	simm.s32 $_size_execute0_lowered;
	s4 =	sadd.s32 s4, s5;
	[dreg:$0x0] =	wrdreg $0x0  }
0xa9: {  	s5 =	sshll.u32 s28, $0x1;
	[dreg:$0x2] =	wrdreg s4  }
0xaa: {  	[dreg:$0x3] =	wrdreg s5  }
0xab: {  	[dreg:$0x4] =	wrdreg $0xC0  }
0xac: {  	_ =	task [dreg:s8], $0x5FFFF  }
0xad: {  	[dreg:$0x1] =	wrdreg $0xFFFFFFFF  }
0xae: {  	[dreg:$0x0] =	wrdreg $0x60  }
0xaf: {  	[dreg:$0x2] =	wrdreg s2  }
0xb0: {  	[dreg:$0x3] =	wrdreg s19  }
0xb1: {  	[dreg:$0x4] =	wrdreg $0x0  }
0xb2: {  	[dreg:$0x5] =	wrdreg $0x9  }
0xb3: {  	_ =	task.clear_ibuf [dreg:s8], $0x6FFFF;
	_ =	strace $0x90000046  }
0xb4: {  	s29 =	simm.s32 $0x9;
	_ =	strace $0x80000048  }
0xb5: {  	_ =	swait.ge [sflag:s29], $0x1  }
0xb6: {  	[sflag:s29] =	ssyncadd.s32 $0xFFFFFFFF  }
0xb7: {  	_ =	strace $0x90000048  }
0xb8: {  	_ =	sfence  }
0xb9: {  	s30 =	sld [smem:$0x0];
	_ =	sdelay $0x2  }
0xba: {  	s31 =	sshll.u32 s1, $0xD;
	s1 =	sshrl.u32 s1, $0x2  }
0xbb: {  	s3 =	sand.u32 $0x4000, s31;
	s1 =	sadd.s32 s1, s30  }
0xbc: {  	s0 =	sor.u32 s3, s0;
	s1 =	sshll.u32 s1, $0x11  }
0xbd: {  	s0 =	sor.u32 s1, s0  }
0xbe: {  	s0 =	sadd.s32 $0x8F2B, s0  }
0xbf: {  	[sflag:s0] =	ssyncadd.remote.s32 $0x1  }
0xc0: {  	_ =	sfence.sel $0xFFFF  }
0xc1: {  	[dreg:$0x0] =	wrdreg $0xFFFFFFFF;
	(pc) =	sbr.abs _section_cstart, $3  }
0xc2: {  	[dreg:$0x1] =	wrdreg $0xFFFFFFFF  }
0xc3: {  	_ =	task.clear_ibuf [dreg:s8], $0x2FFFF;
	_ =	strace $0x9FFFFFFF  }
0xc4: {  	(tm) =	ssettm $0x7FFFFFFF  }
0xc5: {  	_ =	shalt  }
tec
execute0_lowered:
.L_overlay_start_1:
0x0: {  	(tag) =	ssettag $0x1  }
0x1: {  	s0 =	rddreg [dreg:$0x0]  }
0x2: {  	s3 =	rddreg [dreg:$0x1]  }
0x3: {  	s1 =	rddreg [dreg:$0x2]  }
0x4: {  	s4 =	srdreg.scid;
	s2 =	simm.s32 $0x0;
	s16 =	stileid.u32  }
0x5: {  	s28 =	simm.s32 $0x1A70;
	s29 =	simm.s32 $0x1AF0;
	s9 =	smul.u32 $0x1F40, s16  }
0x6: {  	s30 =	simm.s32 $0x1B70;
	s5 =	sand.u32 $0x1, s4;
	s25 =	smul.u32 $0x7D0, s16  }
0x7: {  	s31 =	simm.s32 $0x1BF0;
	s10 =	sor.u32 $0x10, s16;
	s7 =	smul.u32 $0x186A0, s5  }
0x8: {  	[smem:$0x7FF] =	sst s2;
	s12 =	sor.u32 $0x20, s16;
	s11 =	smul.u32 $0x1F40, s10  }
0x9: {  	s8 =	sshll.u32 s16, $0x1;
	s14 =	sor.u32 $0x30, s16;
	s13 =	smul.u32 $0x1F40, s12  }
0xa: {  	s4 =	ssub.s32 $0x2, s5;
	_ =	strace $0x80000047;
	s22 =	smul.u32 $0x1F40, s14  }
0xb: {  	s17 =	smul.u32 $0x7D0, s12;
	p0 =	sgt.u32 s14, $0x31;
	s6 =	sshrl.u32 s4, $0x1  }
0xc: {  	s9 =	sshrl.u32 s9, $0x2;
	s15 =	sadd.s32 s25, s1;
	s6 =	ssub.s32 s4, s6  }
0xd: {  	s4 =	sadd.s32 $0xC300, s0;
	s21 =	sadd.s32 s9, s1;
	s23 =	sshrl.u32 s11, $0x2  }
0xe: {  	s24 =	sshrl.u32 s13, $0x2;
	s11 =	smul.u32 $0x7D0, s10;
	[dreg:$0x9] =	wrdreg s15  }
0xf: {  	s20 =	sadd.s32 s7, s17;
	s6 =	smax.u32 s6, $0x1;
	[dreg:$0x5] =	wrdreg s21  }
0x10: {  	s9 =	sadd.s32 s23, s1;
	s26 =	sadd.s32 s24, s1;
	[dreg:$0x4] =	wrdreg s6  }
0x11: {  	s21 =	smul.u32 $0x7D0, s14;
	s23 =	sshrl.u32 s20, $0x3;
	[dreg:$0x6] =	wrdreg s9  }
0x12: {  	s20 =	simm.s32 $0x2070;
	[dreg:$0x7] =	wrdreg s26;
	s6 =	sshrl.u32 s22, $0x2  }
0x13: {  	s9 =	sadd.s32 s7, s25;
	s18 =	sadd.s32 s11, s1;
	s19 =	sadd.s32 s7, s11  }
0x14: {  	s22 =	sadd.s32 s17, s1;
	s15 =	sadd.s32 s3, s23;
	s25 =	sshll.u32 s16, $0x9  }
0x15: {  	s26 =	sshll.u32 s5, $0x8;
	s23 =	simm.s32 $0x80;
	[dreg:$0xb] =	wrdreg s18  }
0x16: {  	s6 =	sadd.s32 s6, s1;
	[dreg:$0xd] =	wrdreg s22;
	s24 =	sadd.s32 s7, s21  }
0x17: {  	s0 =	sadd.s32 s25, s0;
	s16 =	sadd.s32 s21, s1;
	s21 =	simm.s32 $0x1  }
0x18: {  	s22 =	simm.s32 $0x1870;
	s25 =	simm.s32 $0x1970;
	s7 =	simm.s32 $0x0  }
0x19: {  	[dreg:$0x8] =	wrdreg s6;
	s6 =	sshrl.u32 s9, $0x3;
	s9 =	sadd.s32 s26, s0  }
.Ltmp0:
0x1a: {  	s26 =	simm.s32 $0x19F0;
	s6 =	sadd.s32 s3, s6;
	(pc) =	sbr.rel .LBB2_1-.Ltmp0, $4  }
0x1b: {  	s0 =	simm.s32 $0x1C70;
	[dreg:$0xa] =	wrdreg s6;
	s6 =	sshrl.u32 s19, $0x3  }
0x1c: {  	s19 =	sor.u32 s5, s8;
	s5 =	simm.s32 $0x1D70;
	s6 =	sadd.s32 s3, s6  }
0x1d: {  	[dreg:$0xc] =	wrdreg s6;
	s6 =	sshrl.u32 s24, $0x3;
	s24 =	simm.s32 $0x18F0  }
0x1e: {  	v0 =	vimm.f32 $0.0e+00;
	v1 =	vimm.f32 $1.000000000e+00;
	s17 =	sadd.s32 s3, s6;
	s3 =	simm.s32 $0x1CF0;
	s6 =	simm.s32 $0x2  }
.LBB2_10:
0x1f: {  	[bflag:$0x0] =	sbarrier.arrive $0xFFFF  }
0x20: {  	s8 =	rddreg [dreg:$0x9]  }
0x21: {  	[tilespmem:s20], [sflag:$0x2] =	stream.linear.gather [spmem:s8], $0x7D0, $0x38;
	[tilespmem:$0x2870] =	vst v63  }
0x22: {  	_ =	swait.ge [sflag:s6], $0x7D0  }
0x23: {  	[sflag:s6] =	ssyncset.done $0x0  }
0x24: {  	s11 =	rddreg [dreg:$0xa];
	[sflag:s6] =	ssyncadd.s32 $0xFFFFF830  }
0x25: {  	[hbm4b:s11+s2] =	stream.linear.scatter [tilespmem:s20], [sflag:$0x1], $0x7D0, $0x38;
	[tilespmem:$0x2870] =	vst v63  }
0x26: {  	_ =	swait.ge [sflag:s21], $0x7D0  }
0x27: {  	[sflag:s21] =	ssyncset.done $0x0  }
0x28: {  	s12 =	rddreg [dreg:$0xb];
	[sflag:s21] =	ssyncadd.s32 $0xFFFFF830  }
0x29: {  	[tilespmem:s20], [sflag:$0x2] =	stream.linear.gather [spmem:s12], $0x7D0, $0x38;
	[tilespmem:$0x2870] =	vst v63  }
0x2a: {  	_ =	swait.ge [sflag:s6], $0x7D0  }
0x2b: {  	[sflag:s6] =	ssyncset.done $0x0  }
0x2c: {  	s13 =	rddreg [dreg:$0xc];
	[sflag:s6] =	ssyncadd.s32 $0xFFFFF830  }
0x2d: {  	[hbm4b:s13+s2] =	stream.linear.scatter [tilespmem:s20], [sflag:$0x1], $0x7D0, $0x38;
	[tilespmem:$0x2870] =	vst v63  }
0x2e: {  	_ =	swait.ge [sflag:s21], $0x7D0  }
0x2f: {  	[sflag:s21] =	ssyncset.done $0x0  }
0x30: {  	s14 =	rddreg [dreg:$0xd];
	[sflag:s21] =	ssyncadd.s32 $0xFFFFF830  }
0x31: {  	[tilespmem:s20], [sflag:$0x2] =	stream.linear.gather [spmem:s14], $0x7D0, $0x38;
	[tilespmem:$0x2870] =	vst v63  }
0x32: {  	_ =	swait.ge [sflag:s6], $0x7D0  }
0x33: {  	[sflag:s6] =	ssyncset.done $0x0  }
0x34: {  	[sflag:s6] =	ssyncadd.s32 $0xFFFFF830  }
0x35: {  	[hbm4b:s15+s2] =	stream.linear.scatter [tilespmem:s20], [sflag:$0x1], $0x7D0, $0x38;
	[tilespmem:$0x2870] =	vst v63  }
0x36: {  	_ =	swait.ge [sflag:s21], $0x7D0  }
0x37: {  	[sflag:s21] =	ssyncset.done $0x0  }
0x38: {  	s10 =	simm.s32 @!p0 $0x2;
	s8 =	simm.s32 @!p0 $0x2070;
	[sflag:s21] =	ssyncadd.s32 $0xFFFFF830  }
0x39: {  	[tilespmem:s8], [sflag:$0x2] =	stream.linear.gather @!p0 [spmem:s16], $0x7D0, $0x38;
	[tilespmem:$0x2870] =	vst v63  }
0x3a: {  	_ =	swait.ge @!p0 [sflag:s10], $0x7D0  }
0x3b: {  	[sflag:s10] =	ssyncset.done @!p0 $0x0  }
0x3c: {  	[sflag:s10] =	ssyncadd.s32 @!p0 $0xFFFFF830;
	s10 =	simm.s32 @!p0 $0x0  }
0x3d: {  	[hbm4b:s17+s10] =	stream.linear.scatter @!p0 [tilespmem:s8], [sflag:$0x1], $0x7D0, $0x38;
	[tilespmem:$0x2870] =	vst v63  }
0x3e: {  	s8 =	simm.s32 @!p0 $0x1  }
0x3f: {  	_ =	swait.ge @!p0 [sflag:s8], $0x7D0  }
0x40: {  	s7 =	sadd.s32 $0x1, s7;
	s18 =	rddreg [dreg:$0x4]  }
0x41: {  	p1 =	sne.s32 s7, s18  }
.Ltmp1:
0x42: {  	_ = 	snop;
	(pc) =	sbr.rel @!p1 .LBB2_11-.Ltmp1, $3  }
0x43: {  	_ =	sdelay $0x1  }
0x44: {  	[sflag:s8] =	ssyncset.done @!p0 $0x0  }
0x45: {  	[sflag:s8] =	ssyncadd.s32 @!p0 $0xFFFFF830  }
.LBB2_1:
0x46: {  	s8 =	simm.s32 $0x40;
	s10 =	simm.s32 $0x0  }
.LBB2_2:
0x47: {  	p1 =	sne.s32 s8, $0x1F00;
	[tilespmem:s10+$0x2070] =	vst v0;
	s10 =	smov.u32 s8;
	s8 =	sadd.s32 $0x40, s8  }
.Ltmp2:
0x48: {  	(pc) =	sbr.rel @p1 .LBB2_2-.Ltmp2, $2  }
0x49: {  	_ =	sdelay $0x2  }
0x4a: {  	s10 =	sshra.s32 s10, $0x2  }
0x4b: {  	[tilespmem:s10+$0x2070] =	vst v0;
	s8 =	rddreg [dreg:$0x5]  }
0x4c: {  	[spmem:s8] =	stream.linear.scatter [tilespmem:s20], [sflag:$0x1], $0x7D0, $0x38;
	[tilespmem:$0x2870] =	vst v63  }
0x4d: {  	_ =	swait.ge [sflag:s21], $0x7D0  }
0x4e: {  	[sflag:s21] =	ssyncset.done $0x0  }
0x4f: {  	s14 =	rddreg [dreg:$0x6];
	[sflag:s21] =	ssyncadd.s32 $0xFFFFF830  }
0x50: {  	[spmem:s14] =	stream.linear.scatter [tilespmem:s20], [sflag:$0x1], $0x7D0, $0x38;
	[tilespmem:$0x2870] =	vst v63  }
0x51: {  	_ =	swait.ge [sflag:s21], $0x7D0  }
0x52: {  	[sflag:s21] =	ssyncset.done $0x0  }
0x53: {  	s18 =	rddreg [dreg:$0x7];
	[sflag:s21] =	ssyncadd.s32 $0xFFFFF830  }
0x54: {  	[spmem:s18] =	stream.linear.scatter [tilespmem:s20], [sflag:$0x1], $0x7D0, $0x38;
	[tilespmem:$0x2870] =	vst v63  }
0x55: {  	_ =	swait.ge [sflag:s21], $0x7D0  }
0x56: {  	[sflag:s21] =	ssyncset.done $0x0  }
0x57: {  	s8 =	simm.s32 @!p0 $0x2070;
	s10 =	rddreg [dreg:$0x8];
	[sflag:s21] =	ssyncadd.s32 $0xFFFFF830  }
0x58: {  	[spmem:s10] =	stream.linear.scatter @!p0 [tilespmem:s8], [sflag:$0x1], $0x7D0, $0x38;
	[tilespmem:$0x2870] =	vst v63  }
0x59: {  	s8 =	simm.s32 @!p0 $0x1  }
0x5a: {  	_ =	swait.ge @!p0 [sflag:s8], $0x7D0  }
0x5b: {  	[sflag:s8] =	ssyncset.done @!p0 $0x0  }
0x5c: {  	[sflag:s8] =	ssyncadd.s32 @!p0 $0xFFFFF830  }
0x5d: {  	[bflag:$0x0] =	sbarrier.arrive $0xFFFF  }
0x5e: {  	[tilespmem:$0x2070] =	vst v1  }
0x5f: {  	[tilespmem:$0x2080] =	vst v1  }
0x60: {  	[tilespmem:$0x2090] =	vst v1  }
.Ltmp3:
0x61: {  	[tilespmem:$0x20A0] =	vst v1;
	(pc) =	sbr.rel .LBB2_4-.Ltmp3, $4  }
0x62: {  	[tilespmem:$0x20B0] =	vst v1  }
0x63: {  	[tilespmem:$0x20C0] =	vst v1  }
0x64: {  	[tilespmem:$0x20D0] =	vst v1  }
0x65: {  	s18 =	smov.u32 s9;
	s8 =	simm.s32 $0xFFFFFF20;
	[tilespmem:$0x20E0] =	vst v1  }
.LBB2_5:
0x66: {  	[tilespmem:s22], [sflag:$0x1] =	stream.linear.gather [hbm4b:s18+s2], $0x800, $0x38;
	[tilespmem:$0x2870] =	vst v63  }
0x67: {  	_ =	swait.ge [sflag:s21], $0x800  }
0x68: {  	[sflag:s21] =	ssyncset.done $0x0  }
0x69: {  	[sflag:s21] =	ssyncadd.s32 $0xFFFFF800  }
0x6a: {  	[spmem:s1] =	stream.indirect.scatter.add.f32 [tilespmem:s20], [sflag:$0x1], $0x1, s22, s23, $0xb8;
	[tilespmem:$0x2870] =	vst v63  }
0x6b: {  	_ =	swait.ge [sflag:s21], $0x80  }
0x6c: {  	[sflag:s21] =	ssyncset.done $0x0  }
0x6d: {  	[sflag:s21] =	ssyncadd.s32 $0xFFFFFF80  }
0x6e: {  	[spmem:s1] =	stream.indirect.scatter.add.f32 [tilespmem:s20], [sflag:$0x1], $0x1, s24, s23, $0xb8;
	[tilespmem:$0x2870] =	vst v63  }
0x6f: {  	_ =	swait.ge [sflag:s21], $0x80  }
0x70: {  	[sflag:s21] =	ssyncset.done $0x0  }
0x71: {  	[sflag:s21] =	ssyncadd.s32 $0xFFFFFF80  }
0x72: {  	[spmem:s1] =	stream.indirect.scatter.add.f32 [tilespmem:s20], [sflag:$0x1], $0x1, s25, s23, $0xb8;
	[tilespmem:$0x2870] =	vst v63  }
0x73: {  	_ =	swait.ge [sflag:s21], $0x80  }
0x74: {  	[sflag:s21] =	ssyncset.done $0x0  }
0x75: {  	[sflag:s21] =	ssyncadd.s32 $0xFFFFFF80  }
0x76: {  	[spmem:s1] =	stream.indirect.scatter.add.f32 [tilespmem:s20], [sflag:$0x1], $0x1, s26, s23, $0xb8;
	[tilespmem:$0x2870] =	vst v63  }
0x77: {  	_ =	swait.ge [sflag:s21], $0x80  }
0x78: {  	[sflag:s21] =	ssyncset.done $0x0  }
0x79: {  	[sflag:s21] =	ssyncadd.s32 $0xFFFFFF80  }
0x7a: {  	[spmem:s1] =	stream.indirect.scatter.add.f32 [tilespmem:s20], [sflag:$0x1], $0x1, s28, s23, $0xb8;
	[tilespmem:$0x2870] =	vst v63  }
0x7b: {  	_ =	swait.ge [sflag:s21], $0x80  }
0x7c: {  	[sflag:s21] =	ssyncset.done $0x0  }
0x7d: {  	[sflag:s21] =	ssyncadd.s32 $0xFFFFFF80  }
0x7e: {  	[spmem:s1] =	stream.indirect.scatter.add.f32 [tilespmem:s20], [sflag:$0x1], $0x1, s29, s23, $0xb8;
	[tilespmem:$0x2870] =	vst v63  }
0x7f: {  	_ =	swait.ge [sflag:s21], $0x80  }
0x80: {  	[sflag:s21] =	ssyncset.done $0x0  }
0x81: {  	[sflag:s21] =	ssyncadd.s32 $0xFFFFFF80  }
0x82: {  	[spmem:s1] =	stream.indirect.scatter.add.f32 [tilespmem:s20], [sflag:$0x1], $0x1, s30, s23, $0xb8;
	[tilespmem:$0x2870] =	vst v63  }
0x83: {  	_ =	swait.ge [sflag:s21], $0x80  }
0x84: {  	[sflag:s21] =	ssyncset.done $0x0  }
0x85: {  	[sflag:s21] =	ssyncadd.s32 $0xFFFFFF80  }
0x86: {  	[spmem:s1] =	stream.indirect.scatter.add.f32 [tilespmem:s20], [sflag:$0x1], $0x1, s31, s23, $0xb8;
	[tilespmem:$0x2870] =	vst v63  }
0x87: {  	_ =	swait.ge [sflag:s21], $0x80  }
0x88: {  	[sflag:s21] =	ssyncset.done $0x0  }
0x89: {  	[sflag:s21] =	ssyncadd.s32 $0xFFFFFF80  }
0x8a: {  	[spmem:s1] =	stream.indirect.scatter.add.f32 [tilespmem:s20], [sflag:$0x1], $0x1, s0, s23, $0xb8;
	[tilespmem:$0x2870] =	vst v63  }
0x8b: {  	_ =	swait.ge [sflag:s21], $0x80  }
0x8c: {  	[sflag:s21] =	ssyncset.done $0x0  }
0x8d: {  	[sflag:s21] =	ssyncadd.s32 $0xFFFFFF80  }
0x8e: {  	[spmem:s1] =	stream.indirect.scatter.add.f32 [tilespmem:s20], [sflag:$0x1], $0x1, s3, s23, $0xb8;
	[tilespmem:$0x2870] =	vst v63  }
0x8f: {  	_ =	swait.ge [sflag:s21], $0x80  }
0x90: {  	[sflag:s21] =	ssyncset.done $0x0  }
0x91: {  	[sflag:s21] =	ssyncadd.s32 $0xFFFFFF80  }
0x92: {  	[spmem:s1] =	stream.indirect.scatter.add.f32 [tilespmem:s20], [sflag:$0x1], $0x1, s5, s23, $0xb8;
	[tilespmem:$0x2870] =	vst v63  }
0x93: {  	s10 =	simm.s32 $0x1FF0;
	_ =	swait.ge [sflag:s21], $0x80  }
0x94: {  	s11 =	simm.s32 $0x1F70;
	s12 =	simm.s32 $0x1EF0;
	[sflag:s21] =	ssyncset.done $0x0  }
0x95: {  	s14 =	simm.s32 $0x1E70;
	s13 =	simm.s32 $0x1DF0;
	[sflag:s21] =	ssyncadd.s32 $0xFFFFFF80  }
.LBB2_8:
0x96: {  	[spmem:s1] =	stream.indirect.scatter.add.f32 [tilespmem:s20], [sflag:$0x1], $0x1, s13, s23, $0xb8;
	[tilespmem:$0x2870] =	vst v63  }
0x97: {  	_ =	swait.ge [sflag:s21], $0x80  }
0x98: {  	[sflag:s21] =	ssyncset.done $0x0  }
0x99: {  	[sflag:s21] =	ssyncadd.s32 $0xFFFFFF80  }
0x9a: {  	[spmem:s1] =	stream.indirect.scatter.add.f32 [tilespmem:s20], [sflag:$0x1], $0x1, s14, s23, $0xb8;
	[tilespmem:$0x2870] =	vst v63  }
0x9b: {  	_ =	swait.ge [sflag:s21], $0x80  }
0x9c: {  	[sflag:s21] =	ssyncset.done $0x0  }
0x9d: {  	[sflag:s21] =	ssyncadd.s32 $0xFFFFFF80  }
0x9e: {  	[spmem:s1] =	stream.indirect.scatter.add.f32 [tilespmem:s20], [sflag:$0x1], $0x1, s12, s23, $0xb8;
	[tilespmem:$0x2870] =	vst v63  }
0x9f: {  	_ =	swait.ge [sflag:s21], $0x80  }
0xa0: {  	[sflag:s21] =	ssyncset.done $0x0  }
0xa1: {  	[sflag:s21] =	ssyncadd.s32 $0xFFFFFF80  }
0xa2: {  	[spmem:s1] =	stream.indirect.scatter.add.f32 [tilespmem:s20], [sflag:$0x1], $0x1, s11, s23, $0xb8;
	[tilespmem:$0x2870] =	vst v63  }
0xa3: {  	_ =	swait.ge [sflag:s21], $0x80  }
0xa4: {  	[sflag:s21] =	ssyncset.done $0x0  }
0xa5: {  	[sflag:s21] =	ssyncadd.s32 $0xFFFFFF80  }
0xa6: {  	[spmem:s1] =	stream.indirect.scatter.add.f32 [tilespmem:s20], [sflag:$0x1], $0x1, s10, s23, $0xb8;
	[tilespmem:$0x2870] =	vst v63  }
0xa7: {  	_ =	swait.ge [sflag:s21], $0x80  }
0xa8: {  	[sflag:s21] =	ssyncset.done $0x0  }
0xa9: {  	[sflag:s21] =	ssyncadd.s32 $0xFFFFFF80  }
.LBB2_9:
0xaa: {  	s8 =	sadd.s32 $0x20, s8  }
0xab: {  	p1 =	sne.s32 s8, $0x0  }
.Ltmp4:
0xac: {  	_ = 	snop;
	(pc) =	sbr.rel @!p1 .LBB2_10-.Ltmp4, $2  }
0xad: {  	_ =	sdelay $0x2  }
0xae: {  	s18 =	sadd.s32 $0x2000, s18  }
.LBB2_4:
0xaf: {  	s10 =	sadd.s32 s8, s19  }
0xb0: {  	s11 =	sadd.s32 $0xE0, s10  }
0xb1: {  	p1 =	sgt.u32 s11, $0xC2  }
.Ltmp5:
0xb2: {  	_ = 	snop;
	(pc) =	sbr.rel @!p1 .LBB2_5-.Ltmp5, $1  }
0xb3: {  	_ =	sdelay $0x3  }
0xb4: {  	p1 =	sne.s32 s10, $0xFFFFFFE3  }
.Ltmp6:
0xb5: {  	_ = 	snop;
	(pc) =	sbr.rel @p1 .LBB2_9-.Ltmp6, $1  }
0xb6: {  	_ =	sdelay $0x3  }
.Ltmp7:
0xb7: {  	s13 =	simm.s32 $0x1870;
	(pc) =	sbr.rel .LBB2_8-.Ltmp7, $4  }
0xb8: {  	[tilespmem:s13], [sflag:$0x1] =	stream.linear.gather [hbm4b:s4+s2], $0x280, $0x38;
	[tilespmem:$0x2870] =	vst v63  }
0xb9: {  	_ =	swait.ge [sflag:s21], $0x280  }
0xba: {  	s10 =	simm.s32 $0x1A70;
	s11 =	simm.s32 $0x19F0;
	[sflag:s21] =	ssyncset.done $0x0  }
0xbb: {  	s12 =	simm.s32 $0x1970;
	s14 =	simm.s32 $0x18F0;
	[sflag:s21] =	ssyncadd.s32 $0xFFFFFD80  }
.LBB2_11:
0xbc: {  	_ =	sfence.sel $0x180000  }
0xbd: {  	[bflag:$0x0] =	sbarrier.arrive $0xFFFF  }
0xbe: {  	_ =	strace $0x90000047  }
0xbf: {  	s0 =	stileid.u32;
	[bflag:$0x2] =	sbarrier.arrive $0xFFFF  }
0xc0: {  	p0 =	sne.s32 s0, $0x0;
	s0 =	rddreg [dreg:$0x3]  }
0xc1: {  	s0 =	sadd.s32 @!p0 $0x100000, s0  }
0xc2: {  	[sflag:s0] =	ssyncadd.tile.s32 @!p0 $0x1;
	_ =	shalt  }
.Lfunc_end2:
_tile_overlayer_lowered:
.L_overlay_start_2:
0xc3: {  	(tag) =	ssettag $0x2  }
0xc4: {  	s0 =	rddreg [dreg:$0x0];
	s2 =	stileid.u32  }
0xc5: {  	s1 =	rddreg [dreg:$0x1];
	p0 =	sne.s32 s2, $0x0  }
0xc6: {  	s3 =	rddreg [dreg:$0x2];
	[bflag:$0x3] =	sbarrier.arrive $0xFFFF;
	s2 =	simm.s32 @!p0 $0x1C01  }
0xc7: {  	[timem:s3], [sflag:s2] =	dma.local @!p0 [hbm:s0], s1  }
0xc8: {  	s0 =	simm.s32 @!p0 $0x1  }
0xc9: {  	_ =	swait.ge @!p0 [sflag:s0], s1  }
0xca: {  	s1 =	ssub.s32 @!p0 $0x0, s1;
	[sflag:s0] =	ssyncset.done @!p0 $0x0  }
0xcb: {  	[sflag:s0] =	ssyncadd.s32 @!p0 s1  }
0xcc: {  	[bflag:$0x3] =	sbarrier.arrive $0xFFFF  }
0xcd: {  	_ =	shalt  }

</sc_bundles>
